<compile_context>
chip_gen: v7x
topology: tpu7x:2x2x1
jax: 0.10.2.dev20260603
libtpu: 0.0.44.dev20260713+nightly
codegen_flags: <defaults>
</compile_context>

<pallas_src>
import functools

import jax
import jax.numpy as jnp
from jax import lax
from jax.experimental import pallas as pl
from jax.experimental.pallas import tpu as pltpu
from jax.experimental.pallas import tpu_sc as plsc

D_MODEL = 64
SCALE = 8.0

NC, NS, LANES = 2, 16, 16
NW = NC * NS
XROWS, XCOLS = 4096, 200
B = XROWS * XCOLS
BPW = B // NW
C = 800
NCHUNK = BPW // C
JB = D_MODEL // LANES
RUNROLL = 4
NBUF = 2
LOOKAHEAD = 1

_mesh = plsc.VectorSubcoreMesh(core_axis_name="c", subcore_axis_name="s")


@functools.partial(
    pl.kernel,
    out_type=jax.ShapeDtypeStruct((B, D_MODEL), jnp.float32),
    mesh=_mesh,
    scratch_types=[
        pltpu.VMEM((NCHUNK, C), jnp.int32),
        [pltpu.VMEM((C, D_MODEL), jnp.float32)] * NBUF,
        [pltpu.SemaphoreType.DMA] * NBUF,
        [pltpu.SemaphoreType.DMA] * NBUF,
    ],
    compiler_params=pltpu.CompilerParams(use_tc_tiling_on_sc=False),
)
def _embed_sc(x_hbm, tab_hbm, out_hbm, idx_v, rows, gsems, osems):
    wid = lax.axis_index("s") * NC + lax.axis_index("c")
    base = wid * BPW

    pltpu.sync_copy(x_hbm.at[pl.ds(wid * NCHUNK, NCHUNK)], idx_v)

    def issue_gather(j, b):
        pltpu.async_copy(tab_hbm.at[idx_v.at[j]], rows[b], gsems[b])

    def wait_gather(b):
        pltpu.make_async_copy(tab_hbm.at[idx_v.at[0]], rows[b], gsems[b]).wait()

    def wait_out(b):
        pltpu.make_async_copy(rows[b], out_hbm.at[pl.ds(0, C)], osems[b]).wait()

    def consume(j, b):
        wait_gather(b)

        def scale_rows(i, carry):
            for u in range(RUNROLL):
                for k in range(JB):
                    sl = pl.ds(k * LANES, LANES)
                    v = rows[b][i * RUNROLL + u, sl] * SCALE
                    rows[b][i * RUNROLL + u, sl] = v
            return carry

        lax.fori_loop(0, C // RUNROLL, scale_rows, 0)
        pltpu.async_copy(rows[b], out_hbm.at[pl.ds(base + j * C, C)], osems[b])

    def visit(j, b, drain_out):
        bf = (b + LOOKAHEAD) % NBUF
        if drain_out:
            wait_out(bf)
        issue_gather(j + LOOKAHEAD, bf)
        consume(j, b)

    for b in range(LOOKAHEAD):
        issue_gather(b, b)
    for j in range(NBUF):
        visit(j, j, drain_out=(j >= NBUF - LOOKAHEAD))

    def steady(g, carry):
        for b in range(NBUF):
            visit(g * NBUF + b, b, drain_out=True)
        return carry

    lax.fori_loop(1, NCHUNK // NBUF - 1, steady, 0)

    for b in range(NBUF):
        j = NCHUNK - NBUF + b
        if b < NBUF - LOOKAHEAD:
            visit(j, b, drain_out=True)
        else:
            consume(j, b)
    for b in range(NBUF):
        wait_out(b)


def kernel(x, table):
    x_chunks = x.astype(jnp.int32).reshape(NW * NCHUNK, C)
    out_flat = _embed_sc(x_chunks, table)
    return out_flat.reshape(XROWS, XCOLS, D_MODEL)

# --- scband reference (transcript-rebuilt; emitter-appended) ---
"""Pipeline reference for scband-embedding-22454089024257 (READ-ONLY COPY).

The authoritative reference and input builder live on the scoring server;
editing this copy changes nothing except your own understanding.
"""

import jax, jax.numpy as jnp
import numpy as np
import math

VOCAB_SIZE = 1000000
D_MODEL = 64

def setup_inputs(seed: int = 0) -> dict:
    key = jax.random.key(seed)
    k_idx, k_tab = jax.random.split(key)
    x = jax.random.randint(k_idx, (4096, 200), 0, VOCAB_SIZE, dtype=jnp.int64)
    table = jax.random.normal(k_tab, (VOCAB_SIZE, D_MODEL), dtype=jnp.float32)
    return {"x": x, "table": table}

def reference(x, table):
    # Embedding lookup scaled by sqrt(d_model); dropout is identity in eval mode.
    emb = jnp.take(table, x, axis=0)
    return emb * math.sqrt(D_MODEL)

if __name__ == "__main__":
    import jax
    _d = setup_inputs()
    print(jax.jit(kernel)(*tuple(_d.values())))

</pallas_src>

<mosaic_0001>
#map = affine_map<(d0, d1) -> (0, 0)>
module attributes {stable_mosaic.version = 14 : i64} {
  func.func @_embed_sc(%arg0: i32, %arg1: i32, %arg2: memref<1024x800xi32, #tpu.memory_space<hbm>>, %arg3: memref<1000000x64xf32, #tpu.memory_space<hbm>>, %arg4: memref<819200x64xf32, #tpu.memory_space<hbm>>, %arg5: memref<32x800xi32, #tpu.memory_space<vmem>>, %arg6: memref<800x64xf32, #tpu.memory_space<vmem>>, %arg7: memref<800x64xf32, #tpu.memory_space<vmem>>, %arg8: memref<!tpu.dma_semaphore, #tpu.memory_space<semaphore_mem>>, %arg9: memref<!tpu.dma_semaphore, #tpu.memory_space<semaphore_mem>>, %arg10: memref<!tpu.dma_semaphore, #tpu.memory_space<semaphore_mem>>, %arg11: memref<!tpu.dma_semaphore, #tpu.memory_space<semaphore_mem>>) attributes {dimension_semantics = [#tpu.dimension_semantics<core_parallel>, #tpu.dimension_semantics<subcore_parallel>], iteration_bounds = array<i64: 2, 16>, scalar_prefetch = 0 : i64, scratch_operands = 7 : i64, tpu.core_type = #tpu.core_type<sc_vector_subcore>, window_params = [{transform_indices = #map}, {transform_indices = #map}, {transform_indices = #map}]} {
    %mul3A = arith.constant 2 : i32
    %mul3A_0 = arith.muli %arg1, %mul3A : i32
    %add3A = arith.addi %mul3A_0, %arg0 : i32
    %mul3A_1 = arith.constant 25600 : i32
    %mul3A_2 = arith.muli %add3A, %mul3A_1 : i32
    %mul3A_3 = arith.constant 32 : i32
    %mul3A_4 = arith.muli %add3A, %mul3A_3 : i32
    "tpu.region"() ({
      %run_scoped3A = tpu.sem_alloc : memref<!tpu.dma_semaphore, #tpu.memory_space<semaphore_mem>>
      %dma_start3A_136 = arith.constant 0 : i32
      %dma_start3A_137 = tpu.memref_slice %arg2[%mul3A_4, %dma_start3A_136] : memref<1024x800xi32, #tpu.memory_space<hbm>> -> memref<32x800xi32, #tpu.memory_space<hbm>>
      %dma_start3A_138 = arith.constant 0 : i32
      %dma_start3A_139 = tpu.memref_slice %arg2[%mul3A_4, %dma_start3A_138] : memref<1024x800xi32, #tpu.memory_space<hbm>> -> memref<32x800xi32, #tpu.memory_space<hbm>>
      tpu.enqueue_dma source(%dma_start3A_139 : memref<32x800xi32, #tpu.memory_space<hbm>>) target(%arg5 : memref<32x800xi32, #tpu.memory_space<vmem>>) target_semaphore(%run_scoped3A : memref<!tpu.dma_semaphore, #tpu.memory_space<semaphore_mem>>)
      %dma_wait3A_140 = arith.constant 0 : i32
      %dma_wait3A_141 = tpu.memref_slice %arg2[%mul3A_4, %dma_wait3A_140] : memref<1024x800xi32, #tpu.memory_space<hbm>> -> memref<32x800xi32, #tpu.memory_space<hbm>>
      %dma_wait3A_142 = arith.constant 0 : i32
      %dma_wait3A_143 = tpu.memref_slice %arg2[%mul3A_4, %dma_wait3A_142] : memref<1024x800xi32, #tpu.memory_space<hbm>> -> memref<32x800xi32, #tpu.memory_space<hbm>>
      tpu.wait_dma2 semaphore(%run_scoped3A : memref<!tpu.dma_semaphore, #tpu.memory_space<semaphore_mem>>) src(%dma_wait3A_143 : memref<32x800xi32, #tpu.memory_space<hbm>>) dst(%arg5 : memref<32x800xi32, #tpu.memory_space<vmem>>)
      tpu.yield
    }) : () -> ()
    %dma_start3A = arith.constant 0 : i32
    %dma_start3A_5 = arith.constant 0 : i32
    %dma_start3A_6 = tpu.memref_slice %arg5[%dma_start3A, %dma_start3A_5] : memref<32x800xi32, #tpu.memory_space<vmem>> -> memref<1x800xi32, #tpu.memory_space<vmem>>
    %dma_start3A_7 = tpu.memref_squeeze %dma_start3A_6 : memref<1x800xi32, #tpu.memory_space<vmem>> -> memref<800xi32, #tpu.memory_space<vmem>>
    %dma_start3A_8 = arith.constant 0 : i32
    %dma_start3A_9 = arith.constant 0 : i32
    %dma_start3A_10 = tpu.memref_slice %arg3[%dma_start3A_8, %dma_start3A_9] : memref<1000000x64xf32, #tpu.memory_space<hbm>> -> memref<1000000x64xf32, #tpu.memory_space<hbm>>
    tpu.enqueue_indirect_dma source(%dma_start3A_10 : memref<1000000x64xf32, #tpu.memory_space<hbm>>) target(%arg6 : memref<800x64xf32, #tpu.memory_space<vmem>>) offsets(%dma_start3A_7 : memref<800xi32, #tpu.memory_space<vmem>>) semaphore(%arg8 : memref<!tpu.dma_semaphore, #tpu.memory_space<semaphore_mem>>)
    %dma_start3A_11 = arith.constant 1 : i32
    %dma_start3A_12 = arith.constant 0 : i32
    %dma_start3A_13 = tpu.memref_slice %arg5[%dma_start3A_11, %dma_start3A_12] : memref<32x800xi32, #tpu.memory_space<vmem>> -> memref<1x800xi32, #tpu.memory_space<vmem>>
    %dma_start3A_14 = tpu.memref_squeeze %dma_start3A_13 : memref<1x800xi32, #tpu.memory_space<vmem>> -> memref<800xi32, #tpu.memory_space<vmem>>
    %dma_start3A_15 = arith.constant 0 : i32
    %dma_start3A_16 = arith.constant 0 : i32
    %dma_start3A_17 = tpu.memref_slice %arg3[%dma_start3A_15, %dma_start3A_16] : memref<1000000x64xf32, #tpu.memory_space<hbm>> -> memref<1000000x64xf32, #tpu.memory_space<hbm>>
    tpu.enqueue_indirect_dma source(%dma_start3A_17 : memref<1000000x64xf32, #tpu.memory_space<hbm>>) target(%arg7 : memref<800x64xf32, #tpu.memory_space<vmem>>) offsets(%dma_start3A_14 : memref<800xi32, #tpu.memory_space<vmem>>) semaphore(%arg9 : memref<!tpu.dma_semaphore, #tpu.memory_space<semaphore_mem>>)
    %dma_wait3A = arith.constant 0 : i32
    %dma_wait3A_18 = arith.constant 0 : i32
    %dma_wait3A_19 = tpu.memref_slice %arg5[%dma_wait3A, %dma_wait3A_18] : memref<32x800xi32, #tpu.memory_space<vmem>> -> memref<1x800xi32, #tpu.memory_space<vmem>>
    %dma_wait3A_20 = tpu.memref_squeeze %dma_wait3A_19 : memref<1x800xi32, #tpu.memory_space<vmem>> -> memref<800xi32, #tpu.memory_space<vmem>>
    %dma_wait3A_21 = arith.constant 0 : i32
    %dma_wait3A_22 = arith.constant 0 : i32
    %dma_wait3A_23 = tpu.memref_slice %arg3[%dma_wait3A_21, %dma_wait3A_22] : memref<1000000x64xf32, #tpu.memory_space<hbm>> -> memref<1000000x64xf32, #tpu.memory_space<hbm>>
    tpu.wait_indirect_dma semaphore(%arg8 : memref<!tpu.dma_semaphore, #tpu.memory_space<semaphore_mem>>) src(%dma_wait3A_23 : memref<1000000x64xf32, #tpu.memory_space<hbm>>) dst(%arg6 : memref<800x64xf32, #tpu.memory_space<vmem>>)
    %scan3A = arith.constant 0 : i32
    %scan3A_24 = arith.constant 0 : i32
    %scan3A_25 = arith.constant 200 : i32
    %scan3A_26 = arith.addi %scan3A_24, %scan3A_25 : i32
    %scan3A_27 = arith.constant 1 : i32
    scf.for %scan3A_136 = %scan3A_24 to %scan3A_26 step %scan3A_27  : i32 {
      %mul3A_137 = arith.constant 4 : i32
      %mul3A_138 = arith.muli %scan3A_136, %mul3A_137 : i32
      %add3A_139 = arith.constant 0 : i32
      %add3A_140 = arith.addi %mul3A_138, %add3A_139 : i32
      %get3A = arith.index_cast %add3A_140 : i32 to index
      %get3A_141 = arith.constant 0 : index
      %get3A_142 = tpu.vector_load %arg6[%get3A, %get3A_141] {strides = array<i32>} : memref<800x64xf32, #tpu.memory_space<vmem>>, vector<1x16xf32>,
      %get3A_143 = vector.shape_cast %get3A_142 : vector<1x16xf32> to vector<16xf32>
      %mul3A_144 = arith.constant 8.000000e+00 : f32
      %mul3A_145 = vector.broadcast %mul3A_144 : f32 to vector<16xf32>
      %mul3A_146 = arith.mulf %get3A_143, %mul3A_145 : vector<16xf32>
      %mul3A_147 = arith.constant 4 : i32
      %mul3A_148 = arith.muli %scan3A_136, %mul3A_147 : i32
      %add3A_149 = arith.constant 0 : i32
      %add3A_150 = arith.addi %mul3A_148, %add3A_149 : i32
      %swap3A = arith.index_cast %add3A_150 : i32 to index
      %swap3A_151 = arith.constant 0 : index
      %swap3A_152 = tpu.vector_load %arg6[%swap3A, %swap3A_151] {strides = array<i32>} : memref<800x64xf32, #tpu.memory_space<vmem>>, vector<1x16xf32>,
      %swap3A_153 = vector.shape_cast %swap3A_152 : vector<1x16xf32> to vector<16xf32>
      %swap3A_154 = vector.shape_cast %mul3A_146 : vector<16xf32> to vector<1x16xf32>
      tpu.vector_store %arg6[%swap3A, %swap3A_151], %swap3A_154 {strides = array<i32>} : memref<800x64xf32, #tpu.memory_space<vmem>>, vector<1x16xf32>,
      %mul3A_155 = arith.constant 4 : i32
      %mul3A_156 = arith.muli %scan3A_136, %mul3A_155 : i32
      %add3A_157 = arith.constant 0 : i32
      %add3A_158 = arith.addi %mul3A_156, %add3A_157 : i32
      %get3A_159 = arith.index_cast %add3A_158 : i32 to index
      %get3A_160 = arith.constant 16 : index
      %get3A_161 = tpu.vector_load %arg6[%get3A_159, %get3A_160] {strides = array<i32>} : memref<800x64xf32, #tpu.memory_space<vmem>>, vector<1x16xf32>,
      %get3A_162 = vector.shape_cast %get3A_161 : vector<1x16xf32> to vector<16xf32>
      %mul3A_163 = arith.constant 8.000000e+00 : f32
      %mul3A_164 = vector.broadcast %mul3A_163 : f32 to vector<16xf32>
      %mul3A_165 = arith.mulf %get3A_162, %mul3A_164 : vector<16xf32>
      %mul3A_166 = arith.constant 4 : i32
      %mul3A_167 = arith.muli %scan3A_136, %mul3A_166 : i32
      %add3A_168 = arith.constant 0 : i32
      %add3A_169 = arith.addi %mul3A_167, %add3A_168 : i32
      %swap3A_170 = arith.index_cast %add3A_169 : i32 to index
      %swap3A_171 = arith.constant 16 : index
      %swap3A_172 = tpu.vector_load %arg6[%swap3A_170, %swap3A_171] {strides = array<i32>} : memref<800x64xf32, #tpu.memory_space<vmem>>, vector<1x16xf32>,
      %swap3A_173 = vector.shape_cast %swap3A_172 : vector<1x16xf32> to vector<16xf32>
      %swap3A_174 = vector.shape_cast %mul3A_165 : vector<16xf32> to vector<1x16xf32>
      tpu.vector_store %arg6[%swap3A_170, %swap3A_171], %swap3A_174 {strides = array<i32>} : memref<800x64xf32, #tpu.memory_space<vmem>>, vector<1x16xf32>,
      %mul3A_175 = arith.constant 4 : i32
      %mul3A_176 = arith.muli %scan3A_136, %mul3A_175 : i32
      %add3A_177 = arith.constant 0 : i32
      %add3A_178 = arith.addi %mul3A_176, %add3A_177 : i32
      %get3A_179 = arith.index_cast %add3A_178 : i32 to index
      %get3A_180 = arith.constant 32 : index
      %get3A_181 = tpu.vector_load %arg6[%get3A_179, %get3A_180] {strides = array<i32>} : memref<800x64xf32, #tpu.memory_space<vmem>>, vector<1x16xf32>,
      %get3A_182 = vector.shape_cast %get3A_181 : vector<1x16xf32> to vector<16xf32>
      %mul3A_183 = arith.constant 8.000000e+00 : f32
      %mul3A_184 = vector.broadcast %mul3A_183 : f32 to vector<16xf32>
      %mul3A_185 = arith.mulf %get3A_182, %mul3A_184 : vector<16xf32>
      %mul3A_186 = arith.constant 4 : i32
      %mul3A_187 = arith.muli %scan3A_136, %mul3A_186 : i32
      %add3A_188 = arith.constant 0 : i32
      %add3A_189 = arith.addi %mul3A_187, %add3A_188 : i32
      %swap3A_190 = arith.index_cast %add3A_189 : i32 to index
      %swap3A_191 = arith.constant 32 : index
      %swap3A_192 = tpu.vector_load %arg6[%swap3A_190, %swap3A_191] {strides = array<i32>} : memref<800x64xf32, #tpu.memory_space<vmem>>, vector<1x16xf32>,
      %swap3A_193 = vector.shape_cast %swap3A_192 : vector<1x16xf32> to vector<16xf32>
      %swap3A_194 = vector.shape_cast %mul3A_185 : vector<16xf32> to vector<1x16xf32>
      tpu.vector_store %arg6[%swap3A_190, %swap3A_191], %swap3A_194 {strides = array<i32>} : memref<800x64xf32, #tpu.memory_space<vmem>>, vector<1x16xf32>,
      %mul3A_195 = arith.constant 4 : i32
      %mul3A_196 = arith.muli %scan3A_136, %mul3A_195 : i32
      %add3A_197 = arith.constant 0 : i32
      %add3A_198 = arith.addi %mul3A_196, %add3A_197 : i32
      %get3A_199 = arith.index_cast %add3A_198 : i32 to index
      %get3A_200 = arith.constant 48 : index
      %get3A_201 = tpu.vector_load %arg6[%get3A_199, %get3A_200] {strides = array<i32>} : memref<800x64xf32, #tpu.memory_space<vmem>>, vector<1x16xf32>,
      %get3A_202 = vector.shape_cast %get3A_201 : vector<1x16xf32> to vector<16xf32>
      %mul3A_203 = arith.constant 8.000000e+00 : f32
      %mul3A_204 = vector.broadcast %mul3A_203 : f32 to vector<16xf32>
      %mul3A_205 = arith.mulf %get3A_202, %mul3A_204 : vector<16xf32>
      %mul3A_206 = arith.constant 4 : i32
      %mul3A_207 = arith.muli %scan3A_136, %mul3A_206 : i32
      %add3A_208 = arith.constant 0 : i32
      %add3A_209 = arith.addi %mul3A_207, %add3A_208 : i32
      %swap3A_210 = arith.index_cast %add3A_209 : i32 to index
      %swap3A_211 = arith.constant 48 : index
      %swap3A_212 = tpu.vector_load %arg6[%swap3A_210, %swap3A_211] {strides = array<i32>} : memref<800x64xf32, #tpu.memory_space<vmem>>, vector<1x16xf32>,
      %swap3A_213 = vector.shape_cast %swap3A_212 : vector<1x16xf32> to vector<16xf32>
      %swap3A_214 = vector.shape_cast %mul3A_205 : vector<16xf32> to vector<1x16xf32>
      tpu.vector_store %arg6[%swap3A_210, %swap3A_211], %swap3A_214 {strides = array<i32>} : memref<800x64xf32, #tpu.memory_space<vmem>>, vector<1x16xf32>,
      %mul3A_215 = arith.constant 4 : i32
      %mul3A_216 = arith.muli %scan3A_136, %mul3A_215 : i32
      %add3A_217 = arith.constant 1 : i32
      %add3A_218 = arith.addi %mul3A_216, %add3A_217 : i32
      %get3A_219 = arith.index_cast %add3A_218 : i32 to index
      %get3A_220 = arith.constant 0 : index
      %get3A_221 = tpu.vector_load %arg6[%get3A_219, %get3A_220] {strides = array<i32>} : memref<800x64xf32, #tpu.memory_space<vmem>>, vector<1x16xf32>,
      %get3A_222 = vector.shape_cast %get3A_221 : vector<1x16xf32> to vector<16xf32>
      %mul3A_223 = arith.constant 8.000000e+00 : f32
      %mul3A_224 = vector.broadcast %mul3A_223 : f32 to vector<16xf32>
      %mul3A_225 = arith.mulf %get3A_222, %mul3A_224 : vector<16xf32>
      %mul3A_226 = arith.constant 4 : i32
      %mul3A_227 = arith.muli %scan3A_136, %mul3A_226 : i32
      %add3A_228 = arith.constant 1 : i32
      %add3A_229 = arith.addi %mul3A_227, %add3A_228 : i32
      %swap3A_230 = arith.index_cast %add3A_229 : i32 to index
      %swap3A_231 = arith.constant 0 : index
      %swap3A_232 = tpu.vector_load %arg6[%swap3A_230, %swap3A_231] {strides = array<i32>} : memref<800x64xf32, #tpu.memory_space<vmem>>, vector<1x16xf32>,
      %swap3A_233 = vector.shape_cast %swap3A_232 : vector<1x16xf32> to vector<16xf32>
      %swap3A_234 = vector.shape_cast %mul3A_225 : vector<16xf32> to vector<1x16xf32>
      tpu.vector_store %arg6[%swap3A_230, %swap3A_231], %swap3A_234 {strides = array<i32>} : memref<800x64xf32, #tpu.memory_space<vmem>>, vector<1x16xf32>,
      %mul3A_235 = arith.constant 4 : i32
      %mul3A_236 = arith.muli %scan3A_136, %mul3A_235 : i32
      %add3A_237 = arith.constant 1 : i32
      %add3A_238 = arith.addi %mul3A_236, %add3A_237 : i32
      %get3A_239 = arith.index_cast %add3A_238 : i32 to index
      %get3A_240 = arith.constant 16 : index
      %get3A_241 = tpu.vector_load %arg6[%get3A_239, %get3A_240] {strides = array<i32>} : memref<800x64xf32, #tpu.memory_space<vmem>>, vector<1x16xf32>,
      %get3A_242 = vector.shape_cast %get3A_241 : vector<1x16xf32> to vector<16xf32>
      %mul3A_243 = arith.constant 8.000000e+00 : f32
      %mul3A_244 = vector.broadcast %mul3A_243 : f32 to vector<16xf32>
      %mul3A_245 = arith.mulf %get3A_242, %mul3A_244 : vector<16xf32>
      %mul3A_246 = arith.constant 4 : i32
      %mul3A_247 = arith.muli %scan3A_136, %mul3A_246 : i32
      %add3A_248 = arith.constant 1 : i32
      %add3A_249 = arith.addi %mul3A_247, %add3A_248 : i32
      %swap3A_250 = arith.index_cast %add3A_249 : i32 to index
      %swap3A_251 = arith.constant 16 : index
      %swap3A_252 = tpu.vector_load %arg6[%swap3A_250, %swap3A_251] {strides = array<i32>} : memref<800x64xf32, #tpu.memory_space<vmem>>, vector<1x16xf32>,
      %swap3A_253 = vector.shape_cast %swap3A_252 : vector<1x16xf32> to vector<16xf32>
      %swap3A_254 = vector.shape_cast %mul3A_245 : vector<16xf32> to vector<1x16xf32>
      tpu.vector_store %arg6[%swap3A_250, %swap3A_251], %swap3A_254 {strides = array<i32>} : memref<800x64xf32, #tpu.memory_space<vmem>>, vector<1x16xf32>,
      %mul3A_255 = arith.constant 4 : i32
      %mul3A_256 = arith.muli %scan3A_136, %mul3A_255 : i32
      %add3A_257 = arith.constant 1 : i32
      %add3A_258 = arith.addi %mul3A_256, %add3A_257 : i32
      %get3A_259 = arith.index_cast %add3A_258 : i32 to index
      %get3A_260 = arith.constant 32 : index
      %get3A_261 = tpu.vector_load %arg6[%get3A_259, %get3A_260] {strides = array<i32>} : memref<800x64xf32, #tpu.memory_space<vmem>>, vector<1x16xf32>,
      %get3A_262 = vector.shape_cast %get3A_261 : vector<1x16xf32> to vector<16xf32>
      %mul3A_263 = arith.constant 8.000000e+00 : f32
      %mul3A_264 = vector.broadcast %mul3A_263 : f32 to vector<16xf32>
      %mul3A_265 = arith.mulf %get3A_262, %mul3A_264 : vector<16xf32>
      %mul3A_266 = arith.constant 4 : i32
      %mul3A_267 = arith.muli %scan3A_136, %mul3A_266 : i32
      %add3A_268 = arith.constant 1 : i32
      %add3A_269 = arith.addi %mul3A_267, %add3A_268 : i32
      %swap3A_270 = arith.index_cast %add3A_269 : i32 to index
      %swap3A_271 = arith.constant 32 : index
      %swap3A_272 = tpu.vector_load %arg6[%swap3A_270, %swap3A_271] {strides = array<i32>} : memref<800x64xf32, #tpu.memory_space<vmem>>, vector<1x16xf32>,
      %swap3A_273 = vector.shape_cast %swap3A_272 : vector<1x16xf32> to vector<16xf32>
      %swap3A_274 = vector.shape_cast %mul3A_265 : vector<16xf32> to vector<1x16xf32>
      tpu.vector_store %arg6[%swap3A_270, %swap3A_271], %swap3A_274 {strides = array<i32>} : memref<800x64xf32, #tpu.memory_space<vmem>>, vector<1x16xf32>,
      %mul3A_275 = arith.constant 4 : i32
      %mul3A_276 = arith.muli %scan3A_136, %mul3A_275 : i32
      %add3A_277 = arith.constant 1 : i32
      %add3A_278 = arith.addi %mul3A_276, %add3A_277 : i32
      %get3A_279 = arith.index_cast %add3A_278 : i32 to index
      %get3A_280 = arith.constant 48 : index
      %get3A_281 = tpu.vector_load %arg6[%get3A_279, %get3A_280] {strides = array<i32>} : memref<800x64xf32, #tpu.memory_space<vmem>>, vector<1x16xf32>,
      %get3A_282 = vector.shape_cast %get3A_281 : vector<1x16xf32> to vector<16xf32>
      %mul3A_283 = arith.constant 8.000000e+00 : f32
      %mul3A_284 = vector.broadcast %mul3A_283 : f32 to vector<16xf32>
      %mul3A_285 = arith.mulf %get3A_282, %mul3A_284 : vector<16xf32>
      %mul3A_286 = arith.constant 4 : i32
      %mul3A_287 = arith.muli %scan3A_136, %mul3A_286 : i32
      %add3A_288 = arith.constant 1 : i32
      %add3A_289 = arith.addi %mul3A_287, %add3A_288 : i32
      %swap3A_290 = arith.index_cast %add3A_289 : i32 to index
      %swap3A_291 = arith.constant 48 : index
      %swap3A_292 = tpu.vector_load %arg6[%swap3A_290, %swap3A_291] {strides = array<i32>} : memref<800x64xf32, #tpu.memory_space<vmem>>, vector<1x16xf32>,
      %swap3A_293 = vector.shape_cast %swap3A_292 : vector<1x16xf32> to vector<16xf32>
      %swap3A_294 = vector.shape_cast %mul3A_285 : vector<16xf32> to vector<1x16xf32>
      tpu.vector_store %arg6[%swap3A_290, %swap3A_291], %swap3A_294 {strides = array<i32>} : memref<800x64xf32, #tpu.memory_space<vmem>>, vector<1x16xf32>,
      %mul3A_295 = arith.constant 4 : i32
      %mul3A_296 = arith.muli %scan3A_136, %mul3A_295 : i32
      %add3A_297 = arith.constant 2 : i32
      %add3A_298 = arith.addi %mul3A_296, %add3A_297 : i32
      %get3A_299 = arith.index_cast %add3A_298 : i32 to index
      %get3A_300 = arith.constant 0 : index
      %get3A_301 = tpu.vector_load %arg6[%get3A_299, %get3A_300] {strides = array<i32>} : memref<800x64xf32, #tpu.memory_space<vmem>>, vector<1x16xf32>,
      %get3A_302 = vector.shape_cast %get3A_301 : vector<1x16xf32> to vector<16xf32>
      %mul3A_303 = arith.constant 8.000000e+00 : f32
      %mul3A_304 = vector.broadcast %mul3A_303 : f32 to vector<16xf32>
      %mul3A_305 = arith.mulf %get3A_302, %mul3A_304 : vector<16xf32>
      %mul3A_306 = arith.constant 4 : i32
      %mul3A_307 = arith.muli %scan3A_136, %mul3A_306 : i32
      %add3A_308 = arith.constant 2 : i32
      %add3A_309 = arith.addi %mul3A_307, %add3A_308 : i32
      %swap3A_310 = arith.index_cast %add3A_309 : i32 to index
      %swap3A_311 = arith.constant 0 : index
      %swap3A_312 = tpu.vector_load %arg6[%swap3A_310, %swap3A_311] {strides = array<i32>} : memref<800x64xf32, #tpu.memory_space<vmem>>, vector<1x16xf32>,
      %swap3A_313 = vector.shape_cast %swap3A_312 : vector<1x16xf32> to vector<16xf32>
      %swap3A_314 = vector.shape_cast %mul3A_305 : vector<16xf32> to vector<1x16xf32>
      tpu.vector_store %arg6[%swap3A_310, %swap3A_311], %swap3A_314 {strides = array<i32>} : memref<800x64xf32, #tpu.memory_space<vmem>>, vector<1x16xf32>,
      %mul3A_315 = arith.constant 4 : i32
      %mul3A_316 = arith.muli %scan3A_136, %mul3A_315 : i32
      %add3A_317 = arith.constant 2 : i32
      %add3A_318 = arith.addi %mul3A_316, %add3A_317 : i32
      %get3A_319 = arith.index_cast %add3A_318 : i32 to index
      %get3A_320 = arith.constant 16 : index
      %get3A_321 = tpu.vector_load %arg6[%get3A_319, %get3A_320] {strides = array<i32>} : memref<800x64xf32, #tpu.memory_space<vmem>>, vector<1x16xf32>,
      %get3A_322 = vector.shape_cast %get3A_321 : vector<1x16xf32> to vector<16xf32>
      %mul3A_323 = arith.constant 8.000000e+00 : f32
      %mul3A_324 = vector.broadcast %mul3A_323 : f32 to vector<16xf32>
      %mul3A_325 = arith.mulf %get3A_322, %mul3A_324 : vector<16xf32>
      %mul3A_326 = arith.constant 4 : i32
      %mul3A_327 = arith.muli %scan3A_136, %mul3A_326 : i32
      %add3A_328 = arith.constant 2 : i32
      %add3A_329 = arith.addi %mul3A_327, %add3A_328 : i32
      %swap3A_330 = arith.index_cast %add3A_329 : i32 to index
      %swap3A_331 = arith.constant 16 : index
      %swap3A_332 = tpu.vector_load %arg6[%swap3A_330, %swap3A_331] {strides = array<i32>} : memref<800x64xf32, #tpu.memory_space<vmem>>, vector<1x16xf32>,
      %swap3A_333 = vector.shape_cast %swap3A_332 : vector<1x16xf32> to vector<16xf32>
      %swap3A_334 = vector.shape_cast %mul3A_325 : vector<16xf32> to vector<1x16xf32>
      tpu.vector_store %arg6[%swap3A_330, %swap3A_331], %swap3A_334 {strides = array<i32>} : memref<800x64xf32, #tpu.memory_space<vmem>>, vector<1x16xf32>,
      %mul3A_335 = arith.constant 4 : i32
      %mul3A_336 = arith.muli %scan3A_136, %mul3A_335 : i32
      %add3A_337 = arith.constant 2 : i32
      %add3A_338 = arith.addi %mul3A_336, %add3A_337 : i32
      %get3A_339 = arith.index_cast %add3A_338 : i32 to index
      %get3A_340 = arith.constant 32 : index
      %get3A_341 = tpu.vector_load %arg6[%get3A_339, %get3A_340] {strides = array<i32>} : memref<800x64xf32, #tpu.memory_space<vmem>>, vector<1x16xf32>,
      %get3A_342 = vector.shape_cast %get3A_341 : vector<1x16xf32> to vector<16xf32>
      %mul3A_343 = arith.constant 8.000000e+00 : f32
      %mul3A_344 = vector.broadcast %mul3A_343 : f32 to vector<16xf32>
      %mul3A_345 = arith.mulf %get3A_342, %mul3A_344 : vector<16xf32>
      %mul3A_346 = arith.constant 4 : i32
      %mul3A_347 = arith.muli %scan3A_136, %mul3A_346 : i32
      %add3A_348 = arith.constant 2 : i32
      %add3A_349 = arith.addi %mul3A_347, %add3A_348 : i32
      %swap3A_350 = arith.index_cast %add3A_349 : i32 to index
      %swap3A_351 = arith.constant 32 : index
      %swap3A_352 = tpu.vector_load %arg6[%swap3A_350, %swap3A_351] {strides = array<i32>} : memref<800x64xf32, #tpu.memory_space<vmem>>, vector<1x16xf32>,
      %swap3A_353 = vector.shape_cast %swap3A_352 : vector<1x16xf32> to vector<16xf32>
      %swap3A_354 = vector.shape_cast %mul3A_345 : vector<16xf32> to vector<1x16xf32>
      tpu.vector_store %arg6[%swap3A_350, %swap3A_351], %swap3A_354 {strides = array<i32>} : memref<800x64xf32, #tpu.memory_space<vmem>>, vector<1x16xf32>,
      %mul3A_355 = arith.constant 4 : i32
      %mul3A_356 = arith.muli %scan3A_136, %mul3A_355 : i32
      %add3A_357 = arith.constant 2 : i32
      %add3A_358 = arith.addi %mul3A_356, %add3A_357 : i32
      %get3A_359 = arith.index_cast %add3A_358 : i32 to index
      %get3A_360 = arith.constant 48 : index
      %get3A_361 = tpu.vector_load %arg6[%get3A_359, %get3A_360] {strides = array<i32>} : memref<800x64xf32, #tpu.memory_space<vmem>>, vector<1x16xf32>,
      %get3A_362 = vector.shape_cast %get3A_361 : vector<1x16xf32> to vector<16xf32>
      %mul3A_363 = arith.constant 8.000000e+00 : f32
      %mul3A_364 = vector.broadcast %mul3A_363 : f32 to vector<16xf32>
      %mul3A_365 = arith.mulf %get3A_362, %mul3A_364 : vector<16xf32>
      %mul3A_366 = arith.constant 4 : i32
      %mul3A_367 = arith.muli %scan3A_136, %mul3A_366 : i32
      %add3A_368 = arith.constant 2 : i32
      %add3A_369 = arith.addi %mul3A_367, %add3A_368 : i32
      %swap3A_370 = arith.index_cast %add3A_369 : i32 to index
      %swap3A_371 = arith.constant 48 : index
      %swap3A_372 = tpu.vector_load %arg6[%swap3A_370, %swap3A_371] {strides = array<i32>} : memref<800x64xf32, #tpu.memory_space<vmem>>, vector<1x16xf32>,
      %swap3A_373 = vector.shape_cast %swap3A_372 : vector<1x16xf32> to vector<16xf32>
      %swap3A_374 = vector.shape_cast %mul3A_365 : vector<16xf32> to vector<1x16xf32>
      tpu.vector_store %arg6[%swap3A_370, %swap3A_371], %swap3A_374 {strides = array<i32>} : memref<800x64xf32, #tpu.memory_space<vmem>>, vector<1x16xf32>,
      %mul3A_375 = arith.constant 4 : i32
      %mul3A_376 = arith.muli %scan3A_136, %mul3A_375 : i32
      %add3A_377 = arith.constant 3 : i32
      %add3A_378 = arith.addi %mul3A_376, %add3A_377 : i32
      %get3A_379 = arith.index_cast %add3A_378 : i32 to index
      %get3A_380 = arith.constant 0 : index
      %get3A_381 = tpu.vector_load %arg6[%get3A_379, %get3A_380] {strides = array<i32>} : memref<800x64xf32, #tpu.memory_space<vmem>>, vector<1x16xf32>,
      %get3A_382 = vector.shape_cast %get3A_381 : vector<1x16xf32> to vector<16xf32>
      %mul3A_383 = arith.constant 8.000000e+00 : f32
      %mul3A_384 = vector.broadcast %mul3A_383 : f32 to vector<16xf32>
      %mul3A_385 = arith.mulf %get3A_382, %mul3A_384 : vector<16xf32>
      %mul3A_386 = arith.constant 4 : i32
      %mul3A_387 = arith.muli %scan3A_136, %mul3A_386 : i32
      %add3A_388 = arith.constant 3 : i32
      %add3A_389 = arith.addi %mul3A_387, %add3A_388 : i32
      %swap3A_390 = arith.index_cast %add3A_389 : i32 to index
      %swap3A_391 = arith.constant 0 : index
      %swap3A_392 = tpu.vector_load %arg6[%swap3A_390, %swap3A_391] {strides = array<i32>} : memref<800x64xf32, #tpu.memory_space<vmem>>, vector<1x16xf32>,
      %swap3A_393 = vector.shape_cast %swap3A_392 : vector<1x16xf32> to vector<16xf32>
      %swap3A_394 = vector.shape_cast %mul3A_385 : vector<16xf32> to vector<1x16xf32>
      tpu.vector_store %arg6[%swap3A_390, %swap3A_391], %swap3A_394 {strides = array<i32>} : memref<800x64xf32, #tpu.memory_space<vmem>>, vector<1x16xf32>,
      %mul3A_395 = arith.constant 4 : i32
      %mul3A_396 = arith.muli %scan3A_136, %mul3A_395 : i32
      %add3A_397 = arith.constant 3 : i32
      %add3A_398 = arith.addi %mul3A_396, %add3A_397 : i32
      %get3A_399 = arith.index_cast %add3A_398 : i32 to index
      %get3A_400 = arith.constant 16 : index
      %get3A_401 = tpu.vector_load %arg6[%get3A_399, %get3A_400] {strides = array<i32>} : memref<800x64xf32, #tpu.memory_space<vmem>>, vector<1x16xf32>,
      %get3A_402 = vector.shape_cast %get3A_401 : vector<1x16xf32> to vector<16xf32>
      %mul3A_403 = arith.constant 8.000000e+00 : f32
      %mul3A_404 = vector.broadcast %mul3A_403 : f32 to vector<16xf32>
      %mul3A_405 = arith.mulf %get3A_402, %mul3A_404 : vector<16xf32>
      %mul3A_406 = arith.constant 4 : i32
      %mul3A_407 = arith.muli %scan3A_136, %mul3A_406 : i32
      %add3A_408 = arith.constant 3 : i32
      %add3A_409 = arith.addi %mul3A_407, %add3A_408 : i32
      %swap3A_410 = arith.index_cast %add3A_409 : i32 to index
      %swap3A_411 = arith.constant 16 : index
      %swap3A_412 = tpu.vector_load %arg6[%swap3A_410, %swap3A_411] {strides = array<i32>} : memref<800x64xf32, #tpu.memory_space<vmem>>, vector<1x16xf32>,
      %swap3A_413 = vector.shape_cast %swap3A_412 : vector<1x16xf32> to vector<16xf32>
      %swap3A_414 = vector.shape_cast %mul3A_405 : vector<16xf32> to vector<1x16xf32>
      tpu.vector_store %arg6[%swap3A_410, %swap3A_411], %swap3A_414 {strides = array<i32>} : memref<800x64xf32, #tpu.memory_space<vmem>>, vector<1x16xf32>,
      %mul3A_415 = arith.constant 4 : i32
      %mul3A_416 = arith.muli %scan3A_136, %mul3A_415 : i32
      %add3A_417 = arith.constant 3 : i32
      %add3A_418 = arith.addi %mul3A_416, %add3A_417 : i32
      %get3A_419 = arith.index_cast %add3A_418 : i32 to index
      %get3A_420 = arith.constant 32 : index
      %get3A_421 = tpu.vector_load %arg6[%get3A_419, %get3A_420] {strides = array<i32>} : memref<800x64xf32, #tpu.memory_space<vmem>>, vector<1x16xf32>,
      %get3A_422 = vector.shape_cast %get3A_421 : vector<1x16xf32> to vector<16xf32>
      %mul3A_423 = arith.constant 8.000000e+00 : f32
      %mul3A_424 = vector.broadcast %mul3A_423 : f32 to vector<16xf32>
      %mul3A_425 = arith.mulf %get3A_422, %mul3A_424 : vector<16xf32>
      %mul3A_426 = arith.constant 4 : i32
      %mul3A_427 = arith.muli %scan3A_136, %mul3A_426 : i32
      %add3A_428 = arith.constant 3 : i32
      %add3A_429 = arith.addi %mul3A_427, %add3A_428 : i32
      %swap3A_430 = arith.index_cast %add3A_429 : i32 to index
      %swap3A_431 = arith.constant 32 : index
      %swap3A_432 = tpu.vector_load %arg6[%swap3A_430, %swap3A_431] {strides = array<i32>} : memref<800x64xf32, #tpu.memory_space<vmem>>, vector<1x16xf32>,
      %swap3A_433 = vector.shape_cast %swap3A_432 : vector<1x16xf32> to vector<16xf32>
      %swap3A_434 = vector.shape_cast %mul3A_425 : vector<16xf32> to vector<1x16xf32>
      tpu.vector_store %arg6[%swap3A_430, %swap3A_431], %swap3A_434 {strides = array<i32>} : memref<800x64xf32, #tpu.memory_space<vmem>>, vector<1x16xf32>,
      %mul3A_435 = arith.constant 4 : i32
      %mul3A_436 = arith.muli %scan3A_136, %mul3A_435 : i32
      %add3A_437 = arith.constant 3 : i32
      %add3A_438 = arith.addi %mul3A_436, %add3A_437 : i32
      %get3A_439 = arith.index_cast %add3A_438 : i32 to index
      %get3A_440 = arith.constant 48 : index
      %get3A_441 = tpu.vector_load %arg6[%get3A_439, %get3A_440] {strides = array<i32>} : memref<800x64xf32, #tpu.memory_space<vmem>>, vector<1x16xf32>,
      %get3A_442 = vector.shape_cast %get3A_441 : vector<1x16xf32> to vector<16xf32>
      %mul3A_443 = arith.constant 8.000000e+00 : f32
      %mul3A_444 = vector.broadcast %mul3A_443 : f32 to vector<16xf32>
      %mul3A_445 = arith.mulf %get3A_442, %mul3A_444 : vector<16xf32>
      %mul3A_446 = arith.constant 4 : i32
      %mul3A_447 = arith.muli %scan3A_136, %mul3A_446 : i32
      %add3A_448 = arith.constant 3 : i32
      %add3A_449 = arith.addi %mul3A_447, %add3A_448 : i32
      %swap3A_450 = arith.index_cast %add3A_449 : i32 to index
      %swap3A_451 = arith.constant 48 : index
      %swap3A_452 = tpu.vector_load %arg6[%swap3A_450, %swap3A_451] {strides = array<i32>} : memref<800x64xf32, #tpu.memory_space<vmem>>, vector<1x16xf32>,
      %swap3A_453 = vector.shape_cast %swap3A_452 : vector<1x16xf32> to vector<16xf32>
      %swap3A_454 = vector.shape_cast %mul3A_445 : vector<16xf32> to vector<1x16xf32>
      tpu.vector_store %arg6[%swap3A_450, %swap3A_451], %swap3A_454 {strides = array<i32>} : memref<800x64xf32, #tpu.memory_space<vmem>>, vector<1x16xf32>,
    }
    %scan3A_28 = arith.constant 200 : i32
    %add3A_29 = arith.constant 0 : i32
    %add3A_30 = arith.addi %mul3A_2, %add3A_29 : i32
    %dma_start3A_31 = arith.constant 0 : i32
    %dma_start3A_32 = tpu.memref_slice %arg4[%add3A_30, %dma_start3A_31] : memref<819200x64xf32, #tpu.memory_space<hbm>> -> memref<800x64xf32, #tpu.memory_space<hbm>>
    %dma_start3A_33 = arith.constant 0 : i32
    %dma_start3A_34 = tpu.memref_slice %arg4[%add3A_30, %dma_start3A_33] : memref<819200x64xf32, #tpu.memory_space<hbm>> -> memref<800x64xf32, #tpu.memory_space<hbm>>
    tpu.enqueue_dma source(%arg6 : memref<800x64xf32, #tpu.memory_space<vmem>>) target(%dma_start3A_34 : memref<800x64xf32, #tpu.memory_space<hbm>>) target_semaphore(%arg10 : memref<!tpu.dma_semaphore, #tpu.memory_space<semaphore_mem>>)
    %dma_wait3A_35 = arith.constant 0 : i32
    %dma_wait3A_36 = arith.constant 0 : i32
    %dma_wait3A_37 = tpu.memref_slice %arg4[%dma_wait3A_35, %dma_wait3A_36] : memref<819200x64xf32, #tpu.memory_space<hbm>> -> memref<800x64xf32, #tpu.memory_space<hbm>>
    %dma_wait3A_38 = arith.constant 0 : i32
    %dma_wait3A_39 = arith.constant 0 : i32
    %dma_wait3A_40 = tpu.memref_slice %arg4[%dma_wait3A_38, %dma_wait3A_39] : memref<819200x64xf32, #tpu.memory_space<hbm>> -> memref<800x64xf32, #tpu.memory_space<hbm>>
    tpu.wait_dma2 semaphore(%arg10 : memref<!tpu.dma_semaphore, #tpu.memory_space<semaphore_mem>>) src(%arg6 : memref<800x64xf32, #tpu.memory_space<vmem>>) dst(%dma_wait3A_40 : memref<800x64xf32, #tpu.memory_space<hbm>>)
    %dma_start3A_41 = arith.constant 2 : i32
    %dma_start3A_42 = arith.constant 0 : i32
    %dma_start3A_43 = tpu.memref_slice %arg5[%dma_start3A_41, %dma_start3A_42] : memref<32x800xi32, #tpu.memory_space<vmem>> -> memref<1x800xi32, #tpu.memory_space<vmem>>
    %dma_start3A_44 = tpu.memref_squeeze %dma_start3A_43 : memref<1x800xi32, #tpu.memory_space<vmem>> -> memref<800xi32, #tpu.memory_space<vmem>>
    %dma_start3A_45 = arith.constant 0 : i32
    %dma_start3A_46 = arith.constant 0 : i32
    %dma_start3A_47 = tpu.memref_slice %arg3[%dma_start3A_45, %dma_start3A_46] : memref<1000000x64xf32, #tpu.memory_space<hbm>> -> memref<1000000x64xf32, #tpu.memory_space<hbm>>
    tpu.enqueue_indirect_dma source(%dma_start3A_47 : memref<1000000x64xf32, #tpu.memory_space<hbm>>) target(%arg6 : memref<800x64xf32, #tpu.memory_space<vmem>>) offsets(%dma_start3A_44 : memref<800xi32, #tpu.memory_space<vmem>>) semaphore(%arg8 : memref<!tpu.dma_semaphore, #tpu.memory_space<semaphore_mem>>)
    %dma_wait3A_48 = arith.constant 0 : i32
    %dma_wait3A_49 = arith.constant 0 : i32
    %dma_wait3A_50 = tpu.memref_slice %arg5[%dma_wait3A_48, %dma_wait3A_49] : memref<32x800xi32, #tpu.memory_space<vmem>> -> memref<1x800xi32, #tpu.memory_space<vmem>>
    %dma_wait3A_51 = tpu.memref_squeeze %dma_wait3A_50 : memref<1x800xi32, #tpu.memory_space<vmem>> -> memref<800xi32, #tpu.memory_space<vmem>>
    %dma_wait3A_52 = arith.constant 0 : i32
    %dma_wait3A_53 = arith.constant 0 : i32
    %dma_wait3A_54 = tpu.memref_slice %arg3[%dma_wait3A_52, %dma_wait3A_53] : memref<1000000x64xf32, #tpu.memory_space<hbm>> -> memref<1000000x64xf32, #tpu.memory_space<hbm>>
    tpu.wait_indirect_dma semaphore(%arg9 : memref<!tpu.dma_semaphore, #tpu.memory_space<semaphore_mem>>) src(%dma_wait3A_54 : memref<1000000x64xf32, #tpu.memory_space<hbm>>) dst(%arg7 : memref<800x64xf32, #tpu.memory_space<vmem>>)
    %scan3A_55 = arith.constant 0 : i32
    %scan3A_56 = arith.constant 0 : i32
    %scan3A_57 = arith.constant 200 : i32
    %scan3A_58 = arith.addi %scan3A_56, %scan3A_57 : i32
    %scan3A_59 = arith.constant 1 : i32
    scf.for %scan3A_136 = %scan3A_56 to %scan3A_58 step %scan3A_59  : i32 {
      %mul3A_137 = arith.constant 4 : i32
      %mul3A_138 = arith.muli %scan3A_136, %mul3A_137 : i32
      %add3A_139 = arith.constant 0 : i32
      %add3A_140 = arith.addi %mul3A_138, %add3A_139 : i32
      %get3A = arith.index_cast %add3A_140 : i32 to index
      %get3A_141 = arith.constant 0 : index
      %get3A_142 = tpu.vector_load %arg7[%get3A, %get3A_141] {strides = array<i32>} : memref<800x64xf32, #tpu.memory_space<vmem>>, vector<1x16xf32>,
      %get3A_143 = vector.shape_cast %get3A_142 : vector<1x16xf32> to vector<16xf32>
      %mul3A_144 = arith.constant 8.000000e+00 : f32
      %mul3A_145 = vector.broadcast %mul3A_144 : f32 to vector<16xf32>
      %mul3A_146 = arith.mulf %get3A_143, %mul3A_145 : vector<16xf32>
      %mul3A_147 = arith.constant 4 : i32
      %mul3A_148 = arith.muli %scan3A_136, %mul3A_147 : i32
      %add3A_149 = arith.constant 0 : i32
      %add3A_150 = arith.addi %mul3A_148, %add3A_149 : i32
      %swap3A = arith.index_cast %add3A_150 : i32 to index
      %swap3A_151 = arith.constant 0 : index
      %swap3A_152 = tpu.vector_load %arg7[%swap3A, %swap3A_151] {strides = array<i32>} : memref<800x64xf32, #tpu.memory_space<vmem>>, vector<1x16xf32>,
      %swap3A_153 = vector.shape_cast %swap3A_152 : vector<1x16xf32> to vector<16xf32>
      %swap3A_154 = vector.shape_cast %mul3A_146 : vector<16xf32> to vector<1x16xf32>
      tpu.vector_store %arg7[%swap3A, %swap3A_151], %swap3A_154 {strides = array<i32>} : memref<800x64xf32, #tpu.memory_space<vmem>>, vector<1x16xf32>,
      %mul3A_155 = arith.constant 4 : i32
      %mul3A_156 = arith.muli %scan3A_136, %mul3A_155 : i32
      %add3A_157 = arith.constant 0 : i32
      %add3A_158 = arith.addi %mul3A_156, %add3A_157 : i32
      %get3A_159 = arith.index_cast %add3A_158 : i32 to index
      %get3A_160 = arith.constant 16 : index
      %get3A_161 = tpu.vector_load %arg7[%get3A_159, %get3A_160] {strides = array<i32>} : memref<800x64xf32, #tpu.memory_space<vmem>>, vector<1x16xf32>,
      %get3A_162 = vector.shape_cast %get3A_161 : vector<1x16xf32> to vector<16xf32>
      %mul3A_163 = arith.constant 8.000000e+00 : f32
      %mul3A_164 = vector.broadcast %mul3A_163 : f32 to vector<16xf32>
      %mul3A_165 = arith.mulf %get3A_162, %mul3A_164 : vector<16xf32>
      %mul3A_166 = arith.constant 4 : i32
      %mul3A_167 = arith.muli %scan3A_136, %mul3A_166 : i32
      %add3A_168 = arith.constant 0 : i32
      %add3A_169 = arith.addi %mul3A_167, %add3A_168 : i32
      %swap3A_170 = arith.index_cast %add3A_169 : i32 to index
      %swap3A_171 = arith.constant 16 : index
      %swap3A_172 = tpu.vector_load %arg7[%swap3A_170, %swap3A_171] {strides = array<i32>} : memref<800x64xf32, #tpu.memory_space<vmem>>, vector<1x16xf32>,
      %swap3A_173 = vector.shape_cast %swap3A_172 : vector<1x16xf32> to vector<16xf32>
      %swap3A_174 = vector.shape_cast %mul3A_165 : vector<16xf32> to vector<1x16xf32>
      tpu.vector_store %arg7[%swap3A_170, %swap3A_171], %swap3A_174 {strides = array<i32>} : memref<800x64xf32, #tpu.memory_space<vmem>>, vector<1x16xf32>,
      %mul3A_175 = arith.constant 4 : i32
      %mul3A_176 = arith.muli %scan3A_136, %mul3A_175 : i32
      %add3A_177 = arith.constant 0 : i32
      %add3A_178 = arith.addi %mul3A_176, %add3A_177 : i32
      %get3A_179 = arith.index_cast %add3A_178 : i32 to index
      %get3A_180 = arith.constant 32 : index
      %get3A_181 = tpu.vector_load %arg7[%get3A_179, %get3A_180] {strides = array<i32>} : memref<800x64xf32, #tpu.memory_space<vmem>>, vector<1x16xf32>,
      %get3A_182 = vector.shape_cast %get3A_181 : vector<1x16xf32> to vector<16xf32>
      %mul3A_183 = arith.constant 8.000000e+00 : f32
      %mul3A_184 = vector.broadcast %mul3A_183 : f32 to vector<16xf32>
      %mul3A_185 = arith.mulf %get3A_182, %mul3A_184 : vector<16xf32>
      %mul3A_186 = arith.constant 4 : i32
      %mul3A_187 = arith.muli %scan3A_136, %mul3A_186 : i32
      %add3A_188 = arith.constant 0 : i32
      %add3A_189 = arith.addi %mul3A_187, %add3A_188 : i32
      %swap3A_190 = arith.index_cast %add3A_189 : i32 to index
      %swap3A_191 = arith.constant 32 : index
      %swap3A_192 = tpu.vector_load %arg7[%swap3A_190, %swap3A_191] {strides = array<i32>} : memref<800x64xf32, #tpu.memory_space<vmem>>, vector<1x16xf32>,
      %swap3A_193 = vector.shape_cast %swap3A_192 : vector<1x16xf32> to vector<16xf32>
      %swap3A_194 = vector.shape_cast %mul3A_185 : vector<16xf32> to vector<1x16xf32>
      tpu.vector_store %arg7[%swap3A_190, %swap3A_191], %swap3A_194 {strides = array<i32>} : memref<800x64xf32, #tpu.memory_space<vmem>>, vector<1x16xf32>,
      %mul3A_195 = arith.constant 4 : i32
      %mul3A_196 = arith.muli %scan3A_136, %mul3A_195 : i32
      %add3A_197 = arith.constant 0 : i32
      %add3A_198 = arith.addi %mul3A_196, %add3A_197 : i32
      %get3A_199 = arith.index_cast %add3A_198 : i32 to index
      %get3A_200 = arith.constant 48 : index
      %get3A_201 = tpu.vector_load %arg7[%get3A_199, %get3A_200] {strides = array<i32>} : memref<800x64xf32, #tpu.memory_space<vmem>>, vector<1x16xf32>,
      %get3A_202 = vector.shape_cast %get3A_201 : vector<1x16xf32> to vector<16xf32>
      %mul3A_203 = arith.constant 8.000000e+00 : f32
      %mul3A_204 = vector.broadcast %mul3A_203 : f32 to vector<16xf32>
      %mul3A_205 = arith.mulf %get3A_202, %mul3A_204 : vector<16xf32>
      %mul3A_206 = arith.constant 4 : i32
      %mul3A_207 = arith.muli %scan3A_136, %mul3A_206 : i32
      %add3A_208 = arith.constant 0 : i32
      %add3A_209 = arith.addi %mul3A_207, %add3A_208 : i32
      %swap3A_210 = arith.index_cast %add3A_209 : i32 to index
      %swap3A_211 = arith.constant 48 : index
      %swap3A_212 = tpu.vector_load %arg7[%swap3A_210, %swap3A_211] {strides = array<i32>} : memref<800x64xf32, #tpu.memory_space<vmem>>, vector<1x16xf32>,
      %swap3A_213 = vector.shape_cast %swap3A_212 : vector<1x16xf32> to vector<16xf32>
      %swap3A_214 = vector.shape_cast %mul3A_205 : vector<16xf32> to vector<1x16xf32>
      tpu.vector_store %arg7[%swap3A_210, %swap3A_211], %swap3A_214 {strides = array<i32>} : memref<800x64xf32, #tpu.memory_space<vmem>>, vector<1x16xf32>,
      %mul3A_215 = arith.constant 4 : i32
      %mul3A_216 = arith.muli %scan3A_136, %mul3A_215 : i32
      %add3A_217 = arith.constant 1 : i32
      %add3A_218 = arith.addi %mul3A_216, %add3A_217 : i32
      %get3A_219 = arith.index_cast %add3A_218 : i32 to index
      %get3A_220 = arith.constant 0 : index
      %get3A_221 = tpu.vector_load %arg7[%get3A_219, %get3A_220] {strides = array<i32>} : memref<800x64xf32, #tpu.memory_space<vmem>>, vector<1x16xf32>,
      %get3A_222 = vector.shape_cast %get3A_221 : vector<1x16xf32> to vector<16xf32>
      %mul3A_223 = arith.constant 8.000000e+00 : f32
      %mul3A_224 = vector.broadcast %mul3A_223 : f32 to vector<16xf32>
      %mul3A_225 = arith.mulf %get3A_222, %mul3A_224 : vector<16xf32>
      %mul3A_226 = arith.constant 4 : i32
      %mul3A_227 = arith.muli %scan3A_136, %mul3A_226 : i32
      %add3A_228 = arith.constant 1 : i32
      %add3A_229 = arith.addi %mul3A_227, %add3A_228 : i32
      %swap3A_230 = arith.index_cast %add3A_229 : i32 to index
      %swap3A_231 = arith.constant 0 : index
      %swap3A_232 = tpu.vector_load %arg7[%swap3A_230, %swap3A_231] {strides = array<i32>} : memref<800x64xf32, #tpu.memory_space<vmem>>, vector<1x16xf32>,
      %swap3A_233 = vector.shape_cast %swap3A_232 : vector<1x16xf32> to vector<16xf32>
      %swap3A_234 = vector.shape_cast %mul3A_225 : vector<16xf32> to vector<1x16xf32>
      tpu.vector_store %arg7[%swap3A_230, %swap3A_231], %swap3A_234 {strides = array<i32>} : memref<800x64xf32, #tpu.memory_space<vmem>>, vector<1x16xf32>,
      %mul3A_235 = arith.constant 4 : i32
      %mul3A_236 = arith.muli %scan3A_136, %mul3A_235 : i32
      %add3A_237 = arith.constant 1 : i32
      %add3A_238 = arith.addi %mul3A_236, %add3A_237 : i32
      %get3A_239 = arith.index_cast %add3A_238 : i32 to index
      %get3A_240 = arith.constant 16 : index
      %get3A_241 = tpu.vector_load %arg7[%get3A_239, %get3A_240] {strides = array<i32>} : memref<800x64xf32, #tpu.memory_space<vmem>>, vector<1x16xf32>,
      %get3A_242 = vector.shape_cast %get3A_241 : vector<1x16xf32> to vector<16xf32>
      %mul3A_243 = arith.constant 8.000000e+00 : f32
      %mul3A_244 = vector.broadcast %mul3A_243 : f32 to vector<16xf32>
      %mul3A_245 = arith.mulf %get3A_242, %mul3A_244 : vector<16xf32>
      %mul3A_246 = arith.constant 4 : i32
      %mul3A_247 = arith.muli %scan3A_136, %mul3A_246 : i32
      %add3A_248 = arith.constant 1 : i32
      %add3A_249 = arith.addi %mul3A_247, %add3A_248 : i32
      %swap3A_250 = arith.index_cast %add3A_249 : i32 to index
      %swap3A_251 = arith.constant 16 : index
      %swap3A_252 = tpu.vector_load %arg7[%swap3A_250, %swap3A_251] {strides = array<i32>} : memref<800x64xf32, #tpu.memory_space<vmem>>, vector<1x16xf32>,
      %swap3A_253 = vector.shape_cast %swap3A_252 : vector<1x16xf32> to vector<16xf32>
      %swap3A_254 = vector.shape_cast %mul3A_245 : vector<16xf32> to vector<1x16xf32>
      tpu.vector_store %arg7[%swap3A_250, %swap3A_251], %swap3A_254 {strides = array<i32>} : memref<800x64xf32, #tpu.memory_space<vmem>>, vector<1x16xf32>,
      %mul3A_255 = arith.constant 4 : i32
      %mul3A_256 = arith.muli %scan3A_136, %mul3A_255 : i32
      %add3A_257 = arith.constant 1 : i32
      %add3A_258 = arith.addi %mul3A_256, %add3A_257 : i32
      %get3A_259 = arith.index_cast %add3A_258 : i32 to index
      %get3A_260 = arith.constant 32 : index
      %get3A_261 = tpu.vector_load %arg7[%get3A_259, %get3A_260] {strides = array<i32>} : memref<800x64xf32, #tpu.memory_space<vmem>>, vector<1x16xf32>,
      %get3A_262 = vector.shape_cast %get3A_261 : vector<1x16xf32> to vector<16xf32>
      %mul3A_263 = arith.constant 8.000000e+00 : f32
      %mul3A_264 = vector.broadcast %mul3A_263 : f32 to vector<16xf32>
      %mul3A_265 = arith.mulf %get3A_262, %mul3A_264 : vector<16xf32>
      %mul3A_266 = arith.constant 4 : i32
      %mul3A_267 = arith.muli %scan3A_136, %mul3A_266 : i32
      %add3A_268 = arith.constant 1 : i32
      %add3A_269 = arith.addi %mul3A_267, %add3A_268 : i32
      %swap3A_270 = arith.index_cast %add3A_269 : i32 to index
      %swap3A_271 = arith.constant 32 : index
      %swap3A_272 = tpu.vector_load %arg7[%swap3A_270, %swap3A_271] {strides = array<i32>} : memref<800x64xf32, #tpu.memory_space<vmem>>, vector<1x16xf32>,
      %swap3A_273 = vector.shape_cast %swap3A_272 : vector<1x16xf32> to vector<16xf32>
      %swap3A_274 = vector.shape_cast %mul3A_265 : vector<16xf32> to vector<1x16xf32>
      tpu.vector_store %arg7[%swap3A_270, %swap3A_271], %swap3A_274 {strides = array<i32>} : memref<800x64xf32, #tpu.memory_space<vmem>>, vector<1x16xf32>,
      %mul3A_275 = arith.constant 4 : i32
      %mul3A_276 = arith.muli %scan3A_136, %mul3A_275 : i32
      %add3A_277 = arith.constant 1 : i32
      %add3A_278 = arith.addi %mul3A_276, %add3A_277 : i32
      %get3A_279 = arith.index_cast %add3A_278 : i32 to index
      %get3A_280 = arith.constant 48 : index
      %get3A_281 = tpu.vector_load %arg7[%get3A_279, %get3A_280] {strides = array<i32>} : memref<800x64xf32, #tpu.memory_space<vmem>>, vector<1x16xf32>,
      %get3A_282 = vector.shape_cast %get3A_281 : vector<1x16xf32> to vector<16xf32>
      %mul3A_283 = arith.constant 8.000000e+00 : f32
      %mul3A_284 = vector.broadcast %mul3A_283 : f32 to vector<16xf32>
      %mul3A_285 = arith.mulf %get3A_282, %mul3A_284 : vector<16xf32>
      %mul3A_286 = arith.constant 4 : i32
      %mul3A_287 = arith.muli %scan3A_136, %mul3A_286 : i32
      %add3A_288 = arith.constant 1 : i32
      %add3A_289 = arith.addi %mul3A_287, %add3A_288 : i32
      %swap3A_290 = arith.index_cast %add3A_289 : i32 to index
      %swap3A_291 = arith.constant 48 : index
      %swap3A_292 = tpu.vector_load %arg7[%swap3A_290, %swap3A_291] {strides = array<i32>} : memref<800x64xf32, #tpu.memory_space<vmem>>, vector<1x16xf32>,
      %swap3A_293 = vector.shape_cast %swap3A_292 : vector<1x16xf32> to vector<16xf32>
      %swap3A_294 = vector.shape_cast %mul3A_285 : vector<16xf32> to vector<1x16xf32>
      tpu.vector_store %arg7[%swap3A_290, %swap3A_291], %swap3A_294 {strides = array<i32>} : memref<800x64xf32, #tpu.memory_space<vmem>>, vector<1x16xf32>,
      %mul3A_295 = arith.constant 4 : i32
      %mul3A_296 = arith.muli %scan3A_136, %mul3A_295 : i32
      %add3A_297 = arith.constant 2 : i32
      %add3A_298 = arith.addi %mul3A_296, %add3A_297 : i32
      %get3A_299 = arith.index_cast %add3A_298 : i32 to index
      %get3A_300 = arith.constant 0 : index
      %get3A_301 = tpu.vector_load %arg7[%get3A_299, %get3A_300] {strides = array<i32>} : memref<800x64xf32, #tpu.memory_space<vmem>>, vector<1x16xf32>,
      %get3A_302 = vector.shape_cast %get3A_301 : vector<1x16xf32> to vector<16xf32>
      %mul3A_303 = arith.constant 8.000000e+00 : f32
      %mul3A_304 = vector.broadcast %mul3A_303 : f32 to vector<16xf32>
      %mul3A_305 = arith.mulf %get3A_302, %mul3A_304 : vector<16xf32>
      %mul3A_306 = arith.constant 4 : i32
      %mul3A_307 = arith.muli %scan3A_136, %mul3A_306 : i32
      %add3A_308 = arith.constant 2 : i32
      %add3A_309 = arith.addi %mul3A_307, %add3A_308 : i32
      %swap3A_310 = arith.index_cast %add3A_309 : i32 to index
      %swap3A_311 = arith.constant 0 : index
      %swap3A_312 = tpu.vector_load %arg7[%swap3A_310, %swap3A_311] {strides = array<i32>} : memref<800x64xf32, #tpu.memory_space<vmem>>, vector<1x16xf32>,
      %swap3A_313 = vector.shape_cast %swap3A_312 : vector<1x16xf32> to vector<16xf32>
      %swap3A_314 = vector.shape_cast %mul3A_305 : vector<16xf32> to vector<1x16xf32>
      tpu.vector_store %arg7[%swap3A_310, %swap3A_311], %swap3A_314 {strides = array<i32>} : memref<800x64xf32, #tpu.memory_space<vmem>>, vector<1x16xf32>,
      %mul3A_315 = arith.constant 4 : i32
      %mul3A_316 = arith.muli %scan3A_136, %mul3A_315 : i32
      %add3A_317 = arith.constant 2 : i32
      %add3A_318 = arith.addi %mul3A_316, %add3A_317 : i32
      %get3A_319 = arith.index_cast %add3A_318 : i32 to index
      %get3A_320 = arith.constant 16 : index
      %get3A_321 = tpu.vector_load %arg7[%get3A_319, %get3A_320] {strides = array<i32>} : memref<800x64xf32, #tpu.memory_space<vmem>>, vector<1x16xf32>,
      %get3A_322 = vector.shape_cast %get3A_321 : vector<1x16xf32> to vector<16xf32>
      %mul3A_323 = arith.constant 8.000000e+00 : f32
      %mul3A_324 = vector.broadcast %mul3A_323 : f32 to vector<16xf32>
      %mul3A_325 = arith.mulf %get3A_322, %mul3A_324 : vector<16xf32>
      %mul3A_326 = arith.constant 4 : i32
      %mul3A_327 = arith.muli %scan3A_136, %mul3A_326 : i32
      %add3A_328 = arith.constant 2 : i32
      %add3A_329 = arith.addi %mul3A_327, %add3A_328 : i32
      %swap3A_330 = arith.index_cast %add3A_329 : i32 to index
      %swap3A_331 = arith.constant 16 : index
      %swap3A_332 = tpu.vector_load %arg7[%swap3A_330, %swap3A_331] {strides = array<i32>} : memref<800x64xf32, #tpu.memory_space<vmem>>, vector<1x16xf32>,
      %swap3A_333 = vector.shape_cast %swap3A_332 : vector<1x16xf32> to vector<16xf32>
      %swap3A_334 = vector.shape_cast %mul3A_325 : vector<16xf32> to vector<1x16xf32>
      tpu.vector_store %arg7[%swap3A_330, %swap3A_331], %swap3A_334 {strides = array<i32>} : memref<800x64xf32, #tpu.memory_space<vmem>>, vector<1x16xf32>,
      %mul3A_335 = arith.constant 4 : i32
      %mul3A_336 = arith.muli %scan3A_136, %mul3A_335 : i32
      %add3A_337 = arith.constant 2 : i32
      %add3A_338 = arith.addi %mul3A_336, %add3A_337 : i32
      %get3A_339 = arith.index_cast %add3A_338 : i32 to index
      %get3A_340 = arith.constant 32 : index
      %get3A_341 = tpu.vector_load %arg7[%get3A_339, %get3A_340] {strides = array<i32>} : memref<800x64xf32, #tpu.memory_space<vmem>>, vector<1x16xf32>,
      %get3A_342 = vector.shape_cast %get3A_341 : vector<1x16xf32> to vector<16xf32>
      %mul3A_343 = arith.constant 8.000000e+00 : f32
      %mul3A_344 = vector.broadcast %mul3A_343 : f32 to vector<16xf32>
      %mul3A_345 = arith.mulf %get3A_342, %mul3A_344 : vector<16xf32>
      %mul3A_346 = arith.constant 4 : i32
      %mul3A_347 = arith.muli %scan3A_136, %mul3A_346 : i32
      %add3A_348 = arith.constant 2 : i32
      %add3A_349 = arith.addi %mul3A_347, %add3A_348 : i32
      %swap3A_350 = arith.index_cast %add3A_349 : i32 to index
      %swap3A_351 = arith.constant 32 : index
      %swap3A_352 = tpu.vector_load %arg7[%swap3A_350, %swap3A_351] {strides = array<i32>} : memref<800x64xf32, #tpu.memory_space<vmem>>, vector<1x16xf32>,
      %swap3A_353 = vector.shape_cast %swap3A_352 : vector<1x16xf32> to vector<16xf32>
      %swap3A_354 = vector.shape_cast %mul3A_345 : vector<16xf32> to vector<1x16xf32>
      tpu.vector_store %arg7[%swap3A_350, %swap3A_351], %swap3A_354 {strides = array<i32>} : memref<800x64xf32, #tpu.memory_space<vmem>>, vector<1x16xf32>,
      %mul3A_355 = arith.constant 4 : i32
      %mul3A_356 = arith.muli %scan3A_136, %mul3A_355 : i32
      %add3A_357 = arith.constant 2 : i32
      %add3A_358 = arith.addi %mul3A_356, %add3A_357 : i32
      %get3A_359 = arith.index_cast %add3A_358 : i32 to index
      %get3A_360 = arith.constant 48 : index
      %get3A_361 = tpu.vector_load %arg7[%get3A_359, %get3A_360] {strides = array<i32>} : memref<800x64xf32, #tpu.memory_space<vmem>>, vector<1x16xf32>,
      %get3A_362 = vector.shape_cast %get3A_361 : vector<1x16xf32> to vector<16xf32>
      %mul3A_363 = arith.constant 8.000000e+00 : f32
      %mul3A_364 = vector.broadcast %mul3A_363 : f32 to vector<16xf32>
      %mul3A_365 = arith.mulf %get3A_362, %mul3A_364 : vector<16xf32>
      %mul3A_366 = arith.constant 4 : i32
      %mul3A_367 = arith.muli %scan3A_136, %mul3A_366 : i32
      %add3A_368 = arith.constant 2 : i32
      %add3A_369 = arith.addi %mul3A_367, %add3A_368 : i32
      %swap3A_370 = arith.index_cast %add3A_369 : i32 to index
      %swap3A_371 = arith.constant 48 : index
      %swap3A_372 = tpu.vector_load %arg7[%swap3A_370, %swap3A_371] {strides = array<i32>} : memref<800x64xf32, #tpu.memory_space<vmem>>, vector<1x16xf32>,
      %swap3A_373 = vector.shape_cast %swap3A_372 : vector<1x16xf32> to vector<16xf32>
      %swap3A_374 = vector.shape_cast %mul3A_365 : vector<16xf32> to vector<1x16xf32>
      tpu.vector_store %arg7[%swap3A_370, %swap3A_371], %swap3A_374 {strides = array<i32>} : memref<800x64xf32, #tpu.memory_space<vmem>>, vector<1x16xf32>,
      %mul3A_375 = arith.constant 4 : i32
      %mul3A_376 = arith.muli %scan3A_136, %mul3A_375 : i32
      %add3A_377 = arith.constant 3 : i32
      %add3A_378 = arith.addi %mul3A_376, %add3A_377 : i32
      %get3A_379 = arith.index_cast %add3A_378 : i32 to index
      %get3A_380 = arith.constant 0 : index
      %get3A_381 = tpu.vector_load %arg7[%get3A_379, %get3A_380] {strides = array<i32>} : memref<800x64xf32, #tpu.memory_space<vmem>>, vector<1x16xf32>,
      %get3A_382 = vector.shape_cast %get3A_381 : vector<1x16xf32> to vector<16xf32>
      %mul3A_383 = arith.constant 8.000000e+00 : f32
      %mul3A_384 = vector.broadcast %mul3A_383 : f32 to vector<16xf32>
      %mul3A_385 = arith.mulf %get3A_382, %mul3A_384 : vector<16xf32>
      %mul3A_386 = arith.constant 4 : i32
      %mul3A_387 = arith.muli %scan3A_136, %mul3A_386 : i32
      %add3A_388 = arith.constant 3 : i32
      %add3A_389 = arith.addi %mul3A_387, %add3A_388 : i32
      %swap3A_390 = arith.index_cast %add3A_389 : i32 to index
      %swap3A_391 = arith.constant 0 : index
      %swap3A_392 = tpu.vector_load %arg7[%swap3A_390, %swap3A_391] {strides = array<i32>} : memref<800x64xf32, #tpu.memory_space<vmem>>, vector<1x16xf32>,
      %swap3A_393 = vector.shape_cast %swap3A_392 : vector<1x16xf32> to vector<16xf32>
      %swap3A_394 = vector.shape_cast %mul3A_385 : vector<16xf32> to vector<1x16xf32>
      tpu.vector_store %arg7[%swap3A_390, %swap3A_391], %swap3A_394 {strides = array<i32>} : memref<800x64xf32, #tpu.memory_space<vmem>>, vector<1x16xf32>,
      %mul3A_395 = arith.constant 4 : i32
      %mul3A_396 = arith.muli %scan3A_136, %mul3A_395 : i32
      %add3A_397 = arith.constant 3 : i32
      %add3A_398 = arith.addi %mul3A_396, %add3A_397 : i32
      %get3A_399 = arith.index_cast %add3A_398 : i32 to index
      %get3A_400 = arith.constant 16 : index
      %get3A_401 = tpu.vector_load %arg7[%get3A_399, %get3A_400] {strides = array<i32>} : memref<800x64xf32, #tpu.memory_space<vmem>>, vector<1x16xf32>,
      %get3A_402 = vector.shape_cast %get3A_401 : vector<1x16xf32> to vector<16xf32>
      %mul3A_403 = arith.constant 8.000000e+00 : f32
      %mul3A_404 = vector.broadcast %mul3A_403 : f32 to vector<16xf32>
      %mul3A_405 = arith.mulf %get3A_402, %mul3A_404 : vector<16xf32>
      %mul3A_406 = arith.constant 4 : i32
      %mul3A_407 = arith.muli %scan3A_136, %mul3A_406 : i32
      %add3A_408 = arith.constant 3 : i32
      %add3A_409 = arith.addi %mul3A_407, %add3A_408 : i32
      %swap3A_410 = arith.index_cast %add3A_409 : i32 to index
      %swap3A_411 = arith.constant 16 : index
      %swap3A_412 = tpu.vector_load %arg7[%swap3A_410, %swap3A_411] {strides = array<i32>} : memref<800x64xf32, #tpu.memory_space<vmem>>, vector<1x16xf32>,
      %swap3A_413 = vector.shape_cast %swap3A_412 : vector<1x16xf32> to vector<16xf32>
      %swap3A_414 = vector.shape_cast %mul3A_405 : vector<16xf32> to vector<1x16xf32>
      tpu.vector_store %arg7[%swap3A_410, %swap3A_411], %swap3A_414 {strides = array<i32>} : memref<800x64xf32, #tpu.memory_space<vmem>>, vector<1x16xf32>,
      %mul3A_415 = arith.constant 4 : i32
      %mul3A_416 = arith.muli %scan3A_136, %mul3A_415 : i32
      %add3A_417 = arith.constant 3 : i32
      %add3A_418 = arith.addi %mul3A_416, %add3A_417 : i32
      %get3A_419 = arith.index_cast %add3A_418 : i32 to index
      %get3A_420 = arith.constant 32 : index
      %get3A_421 = tpu.vector_load %arg7[%get3A_419, %get3A_420] {strides = array<i32>} : memref<800x64xf32, #tpu.memory_space<vmem>>, vector<1x16xf32>,
      %get3A_422 = vector.shape_cast %get3A_421 : vector<1x16xf32> to vector<16xf32>
      %mul3A_423 = arith.constant 8.000000e+00 : f32
      %mul3A_424 = vector.broadcast %mul3A_423 : f32 to vector<16xf32>
      %mul3A_425 = arith.mulf %get3A_422, %mul3A_424 : vector<16xf32>
      %mul3A_426 = arith.constant 4 : i32
      %mul3A_427 = arith.muli %scan3A_136, %mul3A_426 : i32
      %add3A_428 = arith.constant 3 : i32
      %add3A_429 = arith.addi %mul3A_427, %add3A_428 : i32
      %swap3A_430 = arith.index_cast %add3A_429 : i32 to index
      %swap3A_431 = arith.constant 32 : index
      %swap3A_432 = tpu.vector_load %arg7[%swap3A_430, %swap3A_431] {strides = array<i32>} : memref<800x64xf32, #tpu.memory_space<vmem>>, vector<1x16xf32>,
      %swap3A_433 = vector.shape_cast %swap3A_432 : vector<1x16xf32> to vector<16xf32>
      %swap3A_434 = vector.shape_cast %mul3A_425 : vector<16xf32> to vector<1x16xf32>
      tpu.vector_store %arg7[%swap3A_430, %swap3A_431], %swap3A_434 {strides = array<i32>} : memref<800x64xf32, #tpu.memory_space<vmem>>, vector<1x16xf32>,
      %mul3A_435 = arith.constant 4 : i32
      %mul3A_436 = arith.muli %scan3A_136, %mul3A_435 : i32
      %add3A_437 = arith.constant 3 : i32
      %add3A_438 = arith.addi %mul3A_436, %add3A_437 : i32
      %get3A_439 = arith.index_cast %add3A_438 : i32 to index
      %get3A_440 = arith.constant 48 : index
      %get3A_441 = tpu.vector_load %arg7[%get3A_439, %get3A_440] {strides = array<i32>} : memref<800x64xf32, #tpu.memory_space<vmem>>, vector<1x16xf32>,
      %get3A_442 = vector.shape_cast %get3A_441 : vector<1x16xf32> to vector<16xf32>
      %mul3A_443 = arith.constant 8.000000e+00 : f32
      %mul3A_444 = vector.broadcast %mul3A_443 : f32 to vector<16xf32>
      %mul3A_445 = arith.mulf %get3A_442, %mul3A_444 : vector<16xf32>
      %mul3A_446 = arith.constant 4 : i32
      %mul3A_447 = arith.muli %scan3A_136, %mul3A_446 : i32
      %add3A_448 = arith.constant 3 : i32
      %add3A_449 = arith.addi %mul3A_447, %add3A_448 : i32
      %swap3A_450 = arith.index_cast %add3A_449 : i32 to index
      %swap3A_451 = arith.constant 48 : index
      %swap3A_452 = tpu.vector_load %arg7[%swap3A_450, %swap3A_451] {strides = array<i32>} : memref<800x64xf32, #tpu.memory_space<vmem>>, vector<1x16xf32>,
      %swap3A_453 = vector.shape_cast %swap3A_452 : vector<1x16xf32> to vector<16xf32>
      %swap3A_454 = vector.shape_cast %mul3A_445 : vector<16xf32> to vector<1x16xf32>
      tpu.vector_store %arg7[%swap3A_450, %swap3A_451], %swap3A_454 {strides = array<i32>} : memref<800x64xf32, #tpu.memory_space<vmem>>, vector<1x16xf32>,
    }
    %scan3A_60 = arith.constant 200 : i32
    %add3A_61 = arith.constant 800 : i32
    %add3A_62 = arith.addi %mul3A_2, %add3A_61 : i32
    %dma_start3A_63 = arith.constant 0 : i32
    %dma_start3A_64 = tpu.memref_slice %arg4[%add3A_62, %dma_start3A_63] : memref<819200x64xf32, #tpu.memory_space<hbm>> -> memref<800x64xf32, #tpu.memory_space<hbm>>
    %dma_start3A_65 = arith.constant 0 : i32
    %dma_start3A_66 = tpu.memref_slice %arg4[%add3A_62, %dma_start3A_65] : memref<819200x64xf32, #tpu.memory_space<hbm>> -> memref<800x64xf32, #tpu.memory_space<hbm>>
    tpu.enqueue_dma source(%arg7 : memref<800x64xf32, #tpu.memory_space<vmem>>) target(%dma_start3A_66 : memref<800x64xf32, #tpu.memory_space<hbm>>) target_semaphore(%arg11 : memref<!tpu.dma_semaphore, #tpu.memory_space<semaphore_mem>>)
    %scan3A_67 = arith.constant 0 : i32
    %scan3A_68 = arith.constant 1 : i32
    %scan3A_69 = arith.constant 14 : i32
    %scan3A_70 = arith.addi %scan3A_68, %scan3A_69 : i32
    %scan3A_71 = arith.constant 1 : i32
    scf.for %scan3A_136 = %scan3A_68 to %scan3A_70 step %scan3A_71  : i32 {
      %mul3A_137 = arith.constant 2 : i32
      %mul3A_138 = arith.muli %scan3A_136, %mul3A_137 : i32
      %add3A_139 = arith.constant 0 : i32
      %add3A_140 = arith.addi %mul3A_138, %add3A_139 : i32
      %dma_wait3A_141 = arith.constant 0 : i32
      %dma_wait3A_142 = arith.constant 0 : i32
      %dma_wait3A_143 = tpu.memref_slice %arg4[%dma_wait3A_141, %dma_wait3A_142] : memref<819200x64xf32, #tpu.memory_space<hbm>> -> memref<800x64xf32, #tpu.memory_space<hbm>>
      %dma_wait3A_144 = arith.constant 0 : i32
      %dma_wait3A_145 = arith.constant 0 : i32
      %dma_wait3A_146 = tpu.memref_slice %arg4[%dma_wait3A_144, %dma_wait3A_145] : memref<819200x64xf32, #tpu.memory_space<hbm>> -> memref<800x64xf32, #tpu.memory_space<hbm>>
      tpu.wait_dma2 semaphore(%arg11 : memref<!tpu.dma_semaphore, #tpu.memory_space<semaphore_mem>>) src(%arg7 : memref<800x64xf32, #tpu.memory_space<vmem>>) dst(%dma_wait3A_146 : memref<800x64xf32, #tpu.memory_space<hbm>>)
      %add3A_147 = arith.constant 1 : i32
      %add3A_148 = arith.addi %add3A_140, %add3A_147 : i32
      %dma_start3A_149 = arith.constant 0 : i32
      %dma_start3A_150 = tpu.memref_slice %arg5[%add3A_148, %dma_start3A_149] : memref<32x800xi32, #tpu.memory_space<vmem>> -> memref<1x800xi32, #tpu.memory_space<vmem>>
      %dma_start3A_151 = tpu.memref_squeeze %dma_start3A_150 : memref<1x800xi32, #tpu.memory_space<vmem>> -> memref<800xi32, #tpu.memory_space<vmem>>
      %dma_start3A_152 = arith.constant 0 : i32
      %dma_start3A_153 = arith.constant 0 : i32
      %dma_start3A_154 = tpu.memref_slice %arg3[%dma_start3A_152, %dma_start3A_153] : memref<1000000x64xf32, #tpu.memory_space<hbm>> -> memref<1000000x64xf32, #tpu.memory_space<hbm>>
      tpu.enqueue_indirect_dma source(%dma_start3A_154 : memref<1000000x64xf32, #tpu.memory_space<hbm>>) target(%arg7 : memref<800x64xf32, #tpu.memory_space<vmem>>) offsets(%dma_start3A_151 : memref<800xi32, #tpu.memory_space<vmem>>) semaphore(%arg9 : memref<!tpu.dma_semaphore, #tpu.memory_space<semaphore_mem>>)
      %dma_wait3A_155 = arith.constant 0 : i32
      %dma_wait3A_156 = arith.constant 0 : i32
      %dma_wait3A_157 = tpu.memref_slice %arg5[%dma_wait3A_155, %dma_wait3A_156] : memref<32x800xi32, #tpu.memory_space<vmem>> -> memref<1x800xi32, #tpu.memory_space<vmem>>
      %dma_wait3A_158 = tpu.memref_squeeze %dma_wait3A_157 : memref<1x800xi32, #tpu.memory_space<vmem>> -> memref<800xi32, #tpu.memory_space<vmem>>
      %dma_wait3A_159 = arith.constant 0 : i32
      %dma_wait3A_160 = arith.constant 0 : i32
      %dma_wait3A_161 = tpu.memref_slice %arg3[%dma_wait3A_159, %dma_wait3A_160] : memref<1000000x64xf32, #tpu.memory_space<hbm>> -> memref<1000000x64xf32, #tpu.memory_space<hbm>>
      tpu.wait_indirect_dma semaphore(%arg8 : memref<!tpu.dma_semaphore, #tpu.memory_space<semaphore_mem>>) src(%dma_wait3A_161 : memref<1000000x64xf32, #tpu.memory_space<hbm>>) dst(%arg6 : memref<800x64xf32, #tpu.memory_space<vmem>>)
      %scan3A_162 = arith.constant 0 : i32
      %scan3A_163 = arith.constant 0 : i32
      %scan3A_164 = arith.constant 200 : i32
      %scan3A_165 = arith.addi %scan3A_163, %scan3A_164 : i32
      %scan3A_166 = arith.constant 1 : i32
      scf.for %scan3A_213 = %scan3A_163 to %scan3A_165 step %scan3A_166  : i32 {
        %mul3A_214 = arith.constant 4 : i32
        %mul3A_215 = arith.muli %scan3A_213, %mul3A_214 : i32
        %add3A_216 = arith.constant 0 : i32
        %add3A_217 = arith.addi %mul3A_215, %add3A_216 : i32
        %get3A = arith.index_cast %add3A_217 : i32 to index
        %get3A_218 = arith.constant 0 : index
        %get3A_219 = tpu.vector_load %arg6[%get3A, %get3A_218] {strides = array<i32>} : memref<800x64xf32, #tpu.memory_space<vmem>>, vector<1x16xf32>,
        %get3A_220 = vector.shape_cast %get3A_219 : vector<1x16xf32> to vector<16xf32>
        %mul3A_221 = arith.constant 8.000000e+00 : f32
        %mul3A_222 = vector.broadcast %mul3A_221 : f32 to vector<16xf32>
        %mul3A_223 = arith.mulf %get3A_220, %mul3A_222 : vector<16xf32>
        %mul3A_224 = arith.constant 4 : i32
        %mul3A_225 = arith.muli %scan3A_213, %mul3A_224 : i32
        %add3A_226 = arith.constant 0 : i32
        %add3A_227 = arith.addi %mul3A_225, %add3A_226 : i32
        %swap3A = arith.index_cast %add3A_227 : i32 to index
        %swap3A_228 = arith.constant 0 : index
        %swap3A_229 = tpu.vector_load %arg6[%swap3A, %swap3A_228] {strides = array<i32>} : memref<800x64xf32, #tpu.memory_space<vmem>>, vector<1x16xf32>,
        %swap3A_230 = vector.shape_cast %swap3A_229 : vector<1x16xf32> to vector<16xf32>
        %swap3A_231 = vector.shape_cast %mul3A_223 : vector<16xf32> to vector<1x16xf32>
        tpu.vector_store %arg6[%swap3A, %swap3A_228], %swap3A_231 {strides = array<i32>} : memref<800x64xf32, #tpu.memory_space<vmem>>, vector<1x16xf32>,
        %mul3A_232 = arith.constant 4 : i32
        %mul3A_233 = arith.muli %scan3A_213, %mul3A_232 : i32
        %add3A_234 = arith.constant 0 : i32
        %add3A_235 = arith.addi %mul3A_233, %add3A_234 : i32
        %get3A_236 = arith.index_cast %add3A_235 : i32 to index
        %get3A_237 = arith.constant 16 : index
        %get3A_238 = tpu.vector_load %arg6[%get3A_236, %get3A_237] {strides = array<i32>} : memref<800x64xf32, #tpu.memory_space<vmem>>, vector<1x16xf32>,
        %get3A_239 = vector.shape_cast %get3A_238 : vector<1x16xf32> to vector<16xf32>
        %mul3A_240 = arith.constant 8.000000e+00 : f32
        %mul3A_241 = vector.broadcast %mul3A_240 : f32 to vector<16xf32>
        %mul3A_242 = arith.mulf %get3A_239, %mul3A_241 : vector<16xf32>
        %mul3A_243 = arith.constant 4 : i32
        %mul3A_244 = arith.muli %scan3A_213, %mul3A_243 : i32
        %add3A_245 = arith.constant 0 : i32
        %add3A_246 = arith.addi %mul3A_244, %add3A_245 : i32
        %swap3A_247 = arith.index_cast %add3A_246 : i32 to index
        %swap3A_248 = arith.constant 16 : index
        %swap3A_249 = tpu.vector_load %arg6[%swap3A_247, %swap3A_248] {strides = array<i32>} : memref<800x64xf32, #tpu.memory_space<vmem>>, vector<1x16xf32>,
        %swap3A_250 = vector.shape_cast %swap3A_249 : vector<1x16xf32> to vector<16xf32>
        %swap3A_251 = vector.shape_cast %mul3A_242 : vector<16xf32> to vector<1x16xf32>
        tpu.vector_store %arg6[%swap3A_247, %swap3A_248], %swap3A_251 {strides = array<i32>} : memref<800x64xf32, #tpu.memory_space<vmem>>, vector<1x16xf32>,
        %mul3A_252 = arith.constant 4 : i32
        %mul3A_253 = arith.muli %scan3A_213, %mul3A_252 : i32
        %add3A_254 = arith.constant 0 : i32
        %add3A_255 = arith.addi %mul3A_253, %add3A_254 : i32
        %get3A_256 = arith.index_cast %add3A_255 : i32 to index
        %get3A_257 = arith.constant 32 : index
        %get3A_258 = tpu.vector_load %arg6[%get3A_256, %get3A_257] {strides = array<i32>} : memref<800x64xf32, #tpu.memory_space<vmem>>, vector<1x16xf32>,
        %get3A_259 = vector.shape_cast %get3A_258 : vector<1x16xf32> to vector<16xf32>
        %mul3A_260 = arith.constant 8.000000e+00 : f32
        %mul3A_261 = vector.broadcast %mul3A_260 : f32 to vector<16xf32>
        %mul3A_262 = arith.mulf %get3A_259, %mul3A_261 : vector<16xf32>
        %mul3A_263 = arith.constant 4 : i32
        %mul3A_264 = arith.muli %scan3A_213, %mul3A_263 : i32
        %add3A_265 = arith.constant 0 : i32
        %add3A_266 = arith.addi %mul3A_264, %add3A_265 : i32
        %swap3A_267 = arith.index_cast %add3A_266 : i32 to index
        %swap3A_268 = arith.constant 32 : index
        %swap3A_269 = tpu.vector_load %arg6[%swap3A_267, %swap3A_268] {strides = array<i32>} : memref<800x64xf32, #tpu.memory_space<vmem>>, vector<1x16xf32>,
        %swap3A_270 = vector.shape_cast %swap3A_269 : vector<1x16xf32> to vector<16xf32>
        %swap3A_271 = vector.shape_cast %mul3A_262 : vector<16xf32> to vector<1x16xf32>
        tpu.vector_store %arg6[%swap3A_267, %swap3A_268], %swap3A_271 {strides = array<i32>} : memref<800x64xf32, #tpu.memory_space<vmem>>, vector<1x16xf32>,
        %mul3A_272 = arith.constant 4 : i32
        %mul3A_273 = arith.muli %scan3A_213, %mul3A_272 : i32
        %add3A_274 = arith.constant 0 : i32
        %add3A_275 = arith.addi %mul3A_273, %add3A_274 : i32
        %get3A_276 = arith.index_cast %add3A_275 : i32 to index
        %get3A_277 = arith.constant 48 : index
        %get3A_278 = tpu.vector_load %arg6[%get3A_276, %get3A_277] {strides = array<i32>} : memref<800x64xf32, #tpu.memory_space<vmem>>, vector<1x16xf32>,
        %get3A_279 = vector.shape_cast %get3A_278 : vector<1x16xf32> to vector<16xf32>
        %mul3A_280 = arith.constant 8.000000e+00 : f32
        %mul3A_281 = vector.broadcast %mul3A_280 : f32 to vector<16xf32>
        %mul3A_282 = arith.mulf %get3A_279, %mul3A_281 : vector<16xf32>
        %mul3A_283 = arith.constant 4 : i32
        %mul3A_284 = arith.muli %scan3A_213, %mul3A_283 : i32
        %add3A_285 = arith.constant 0 : i32
        %add3A_286 = arith.addi %mul3A_284, %add3A_285 : i32
        %swap3A_287 = arith.index_cast %add3A_286 : i32 to index
        %swap3A_288 = arith.constant 48 : index
        %swap3A_289 = tpu.vector_load %arg6[%swap3A_287, %swap3A_288] {strides = array<i32>} : memref<800x64xf32, #tpu.memory_space<vmem>>, vector<1x16xf32>,
        %swap3A_290 = vector.shape_cast %swap3A_289 : vector<1x16xf32> to vector<16xf32>
        %swap3A_291 = vector.shape_cast %mul3A_282 : vector<16xf32> to vector<1x16xf32>
        tpu.vector_store %arg6[%swap3A_287, %swap3A_288], %swap3A_291 {strides = array<i32>} : memref<800x64xf32, #tpu.memory_space<vmem>>, vector<1x16xf32>,
        %mul3A_292 = arith.constant 4 : i32
        %mul3A_293 = arith.muli %scan3A_213, %mul3A_292 : i32
        %add3A_294 = arith.constant 1 : i32
        %add3A_295 = arith.addi %mul3A_293, %add3A_294 : i32
        %get3A_296 = arith.index_cast %add3A_295 : i32 to index
        %get3A_297 = arith.constant 0 : index
        %get3A_298 = tpu.vector_load %arg6[%get3A_296, %get3A_297] {strides = array<i32>} : memref<800x64xf32, #tpu.memory_space<vmem>>, vector<1x16xf32>,
        %get3A_299 = vector.shape_cast %get3A_298 : vector<1x16xf32> to vector<16xf32>
        %mul3A_300 = arith.constant 8.000000e+00 : f32
        %mul3A_301 = vector.broadcast %mul3A_300 : f32 to vector<16xf32>
        %mul3A_302 = arith.mulf %get3A_299, %mul3A_301 : vector<16xf32>
        %mul3A_303 = arith.constant 4 : i32
        %mul3A_304 = arith.muli %scan3A_213, %mul3A_303 : i32
        %add3A_305 = arith.constant 1 : i32
        %add3A_306 = arith.addi %mul3A_304, %add3A_305 : i32
        %swap3A_307 = arith.index_cast %add3A_306 : i32 to index
        %swap3A_308 = arith.constant 0 : index
        %swap3A_309 = tpu.vector_load %arg6[%swap3A_307, %swap3A_308] {strides = array<i32>} : memref<800x64xf32, #tpu.memory_space<vmem>>, vector<1x16xf32>,
        %swap3A_310 = vector.shape_cast %swap3A_309 : vector<1x16xf32> to vector<16xf32>
        %swap3A_311 = vector.shape_cast %mul3A_302 : vector<16xf32> to vector<1x16xf32>
        tpu.vector_store %arg6[%swap3A_307, %swap3A_308], %swap3A_311 {strides = array<i32>} : memref<800x64xf32, #tpu.memory_space<vmem>>, vector<1x16xf32>,
        %mul3A_312 = arith.constant 4 : i32
        %mul3A_313 = arith.muli %scan3A_213, %mul3A_312 : i32
        %add3A_314 = arith.constant 1 : i32
        %add3A_315 = arith.addi %mul3A_313, %add3A_314 : i32
        %get3A_316 = arith.index_cast %add3A_315 : i32 to index
        %get3A_317 = arith.constant 16 : index
        %get3A_318 = tpu.vector_load %arg6[%get3A_316, %get3A_317] {strides = array<i32>} : memref<800x64xf32, #tpu.memory_space<vmem>>, vector<1x16xf32>,
        %get3A_319 = vector.shape_cast %get3A_318 : vector<1x16xf32> to vector<16xf32>
        %mul3A_320 = arith.constant 8.000000e+00 : f32
        %mul3A_321 = vector.broadcast %mul3A_320 : f32 to vector<16xf32>
        %mul3A_322 = arith.mulf %get3A_319, %mul3A_321 : vector<16xf32>
        %mul3A_323 = arith.constant 4 : i32
        %mul3A_324 = arith.muli %scan3A_213, %mul3A_323 : i32
        %add3A_325 = arith.constant 1 : i32
        %add3A_326 = arith.addi %mul3A_324, %add3A_325 : i32
        %swap3A_327 = arith.index_cast %add3A_326 : i32 to index
        %swap3A_328 = arith.constant 16 : index
        %swap3A_329 = tpu.vector_load %arg6[%swap3A_327, %swap3A_328] {strides = array<i32>} : memref<800x64xf32, #tpu.memory_space<vmem>>, vector<1x16xf32>,
        %swap3A_330 = vector.shape_cast %swap3A_329 : vector<1x16xf32> to vector<16xf32>
        %swap3A_331 = vector.shape_cast %mul3A_322 : vector<16xf32> to vector<1x16xf32>
        tpu.vector_store %arg6[%swap3A_327, %swap3A_328], %swap3A_331 {strides = array<i32>} : memref<800x64xf32, #tpu.memory_space<vmem>>, vector<1x16xf32>,
        %mul3A_332 = arith.constant 4 : i32
        %mul3A_333 = arith.muli %scan3A_213, %mul3A_332 : i32
        %add3A_334 = arith.constant 1 : i32
        %add3A_335 = arith.addi %mul3A_333, %add3A_334 : i32
        %get3A_336 = arith.index_cast %add3A_335 : i32 to index
        %get3A_337 = arith.constant 32 : index
        %get3A_338 = tpu.vector_load %arg6[%get3A_336, %get3A_337] {strides = array<i32>} : memref<800x64xf32, #tpu.memory_space<vmem>>, vector<1x16xf32>,
        %get3A_339 = vector.shape_cast %get3A_338 : vector<1x16xf32> to vector<16xf32>
        %mul3A_340 = arith.constant 8.000000e+00 : f32
        %mul3A_341 = vector.broadcast %mul3A_340 : f32 to vector<16xf32>
        %mul3A_342 = arith.mulf %get3A_339, %mul3A_341 : vector<16xf32>
        %mul3A_343 = arith.constant 4 : i32
        %mul3A_344 = arith.muli %scan3A_213, %mul3A_343 : i32
        %add3A_345 = arith.constant 1 : i32
        %add3A_346 = arith.addi %mul3A_344, %add3A_345 : i32
        %swap3A_347 = arith.index_cast %add3A_346 : i32 to index
        %swap3A_348 = arith.constant 32 : index
        %swap3A_349 = tpu.vector_load %arg6[%swap3A_347, %swap3A_348] {strides = array<i32>} : memref<800x64xf32, #tpu.memory_space<vmem>>, vector<1x16xf32>,
        %swap3A_350 = vector.shape_cast %swap3A_349 : vector<1x16xf32> to vector<16xf32>
        %swap3A_351 = vector.shape_cast %mul3A_342 : vector<16xf32> to vector<1x16xf32>
        tpu.vector_store %arg6[%swap3A_347, %swap3A_348], %swap3A_351 {strides = array<i32>} : memref<800x64xf32, #tpu.memory_space<vmem>>, vector<1x16xf32>,
        %mul3A_352 = arith.constant 4 : i32
        %mul3A_353 = arith.muli %scan3A_213, %mul3A_352 : i32
        %add3A_354 = arith.constant 1 : i32
        %add3A_355 = arith.addi %mul3A_353, %add3A_354 : i32
        %get3A_356 = arith.index_cast %add3A_355 : i32 to index
        %get3A_357 = arith.constant 48 : index
        %get3A_358 = tpu.vector_load %arg6[%get3A_356, %get3A_357] {strides = array<i32>} : memref<800x64xf32, #tpu.memory_space<vmem>>, vector<1x16xf32>,
        %get3A_359 = vector.shape_cast %get3A_358 : vector<1x16xf32> to vector<16xf32>
        %mul3A_360 = arith.constant 8.000000e+00 : f32
        %mul3A_361 = vector.broadcast %mul3A_360 : f32 to vector<16xf32>
        %mul3A_362 = arith.mulf %get3A_359, %mul3A_361 : vector<16xf32>
        %mul3A_363 = arith.constant 4 : i32
        %mul3A_364 = arith.muli %scan3A_213, %mul3A_363 : i32
        %add3A_365 = arith.constant 1 : i32
        %add3A_366 = arith.addi %mul3A_364, %add3A_365 : i32
        %swap3A_367 = arith.index_cast %add3A_366 : i32 to index
        %swap3A_368 = arith.constant 48 : index
        %swap3A_369 = tpu.vector_load %arg6[%swap3A_367, %swap3A_368] {strides = array<i32>} : memref<800x64xf32, #tpu.memory_space<vmem>>, vector<1x16xf32>,
        %swap3A_370 = vector.shape_cast %swap3A_369 : vector<1x16xf32> to vector<16xf32>
        %swap3A_371 = vector.shape_cast %mul3A_362 : vector<16xf32> to vector<1x16xf32>
        tpu.vector_store %arg6[%swap3A_367, %swap3A_368], %swap3A_371 {strides = array<i32>} : memref<800x64xf32, #tpu.memory_space<vmem>>, vector<1x16xf32>,
        %mul3A_372 = arith.constant 4 : i32
        %mul3A_373 = arith.muli %scan3A_213, %mul3A_372 : i32
        %add3A_374 = arith.constant 2 : i32
        %add3A_375 = arith.addi %mul3A_373, %add3A_374 : i32
        %get3A_376 = arith.index_cast %add3A_375 : i32 to index
        %get3A_377 = arith.constant 0 : index
        %get3A_378 = tpu.vector_load %arg6[%get3A_376, %get3A_377] {strides = array<i32>} : memref<800x64xf32, #tpu.memory_space<vmem>>, vector<1x16xf32>,
        %get3A_379 = vector.shape_cast %get3A_378 : vector<1x16xf32> to vector<16xf32>
        %mul3A_380 = arith.constant 8.000000e+00 : f32
        %mul3A_381 = vector.broadcast %mul3A_380 : f32 to vector<16xf32>
        %mul3A_382 = arith.mulf %get3A_379, %mul3A_381 : vector<16xf32>
        %mul3A_383 = arith.constant 4 : i32
        %mul3A_384 = arith.muli %scan3A_213, %mul3A_383 : i32
        %add3A_385 = arith.constant 2 : i32
        %add3A_386 = arith.addi %mul3A_384, %add3A_385 : i32
        %swap3A_387 = arith.index_cast %add3A_386 : i32 to index
        %swap3A_388 = arith.constant 0 : index
        %swap3A_389 = tpu.vector_load %arg6[%swap3A_387, %swap3A_388] {strides = array<i32>} : memref<800x64xf32, #tpu.memory_space<vmem>>, vector<1x16xf32>,
        %swap3A_390 = vector.shape_cast %swap3A_389 : vector<1x16xf32> to vector<16xf32>
        %swap3A_391 = vector.shape_cast %mul3A_382 : vector<16xf32> to vector<1x16xf32>
        tpu.vector_store %arg6[%swap3A_387, %swap3A_388], %swap3A_391 {strides = array<i32>} : memref<800x64xf32, #tpu.memory_space<vmem>>, vector<1x16xf32>,
        %mul3A_392 = arith.constant 4 : i32
        %mul3A_393 = arith.muli %scan3A_213, %mul3A_392 : i32
        %add3A_394 = arith.constant 2 : i32
        %add3A_395 = arith.addi %mul3A_393, %add3A_394 : i32
        %get3A_396 = arith.index_cast %add3A_395 : i32 to index
        %get3A_397 = arith.constant 16 : index
        %get3A_398 = tpu.vector_load %arg6[%get3A_396, %get3A_397] {strides = array<i32>} : memref<800x64xf32, #tpu.memory_space<vmem>>, vector<1x16xf32>,
        %get3A_399 = vector.shape_cast %get3A_398 : vector<1x16xf32> to vector<16xf32>
        %mul3A_400 = arith.constant 8.000000e+00 : f32
        %mul3A_401 = vector.broadcast %mul3A_400 : f32 to vector<16xf32>
        %mul3A_402 = arith.mulf %get3A_399, %mul3A_401 : vector<16xf32>
        %mul3A_403 = arith.constant 4 : i32
        %mul3A_404 = arith.muli %scan3A_213, %mul3A_403 : i32
        %add3A_405 = arith.constant 2 : i32
        %add3A_406 = arith.addi %mul3A_404, %add3A_405 : i32
        %swap3A_407 = arith.index_cast %add3A_406 : i32 to index
        %swap3A_408 = arith.constant 16 : index
        %swap3A_409 = tpu.vector_load %arg6[%swap3A_407, %swap3A_408] {strides = array<i32>} : memref<800x64xf32, #tpu.memory_space<vmem>>, vector<1x16xf32>,
        %swap3A_410 = vector.shape_cast %swap3A_409 : vector<1x16xf32> to vector<16xf32>
        %swap3A_411 = vector.shape_cast %mul3A_402 : vector<16xf32> to vector<1x16xf32>
        tpu.vector_store %arg6[%swap3A_407, %swap3A_408], %swap3A_411 {strides = array<i32>} : memref<800x64xf32, #tpu.memory_space<vmem>>, vector<1x16xf32>,
        %mul3A_412 = arith.constant 4 : i32
        %mul3A_413 = arith.muli %scan3A_213, %mul3A_412 : i32
        %add3A_414 = arith.constant 2 : i32
        %add3A_415 = arith.addi %mul3A_413, %add3A_414 : i32
        %get3A_416 = arith.index_cast %add3A_415 : i32 to index
        %get3A_417 = arith.constant 32 : index
        %get3A_418 = tpu.vector_load %arg6[%get3A_416, %get3A_417] {strides = array<i32>} : memref<800x64xf32, #tpu.memory_space<vmem>>, vector<1x16xf32>,
        %get3A_419 = vector.shape_cast %get3A_418 : vector<1x16xf32> to vector<16xf32>
        %mul3A_420 = arith.constant 8.000000e+00 : f32
        %mul3A_421 = vector.broadcast %mul3A_420 : f32 to vector<16xf32>
        %mul3A_422 = arith.mulf %get3A_419, %mul3A_421 : vector<16xf32>
        %mul3A_423 = arith.constant 4 : i32
        %mul3A_424 = arith.muli %scan3A_213, %mul3A_423 : i32
        %add3A_425 = arith.constant 2 : i32
        %add3A_426 = arith.addi %mul3A_424, %add3A_425 : i32
        %swap3A_427 = arith.index_cast %add3A_426 : i32 to index
        %swap3A_428 = arith.constant 32 : index
        %swap3A_429 = tpu.vector_load %arg6[%swap3A_427, %swap3A_428] {strides = array<i32>} : memref<800x64xf32, #tpu.memory_space<vmem>>, vector<1x16xf32>,
        %swap3A_430 = vector.shape_cast %swap3A_429 : vector<1x16xf32> to vector<16xf32>
        %swap3A_431 = vector.shape_cast %mul3A_422 : vector<16xf32> to vector<1x16xf32>
        tpu.vector_store %arg6[%swap3A_427, %swap3A_428], %swap3A_431 {strides = array<i32>} : memref<800x64xf32, #tpu.memory_space<vmem>>, vector<1x16xf32>,
        %mul3A_432 = arith.constant 4 : i32
        %mul3A_433 = arith.muli %scan3A_213, %mul3A_432 : i32
        %add3A_434 = arith.constant 2 : i32
        %add3A_435 = arith.addi %mul3A_433, %add3A_434 : i32
        %get3A_436 = arith.index_cast %add3A_435 : i32 to index
        %get3A_437 = arith.constant 48 : index
        %get3A_438 = tpu.vector_load %arg6[%get3A_436, %get3A_437] {strides = array<i32>} : memref<800x64xf32, #tpu.memory_space<vmem>>, vector<1x16xf32>,
        %get3A_439 = vector.shape_cast %get3A_438 : vector<1x16xf32> to vector<16xf32>
        %mul3A_440 = arith.constant 8.000000e+00 : f32
        %mul3A_441 = vector.broadcast %mul3A_440 : f32 to vector<16xf32>
        %mul3A_442 = arith.mulf %get3A_439, %mul3A_441 : vector<16xf32>
        %mul3A_443 = arith.constant 4 : i32
        %mul3A_444 = arith.muli %scan3A_213, %mul3A_443 : i32
        %add3A_445 = arith.constant 2 : i32
        %add3A_446 = arith.addi %mul3A_444, %add3A_445 : i32
        %swap3A_447 = arith.index_cast %add3A_446 : i32 to index
        %swap3A_448 = arith.constant 48 : index
        %swap3A_449 = tpu.vector_load %arg6[%swap3A_447, %swap3A_448] {strides = array<i32>} : memref<800x64xf32, #tpu.memory_space<vmem>>, vector<1x16xf32>,
        %swap3A_450 = vector.shape_cast %swap3A_449 : vector<1x16xf32> to vector<16xf32>
        %swap3A_451 = vector.shape_cast %mul3A_442 : vector<16xf32> to vector<1x16xf32>
        tpu.vector_store %arg6[%swap3A_447, %swap3A_448], %swap3A_451 {strides = array<i32>} : memref<800x64xf32, #tpu.memory_space<vmem>>, vector<1x16xf32>,
        %mul3A_452 = arith.constant 4 : i32
        %mul3A_453 = arith.muli %scan3A_213, %mul3A_452 : i32
        %add3A_454 = arith.constant 3 : i32
        %add3A_455 = arith.addi %mul3A_453, %add3A_454 : i32
        %get3A_456 = arith.index_cast %add3A_455 : i32 to index
        %get3A_457 = arith.constant 0 : index
        %get3A_458 = tpu.vector_load %arg6[%get3A_456, %get3A_457] {strides = array<i32>} : memref<800x64xf32, #tpu.memory_space<vmem>>, vector<1x16xf32>,
        %get3A_459 = vector.shape_cast %get3A_458 : vector<1x16xf32> to vector<16xf32>
        %mul3A_460 = arith.constant 8.000000e+00 : f32
        %mul3A_461 = vector.broadcast %mul3A_460 : f32 to vector<16xf32>
        %mul3A_462 = arith.mulf %get3A_459, %mul3A_461 : vector<16xf32>
        %mul3A_463 = arith.constant 4 : i32
        %mul3A_464 = arith.muli %scan3A_213, %mul3A_463 : i32
        %add3A_465 = arith.constant 3 : i32
        %add3A_466 = arith.addi %mul3A_464, %add3A_465 : i32
        %swap3A_467 = arith.index_cast %add3A_466 : i32 to index
        %swap3A_468 = arith.constant 0 : index
        %swap3A_469 = tpu.vector_load %arg6[%swap3A_467, %swap3A_468] {strides = array<i32>} : memref<800x64xf32, #tpu.memory_space<vmem>>, vector<1x16xf32>,
        %swap3A_470 = vector.shape_cast %swap3A_469 : vector<1x16xf32> to vector<16xf32>
        %swap3A_471 = vector.shape_cast %mul3A_462 : vector<16xf32> to vector<1x16xf32>
        tpu.vector_store %arg6[%swap3A_467, %swap3A_468], %swap3A_471 {strides = array<i32>} : memref<800x64xf32, #tpu.memory_space<vmem>>, vector<1x16xf32>,
        %mul3A_472 = arith.constant 4 : i32
        %mul3A_473 = arith.muli %scan3A_213, %mul3A_472 : i32
        %add3A_474 = arith.constant 3 : i32
        %add3A_475 = arith.addi %mul3A_473, %add3A_474 : i32
        %get3A_476 = arith.index_cast %add3A_475 : i32 to index
        %get3A_477 = arith.constant 16 : index
        %get3A_478 = tpu.vector_load %arg6[%get3A_476, %get3A_477] {strides = array<i32>} : memref<800x64xf32, #tpu.memory_space<vmem>>, vector<1x16xf32>,
        %get3A_479 = vector.shape_cast %get3A_478 : vector<1x16xf32> to vector<16xf32>
        %mul3A_480 = arith.constant 8.000000e+00 : f32
        %mul3A_481 = vector.broadcast %mul3A_480 : f32 to vector<16xf32>
        %mul3A_482 = arith.mulf %get3A_479, %mul3A_481 : vector<16xf32>
        %mul3A_483 = arith.constant 4 : i32
        %mul3A_484 = arith.muli %scan3A_213, %mul3A_483 : i32
        %add3A_485 = arith.constant 3 : i32
        %add3A_486 = arith.addi %mul3A_484, %add3A_485 : i32
        %swap3A_487 = arith.index_cast %add3A_486 : i32 to index
        %swap3A_488 = arith.constant 16 : index
        %swap3A_489 = tpu.vector_load %arg6[%swap3A_487, %swap3A_488] {strides = array<i32>} : memref<800x64xf32, #tpu.memory_space<vmem>>, vector<1x16xf32>,
        %swap3A_490 = vector.shape_cast %swap3A_489 : vector<1x16xf32> to vector<16xf32>
        %swap3A_491 = vector.shape_cast %mul3A_482 : vector<16xf32> to vector<1x16xf32>
        tpu.vector_store %arg6[%swap3A_487, %swap3A_488], %swap3A_491 {strides = array<i32>} : memref<800x64xf32, #tpu.memory_space<vmem>>, vector<1x16xf32>,
        %mul3A_492 = arith.constant 4 : i32
        %mul3A_493 = arith.muli %scan3A_213, %mul3A_492 : i32
        %add3A_494 = arith.constant 3 : i32
        %add3A_495 = arith.addi %mul3A_493, %add3A_494 : i32
        %get3A_496 = arith.index_cast %add3A_495 : i32 to index
        %get3A_497 = arith.constant 32 : index
        %get3A_498 = tpu.vector_load %arg6[%get3A_496, %get3A_497] {strides = array<i32>} : memref<800x64xf32, #tpu.memory_space<vmem>>, vector<1x16xf32>,
        %get3A_499 = vector.shape_cast %get3A_498 : vector<1x16xf32> to vector<16xf32>
        %mul3A_500 = arith.constant 8.000000e+00 : f32
        %mul3A_501 = vector.broadcast %mul3A_500 : f32 to vector<16xf32>
        %mul3A_502 = arith.mulf %get3A_499, %mul3A_501 : vector<16xf32>
        %mul3A_503 = arith.constant 4 : i32
        %mul3A_504 = arith.muli %scan3A_213, %mul3A_503 : i32
        %add3A_505 = arith.constant 3 : i32
        %add3A_506 = arith.addi %mul3A_504, %add3A_505 : i32
        %swap3A_507 = arith.index_cast %add3A_506 : i32 to index
        %swap3A_508 = arith.constant 32 : index
        %swap3A_509 = tpu.vector_load %arg6[%swap3A_507, %swap3A_508] {strides = array<i32>} : memref<800x64xf32, #tpu.memory_space<vmem>>, vector<1x16xf32>,
        %swap3A_510 = vector.shape_cast %swap3A_509 : vector<1x16xf32> to vector<16xf32>
        %swap3A_511 = vector.shape_cast %mul3A_502 : vector<16xf32> to vector<1x16xf32>
        tpu.vector_store %arg6[%swap3A_507, %swap3A_508], %swap3A_511 {strides = array<i32>} : memref<800x64xf32, #tpu.memory_space<vmem>>, vector<1x16xf32>,
        %mul3A_512 = arith.constant 4 : i32
        %mul3A_513 = arith.muli %scan3A_213, %mul3A_512 : i32
        %add3A_514 = arith.constant 3 : i32
        %add3A_515 = arith.addi %mul3A_513, %add3A_514 : i32
        %get3A_516 = arith.index_cast %add3A_515 : i32 to index
        %get3A_517 = arith.constant 48 : index
        %get3A_518 = tpu.vector_load %arg6[%get3A_516, %get3A_517] {strides = array<i32>} : memref<800x64xf32, #tpu.memory_space<vmem>>, vector<1x16xf32>,
        %get3A_519 = vector.shape_cast %get3A_518 : vector<1x16xf32> to vector<16xf32>
        %mul3A_520 = arith.constant 8.000000e+00 : f32
        %mul3A_521 = vector.broadcast %mul3A_520 : f32 to vector<16xf32>
        %mul3A_522 = arith.mulf %get3A_519, %mul3A_521 : vector<16xf32>
        %mul3A_523 = arith.constant 4 : i32
        %mul3A_524 = arith.muli %scan3A_213, %mul3A_523 : i32
        %add3A_525 = arith.constant 3 : i32
        %add3A_526 = arith.addi %mul3A_524, %add3A_525 : i32
        %swap3A_527 = arith.index_cast %add3A_526 : i32 to index
        %swap3A_528 = arith.constant 48 : index
        %swap3A_529 = tpu.vector_load %arg6[%swap3A_527, %swap3A_528] {strides = array<i32>} : memref<800x64xf32, #tpu.memory_space<vmem>>, vector<1x16xf32>,
        %swap3A_530 = vector.shape_cast %swap3A_529 : vector<1x16xf32> to vector<16xf32>
        %swap3A_531 = vector.shape_cast %mul3A_522 : vector<16xf32> to vector<1x16xf32>
        tpu.vector_store %arg6[%swap3A_527, %swap3A_528], %swap3A_531 {strides = array<i32>} : memref<800x64xf32, #tpu.memory_space<vmem>>, vector<1x16xf32>,
      }
      %scan3A_167 = arith.constant 200 : i32
      %mul3A_168 = arith.constant 800 : i32
      %mul3A_169 = arith.muli %add3A_140, %mul3A_168 : i32
      %add3A_170 = arith.addi %mul3A_2, %mul3A_169 : i32
      %dma_start3A_171 = arith.constant 0 : i32
      %dma_start3A_172 = tpu.memref_slice %arg4[%add3A_170, %dma_start3A_171] : memref<819200x64xf32, #tpu.memory_space<hbm>> -> memref<800x64xf32, #tpu.memory_space<hbm>>
      %dma_start3A_173 = arith.constant 0 : i32
      %dma_start3A_174 = tpu.memref_slice %arg4[%add3A_170, %dma_start3A_173] : memref<819200x64xf32, #tpu.memory_space<hbm>> -> memref<800x64xf32, #tpu.memory_space<hbm>>
      tpu.enqueue_dma source(%arg6 : memref<800x64xf32, #tpu.memory_space<vmem>>) target(%dma_start3A_174 : memref<800x64xf32, #tpu.memory_space<hbm>>) target_semaphore(%arg10 : memref<!tpu.dma_semaphore, #tpu.memory_space<semaphore_mem>>)
      %mul3A_175 = arith.constant 2 : i32
      %mul3A_176 = arith.muli %scan3A_136, %mul3A_175 : i32
      %add3A_177 = arith.constant 1 : i32
      %add3A_178 = arith.addi %mul3A_176, %add3A_177 : i32
      %dma_wait3A_179 = arith.constant 0 : i32
      %dma_wait3A_180 = arith.constant 0 : i32
      %dma_wait3A_181 = tpu.memref_slice %arg4[%dma_wait3A_179, %dma_wait3A_180] : memref<819200x64xf32, #tpu.memory_space<hbm>> -> memref<800x64xf32, #tpu.memory_space<hbm>>
      %dma_wait3A_182 = arith.constant 0 : i32
      %dma_wait3A_183 = arith.constant 0 : i32
      %dma_wait3A_184 = tpu.memref_slice %arg4[%dma_wait3A_182, %dma_wait3A_183] : memref<819200x64xf32, #tpu.memory_space<hbm>> -> memref<800x64xf32, #tpu.memory_space<hbm>>
      tpu.wait_dma2 semaphore(%arg10 : memref<!tpu.dma_semaphore, #tpu.memory_space<semaphore_mem>>) src(%arg6 : memref<800x64xf32, #tpu.memory_space<vmem>>) dst(%dma_wait3A_184 : memref<800x64xf32, #tpu.memory_space<hbm>>)
      %add3A_185 = arith.constant 1 : i32
      %add3A_186 = arith.addi %add3A_178, %add3A_185 : i32
      %dma_start3A_187 = arith.constant 0 : i32
      %dma_start3A_188 = tpu.memref_slice %arg5[%add3A_186, %dma_start3A_187] : memref<32x800xi32, #tpu.memory_space<vmem>> -> memref<1x800xi32, #tpu.memory_space<vmem>>
      %dma_start3A_189 = tpu.memref_squeeze %dma_start3A_188 : memref<1x800xi32, #tpu.memory_space<vmem>> -> memref<800xi32, #tpu.memory_space<vmem>>
      %dma_start3A_190 = arith.constant 0 : i32
      %dma_start3A_191 = arith.constant 0 : i32
      %dma_start3A_192 = tpu.memref_slice %arg3[%dma_start3A_190, %dma_start3A_191] : memref<1000000x64xf32, #tpu.memory_space<hbm>> -> memref<1000000x64xf32, #tpu.memory_space<hbm>>
      tpu.enqueue_indirect_dma source(%dma_start3A_192 : memref<1000000x64xf32, #tpu.memory_space<hbm>>) target(%arg6 : memref<800x64xf32, #tpu.memory_space<vmem>>) offsets(%dma_start3A_189 : memref<800xi32, #tpu.memory_space<vmem>>) semaphore(%arg8 : memref<!tpu.dma_semaphore, #tpu.memory_space<semaphore_mem>>)
      %dma_wait3A_193 = arith.constant 0 : i32
      %dma_wait3A_194 = arith.constant 0 : i32
      %dma_wait3A_195 = tpu.memref_slice %arg5[%dma_wait3A_193, %dma_wait3A_194] : memref<32x800xi32, #tpu.memory_space<vmem>> -> memref<1x800xi32, #tpu.memory_space<vmem>>
      %dma_wait3A_196 = tpu.memref_squeeze %dma_wait3A_195 : memref<1x800xi32, #tpu.memory_space<vmem>> -> memref<800xi32, #tpu.memory_space<vmem>>
      %dma_wait3A_197 = arith.constant 0 : i32
      %dma_wait3A_198 = arith.constant 0 : i32
      %dma_wait3A_199 = tpu.memref_slice %arg3[%dma_wait3A_197, %dma_wait3A_198] : memref<1000000x64xf32, #tpu.memory_space<hbm>> -> memref<1000000x64xf32, #tpu.memory_space<hbm>>
      tpu.wait_indirect_dma semaphore(%arg9 : memref<!tpu.dma_semaphore, #tpu.memory_space<semaphore_mem>>) src(%dma_wait3A_199 : memref<1000000x64xf32, #tpu.memory_space<hbm>>) dst(%arg7 : memref<800x64xf32, #tpu.memory_space<vmem>>)
      %scan3A_200 = arith.constant 0 : i32
      %scan3A_201 = arith.constant 0 : i32
      %scan3A_202 = arith.constant 200 : i32
      %scan3A_203 = arith.addi %scan3A_201, %scan3A_202 : i32
      %scan3A_204 = arith.constant 1 : i32
      scf.for %scan3A_213 = %scan3A_201 to %scan3A_203 step %scan3A_204  : i32 {
        %mul3A_214 = arith.constant 4 : i32
        %mul3A_215 = arith.muli %scan3A_213, %mul3A_214 : i32
        %add3A_216 = arith.constant 0 : i32
        %add3A_217 = arith.addi %mul3A_215, %add3A_216 : i32
        %get3A = arith.index_cast %add3A_217 : i32 to index
        %get3A_218 = arith.constant 0 : index
        %get3A_219 = tpu.vector_load %arg7[%get3A, %get3A_218] {strides = array<i32>} : memref<800x64xf32, #tpu.memory_space<vmem>>, vector<1x16xf32>,
        %get3A_220 = vector.shape_cast %get3A_219 : vector<1x16xf32> to vector<16xf32>
        %mul3A_221 = arith.constant 8.000000e+00 : f32
        %mul3A_222 = vector.broadcast %mul3A_221 : f32 to vector<16xf32>
        %mul3A_223 = arith.mulf %get3A_220, %mul3A_222 : vector<16xf32>
        %mul3A_224 = arith.constant 4 : i32
        %mul3A_225 = arith.muli %scan3A_213, %mul3A_224 : i32
        %add3A_226 = arith.constant 0 : i32
        %add3A_227 = arith.addi %mul3A_225, %add3A_226 : i32
        %swap3A = arith.index_cast %add3A_227 : i32 to index
        %swap3A_228 = arith.constant 0 : index
        %swap3A_229 = tpu.vector_load %arg7[%swap3A, %swap3A_228] {strides = array<i32>} : memref<800x64xf32, #tpu.memory_space<vmem>>, vector<1x16xf32>,
        %swap3A_230 = vector.shape_cast %swap3A_229 : vector<1x16xf32> to vector<16xf32>
        %swap3A_231 = vector.shape_cast %mul3A_223 : vector<16xf32> to vector<1x16xf32>
        tpu.vector_store %arg7[%swap3A, %swap3A_228], %swap3A_231 {strides = array<i32>} : memref<800x64xf32, #tpu.memory_space<vmem>>, vector<1x16xf32>,
        %mul3A_232 = arith.constant 4 : i32
        %mul3A_233 = arith.muli %scan3A_213, %mul3A_232 : i32
        %add3A_234 = arith.constant 0 : i32
        %add3A_235 = arith.addi %mul3A_233, %add3A_234 : i32
        %get3A_236 = arith.index_cast %add3A_235 : i32 to index
        %get3A_237 = arith.constant 16 : index
        %get3A_238 = tpu.vector_load %arg7[%get3A_236, %get3A_237] {strides = array<i32>} : memref<800x64xf32, #tpu.memory_space<vmem>>, vector<1x16xf32>,
        %get3A_239 = vector.shape_cast %get3A_238 : vector<1x16xf32> to vector<16xf32>
        %mul3A_240 = arith.constant 8.000000e+00 : f32
        %mul3A_241 = vector.broadcast %mul3A_240 : f32 to vector<16xf32>
        %mul3A_242 = arith.mulf %get3A_239, %mul3A_241 : vector<16xf32>
        %mul3A_243 = arith.constant 4 : i32
        %mul3A_244 = arith.muli %scan3A_213, %mul3A_243 : i32
        %add3A_245 = arith.constant 0 : i32
        %add3A_246 = arith.addi %mul3A_244, %add3A_245 : i32
        %swap3A_247 = arith.index_cast %add3A_246 : i32 to index
        %swap3A_248 = arith.constant 16 : index
        %swap3A_249 = tpu.vector_load %arg7[%swap3A_247, %swap3A_248] {strides = array<i32>} : memref<800x64xf32, #tpu.memory_space<vmem>>, vector<1x16xf32>,
        %swap3A_250 = vector.shape_cast %swap3A_249 : vector<1x16xf32> to vector<16xf32>
        %swap3A_251 = vector.shape_cast %mul3A_242 : vector<16xf32> to vector<1x16xf32>
        tpu.vector_store %arg7[%swap3A_247, %swap3A_248], %swap3A_251 {strides = array<i32>} : memref<800x64xf32, #tpu.memory_space<vmem>>, vector<1x16xf32>,
        %mul3A_252 = arith.constant 4 : i32
        %mul3A_253 = arith.muli %scan3A_213, %mul3A_252 : i32
        %add3A_254 = arith.constant 0 : i32
        %add3A_255 = arith.addi %mul3A_253, %add3A_254 : i32
        %get3A_256 = arith.index_cast %add3A_255 : i32 to index
        %get3A_257 = arith.constant 32 : index
        %get3A_258 = tpu.vector_load %arg7[%get3A_256, %get3A_257] {strides = array<i32>} : memref<800x64xf32, #tpu.memory_space<vmem>>, vector<1x16xf32>,
        %get3A_259 = vector.shape_cast %get3A_258 : vector<1x16xf32> to vector<16xf32>
        %mul3A_260 = arith.constant 8.000000e+00 : f32
        %mul3A_261 = vector.broadcast %mul3A_260 : f32 to vector<16xf32>
        %mul3A_262 = arith.mulf %get3A_259, %mul3A_261 : vector<16xf32>
        %mul3A_263 = arith.constant 4 : i32
        %mul3A_264 = arith.muli %scan3A_213, %mul3A_263 : i32
        %add3A_265 = arith.constant 0 : i32
        %add3A_266 = arith.addi %mul3A_264, %add3A_265 : i32
        %swap3A_267 = arith.index_cast %add3A_266 : i32 to index
        %swap3A_268 = arith.constant 32 : index
        %swap3A_269 = tpu.vector_load %arg7[%swap3A_267, %swap3A_268] {strides = array<i32>} : memref<800x64xf32, #tpu.memory_space<vmem>>, vector<1x16xf32>,
        %swap3A_270 = vector.shape_cast %swap3A_269 : vector<1x16xf32> to vector<16xf32>
        %swap3A_271 = vector.shape_cast %mul3A_262 : vector<16xf32> to vector<1x16xf32>
        tpu.vector_store %arg7[%swap3A_267, %swap3A_268], %swap3A_271 {strides = array<i32>} : memref<800x64xf32, #tpu.memory_space<vmem>>, vector<1x16xf32>,
        %mul3A_272 = arith.constant 4 : i32
        %mul3A_273 = arith.muli %scan3A_213, %mul3A_272 : i32
        %add3A_274 = arith.constant 0 : i32
        %add3A_275 = arith.addi %mul3A_273, %add3A_274 : i32
        %get3A_276 = arith.index_cast %add3A_275 : i32 to index
        %get3A_277 = arith.constant 48 : index
        %get3A_278 = tpu.vector_load %arg7[%get3A_276, %get3A_277] {strides = array<i32>} : memref<800x64xf32, #tpu.memory_space<vmem>>, vector<1x16xf32>,
        %get3A_279 = vector.shape_cast %get3A_278 : vector<1x16xf32> to vector<16xf32>
        %mul3A_280 = arith.constant 8.000000e+00 : f32
        %mul3A_281 = vector.broadcast %mul3A_280 : f32 to vector<16xf32>
        %mul3A_282 = arith.mulf %get3A_279, %mul3A_281 : vector<16xf32>
        %mul3A_283 = arith.constant 4 : i32
        %mul3A_284 = arith.muli %scan3A_213, %mul3A_283 : i32
        %add3A_285 = arith.constant 0 : i32
        %add3A_286 = arith.addi %mul3A_284, %add3A_285 : i32
        %swap3A_287 = arith.index_cast %add3A_286 : i32 to index
        %swap3A_288 = arith.constant 48 : index
        %swap3A_289 = tpu.vector_load %arg7[%swap3A_287, %swap3A_288] {strides = array<i32>} : memref<800x64xf32, #tpu.memory_space<vmem>>, vector<1x16xf32>,
        %swap3A_290 = vector.shape_cast %swap3A_289 : vector<1x16xf32> to vector<16xf32>
        %swap3A_291 = vector.shape_cast %mul3A_282 : vector<16xf32> to vector<1x16xf32>
        tpu.vector_store %arg7[%swap3A_287, %swap3A_288], %swap3A_291 {strides = array<i32>} : memref<800x64xf32, #tpu.memory_space<vmem>>, vector<1x16xf32>,
        %mul3A_292 = arith.constant 4 : i32
        %mul3A_293 = arith.muli %scan3A_213, %mul3A_292 : i32
        %add3A_294 = arith.constant 1 : i32
        %add3A_295 = arith.addi %mul3A_293, %add3A_294 : i32
        %get3A_296 = arith.index_cast %add3A_295 : i32 to index
        %get3A_297 = arith.constant 0 : index
        %get3A_298 = tpu.vector_load %arg7[%get3A_296, %get3A_297] {strides = array<i32>} : memref<800x64xf32, #tpu.memory_space<vmem>>, vector<1x16xf32>,
        %get3A_299 = vector.shape_cast %get3A_298 : vector<1x16xf32> to vector<16xf32>
        %mul3A_300 = arith.constant 8.000000e+00 : f32
        %mul3A_301 = vector.broadcast %mul3A_300 : f32 to vector<16xf32>
        %mul3A_302 = arith.mulf %get3A_299, %mul3A_301 : vector<16xf32>
        %mul3A_303 = arith.constant 4 : i32
        %mul3A_304 = arith.muli %scan3A_213, %mul3A_303 : i32
        %add3A_305 = arith.constant 1 : i32
        %add3A_306 = arith.addi %mul3A_304, %add3A_305 : i32
        %swap3A_307 = arith.index_cast %add3A_306 : i32 to index
        %swap3A_308 = arith.constant 0 : index
        %swap3A_309 = tpu.vector_load %arg7[%swap3A_307, %swap3A_308] {strides = array<i32>} : memref<800x64xf32, #tpu.memory_space<vmem>>, vector<1x16xf32>,
        %swap3A_310 = vector.shape_cast %swap3A_309 : vector<1x16xf32> to vector<16xf32>
        %swap3A_311 = vector.shape_cast %mul3A_302 : vector<16xf32> to vector<1x16xf32>
        tpu.vector_store %arg7[%swap3A_307, %swap3A_308], %swap3A_311 {strides = array<i32>} : memref<800x64xf32, #tpu.memory_space<vmem>>, vector<1x16xf32>,
        %mul3A_312 = arith.constant 4 : i32
        %mul3A_313 = arith.muli %scan3A_213, %mul3A_312 : i32
        %add3A_314 = arith.constant 1 : i32
        %add3A_315 = arith.addi %mul3A_313, %add3A_314 : i32
        %get3A_316 = arith.index_cast %add3A_315 : i32 to index
        %get3A_317 = arith.constant 16 : index
        %get3A_318 = tpu.vector_load %arg7[%get3A_316, %get3A_317] {strides = array<i32>} : memref<800x64xf32, #tpu.memory_space<vmem>>, vector<1x16xf32>,
        %get3A_319 = vector.shape_cast %get3A_318 : vector<1x16xf32> to vector<16xf32>
        %mul3A_320 = arith.constant 8.000000e+00 : f32
        %mul3A_321 = vector.broadcast %mul3A_320 : f32 to vector<16xf32>
        %mul3A_322 = arith.mulf %get3A_319, %mul3A_321 : vector<16xf32>
        %mul3A_323 = arith.constant 4 : i32
        %mul3A_324 = arith.muli %scan3A_213, %mul3A_323 : i32
        %add3A_325 = arith.constant 1 : i32
        %add3A_326 = arith.addi %mul3A_324, %add3A_325 : i32
        %swap3A_327 = arith.index_cast %add3A_326 : i32 to index
        %swap3A_328 = arith.constant 16 : index
        %swap3A_329 = tpu.vector_load %arg7[%swap3A_327, %swap3A_328] {strides = array<i32>} : memref<800x64xf32, #tpu.memory_space<vmem>>, vector<1x16xf32>,
        %swap3A_330 = vector.shape_cast %swap3A_329 : vector<1x16xf32> to vector<16xf32>
        %swap3A_331 = vector.shape_cast %mul3A_322 : vector<16xf32> to vector<1x16xf32>
        tpu.vector_store %arg7[%swap3A_327, %swap3A_328], %swap3A_331 {strides = array<i32>} : memref<800x64xf32, #tpu.memory_space<vmem>>, vector<1x16xf32>,
        %mul3A_332 = arith.constant 4 : i32
        %mul3A_333 = arith.muli %scan3A_213, %mul3A_332 : i32
        %add3A_334 = arith.constant 1 : i32
        %add3A_335 = arith.addi %mul3A_333, %add3A_334 : i32
        %get3A_336 = arith.index_cast %add3A_335 : i32 to index
        %get3A_337 = arith.constant 32 : index
        %get3A_338 = tpu.vector_load %arg7[%get3A_336, %get3A_337] {strides = array<i32>} : memref<800x64xf32, #tpu.memory_space<vmem>>, vector<1x16xf32>,
        %get3A_339 = vector.shape_cast %get3A_338 : vector<1x16xf32> to vector<16xf32>
        %mul3A_340 = arith.constant 8.000000e+00 : f32
        %mul3A_341 = vector.broadcast %mul3A_340 : f32 to vector<16xf32>
        %mul3A_342 = arith.mulf %get3A_339, %mul3A_341 : vector<16xf32>
        %mul3A_343 = arith.constant 4 : i32
        %mul3A_344 = arith.muli %scan3A_213, %mul3A_343 : i32
        %add3A_345 = arith.constant 1 : i32
        %add3A_346 = arith.addi %mul3A_344, %add3A_345 : i32
        %swap3A_347 = arith.index_cast %add3A_346 : i32 to index
        %swap3A_348 = arith.constant 32 : index
        %swap3A_349 = tpu.vector_load %arg7[%swap3A_347, %swap3A_348] {strides = array<i32>} : memref<800x64xf32, #tpu.memory_space<vmem>>, vector<1x16xf32>,
        %swap3A_350 = vector.shape_cast %swap3A_349 : vector<1x16xf32> to vector<16xf32>
        %swap3A_351 = vector.shape_cast %mul3A_342 : vector<16xf32> to vector<1x16xf32>
        tpu.vector_store %arg7[%swap3A_347, %swap3A_348], %swap3A_351 {strides = array<i32>} : memref<800x64xf32, #tpu.memory_space<vmem>>, vector<1x16xf32>,
        %mul3A_352 = arith.constant 4 : i32
        %mul3A_353 = arith.muli %scan3A_213, %mul3A_352 : i32
        %add3A_354 = arith.constant 1 : i32
        %add3A_355 = arith.addi %mul3A_353, %add3A_354 : i32
        %get3A_356 = arith.index_cast %add3A_355 : i32 to index
        %get3A_357 = arith.constant 48 : index
        %get3A_358 = tpu.vector_load %arg7[%get3A_356, %get3A_357] {strides = array<i32>} : memref<800x64xf32, #tpu.memory_space<vmem>>, vector<1x16xf32>,
        %get3A_359 = vector.shape_cast %get3A_358 : vector<1x16xf32> to vector<16xf32>
        %mul3A_360 = arith.constant 8.000000e+00 : f32
        %mul3A_361 = vector.broadcast %mul3A_360 : f32 to vector<16xf32>
        %mul3A_362 = arith.mulf %get3A_359, %mul3A_361 : vector<16xf32>
        %mul3A_363 = arith.constant 4 : i32
        %mul3A_364 = arith.muli %scan3A_213, %mul3A_363 : i32
        %add3A_365 = arith.constant 1 : i32
        %add3A_366 = arith.addi %mul3A_364, %add3A_365 : i32
        %swap3A_367 = arith.index_cast %add3A_366 : i32 to index
        %swap3A_368 = arith.constant 48 : index
        %swap3A_369 = tpu.vector_load %arg7[%swap3A_367, %swap3A_368] {strides = array<i32>} : memref<800x64xf32, #tpu.memory_space<vmem>>, vector<1x16xf32>,
        %swap3A_370 = vector.shape_cast %swap3A_369 : vector<1x16xf32> to vector<16xf32>
        %swap3A_371 = vector.shape_cast %mul3A_362 : vector<16xf32> to vector<1x16xf32>
        tpu.vector_store %arg7[%swap3A_367, %swap3A_368], %swap3A_371 {strides = array<i32>} : memref<800x64xf32, #tpu.memory_space<vmem>>, vector<1x16xf32>,
        %mul3A_372 = arith.constant 4 : i32
        %mul3A_373 = arith.muli %scan3A_213, %mul3A_372 : i32
        %add3A_374 = arith.constant 2 : i32
        %add3A_375 = arith.addi %mul3A_373, %add3A_374 : i32
        %get3A_376 = arith.index_cast %add3A_375 : i32 to index
        %get3A_377 = arith.constant 0 : index
        %get3A_378 = tpu.vector_load %arg7[%get3A_376, %get3A_377] {strides = array<i32>} : memref<800x64xf32, #tpu.memory_space<vmem>>, vector<1x16xf32>,
        %get3A_379 = vector.shape_cast %get3A_378 : vector<1x16xf32> to vector<16xf32>
        %mul3A_380 = arith.constant 8.000000e+00 : f32
        %mul3A_381 = vector.broadcast %mul3A_380 : f32 to vector<16xf32>
        %mul3A_382 = arith.mulf %get3A_379, %mul3A_381 : vector<16xf32>
        %mul3A_383 = arith.constant 4 : i32
        %mul3A_384 = arith.muli %scan3A_213, %mul3A_383 : i32
        %add3A_385 = arith.constant 2 : i32
        %add3A_386 = arith.addi %mul3A_384, %add3A_385 : i32
        %swap3A_387 = arith.index_cast %add3A_386 : i32 to index
        %swap3A_388 = arith.constant 0 : index
        %swap3A_389 = tpu.vector_load %arg7[%swap3A_387, %swap3A_388] {strides = array<i32>} : memref<800x64xf32, #tpu.memory_space<vmem>>, vector<1x16xf32>,
        %swap3A_390 = vector.shape_cast %swap3A_389 : vector<1x16xf32> to vector<16xf32>
        %swap3A_391 = vector.shape_cast %mul3A_382 : vector<16xf32> to vector<1x16xf32>
        tpu.vector_store %arg7[%swap3A_387, %swap3A_388], %swap3A_391 {strides = array<i32>} : memref<800x64xf32, #tpu.memory_space<vmem>>, vector<1x16xf32>,
        %mul3A_392 = arith.constant 4 : i32
        %mul3A_393 = arith.muli %scan3A_213, %mul3A_392 : i32
        %add3A_394 = arith.constant 2 : i32
        %add3A_395 = arith.addi %mul3A_393, %add3A_394 : i32
        %get3A_396 = arith.index_cast %add3A_395 : i32 to index
        %get3A_397 = arith.constant 16 : index
        %get3A_398 = tpu.vector_load %arg7[%get3A_396, %get3A_397] {strides = array<i32>} : memref<800x64xf32, #tpu.memory_space<vmem>>, vector<1x16xf32>,
        %get3A_399 = vector.shape_cast %get3A_398 : vector<1x16xf32> to vector<16xf32>
        %mul3A_400 = arith.constant 8.000000e+00 : f32
        %mul3A_401 = vector.broadcast %mul3A_400 : f32 to vector<16xf32>
        %mul3A_402 = arith.mulf %get3A_399, %mul3A_401 : vector<16xf32>
        %mul3A_403 = arith.constant 4 : i32
        %mul3A_404 = arith.muli %scan3A_213, %mul3A_403 : i32
        %add3A_405 = arith.constant 2 : i32
        %add3A_406 = arith.addi %mul3A_404, %add3A_405 : i32
        %swap3A_407 = arith.index_cast %add3A_406 : i32 to index
        %swap3A_408 = arith.constant 16 : index
        %swap3A_409 = tpu.vector_load %arg7[%swap3A_407, %swap3A_408] {strides = array<i32>} : memref<800x64xf32, #tpu.memory_space<vmem>>, vector<1x16xf32>,
        %swap3A_410 = vector.shape_cast %swap3A_409 : vector<1x16xf32> to vector<16xf32>
        %swap3A_411 = vector.shape_cast %mul3A_402 : vector<16xf32> to vector<1x16xf32>
        tpu.vector_store %arg7[%swap3A_407, %swap3A_408], %swap3A_411 {strides = array<i32>} : memref<800x64xf32, #tpu.memory_space<vmem>>, vector<1x16xf32>,
        %mul3A_412 = arith.constant 4 : i32
        %mul3A_413 = arith.muli %scan3A_213, %mul3A_412 : i32
        %add3A_414 = arith.constant 2 : i32
        %add3A_415 = arith.addi %mul3A_413, %add3A_414 : i32
        %get3A_416 = arith.index_cast %add3A_415 : i32 to index
        %get3A_417 = arith.constant 32 : index
        %get3A_418 = tpu.vector_load %arg7[%get3A_416, %get3A_417] {strides = array<i32>} : memref<800x64xf32, #tpu.memory_space<vmem>>, vector<1x16xf32>,
        %get3A_419 = vector.shape_cast %get3A_418 : vector<1x16xf32> to vector<16xf32>
        %mul3A_420 = arith.constant 8.000000e+00 : f32
        %mul3A_421 = vector.broadcast %mul3A_420 : f32 to vector<16xf32>
        %mul3A_422 = arith.mulf %get3A_419, %mul3A_421 : vector<16xf32>
        %mul3A_423 = arith.constant 4 : i32
        %mul3A_424 = arith.muli %scan3A_213, %mul3A_423 : i32
        %add3A_425 = arith.constant 2 : i32
        %add3A_426 = arith.addi %mul3A_424, %add3A_425 : i32
        %swap3A_427 = arith.index_cast %add3A_426 : i32 to index
        %swap3A_428 = arith.constant 32 : index
        %swap3A_429 = tpu.vector_load %arg7[%swap3A_427, %swap3A_428] {strides = array<i32>} : memref<800x64xf32, #tpu.memory_space<vmem>>, vector<1x16xf32>,
        %swap3A_430 = vector.shape_cast %swap3A_429 : vector<1x16xf32> to vector<16xf32>
        %swap3A_431 = vector.shape_cast %mul3A_422 : vector<16xf32> to vector<1x16xf32>
        tpu.vector_store %arg7[%swap3A_427, %swap3A_428], %swap3A_431 {strides = array<i32>} : memref<800x64xf32, #tpu.memory_space<vmem>>, vector<1x16xf32>,
        %mul3A_432 = arith.constant 4 : i32
        %mul3A_433 = arith.muli %scan3A_213, %mul3A_432 : i32
        %add3A_434 = arith.constant 2 : i32
        %add3A_435 = arith.addi %mul3A_433, %add3A_434 : i32
        %get3A_436 = arith.index_cast %add3A_435 : i32 to index
        %get3A_437 = arith.constant 48 : index
        %get3A_438 = tpu.vector_load %arg7[%get3A_436, %get3A_437] {strides = array<i32>} : memref<800x64xf32, #tpu.memory_space<vmem>>, vector<1x16xf32>,
        %get3A_439 = vector.shape_cast %get3A_438 : vector<1x16xf32> to vector<16xf32>
        %mul3A_440 = arith.constant 8.000000e+00 : f32
        %mul3A_441 = vector.broadcast %mul3A_440 : f32 to vector<16xf32>
        %mul3A_442 = arith.mulf %get3A_439, %mul3A_441 : vector<16xf32>
        %mul3A_443 = arith.constant 4 : i32
        %mul3A_444 = arith.muli %scan3A_213, %mul3A_443 : i32
        %add3A_445 = arith.constant 2 : i32
        %add3A_446 = arith.addi %mul3A_444, %add3A_445 : i32
        %swap3A_447 = arith.index_cast %add3A_446 : i32 to index
        %swap3A_448 = arith.constant 48 : index
        %swap3A_449 = tpu.vector_load %arg7[%swap3A_447, %swap3A_448] {strides = array<i32>} : memref<800x64xf32, #tpu.memory_space<vmem>>, vector<1x16xf32>,
        %swap3A_450 = vector.shape_cast %swap3A_449 : vector<1x16xf32> to vector<16xf32>
        %swap3A_451 = vector.shape_cast %mul3A_442 : vector<16xf32> to vector<1x16xf32>
        tpu.vector_store %arg7[%swap3A_447, %swap3A_448], %swap3A_451 {strides = array<i32>} : memref<800x64xf32, #tpu.memory_space<vmem>>, vector<1x16xf32>,
        %mul3A_452 = arith.constant 4 : i32
        %mul3A_453 = arith.muli %scan3A_213, %mul3A_452 : i32
        %add3A_454 = arith.constant 3 : i32
        %add3A_455 = arith.addi %mul3A_453, %add3A_454 : i32
        %get3A_456 = arith.index_cast %add3A_455 : i32 to index
        %get3A_457 = arith.constant 0 : index
        %get3A_458 = tpu.vector_load %arg7[%get3A_456, %get3A_457] {strides = array<i32>} : memref<800x64xf32, #tpu.memory_space<vmem>>, vector<1x16xf32>,
        %get3A_459 = vector.shape_cast %get3A_458 : vector<1x16xf32> to vector<16xf32>
        %mul3A_460 = arith.constant 8.000000e+00 : f32
        %mul3A_461 = vector.broadcast %mul3A_460 : f32 to vector<16xf32>
        %mul3A_462 = arith.mulf %get3A_459, %mul3A_461 : vector<16xf32>
        %mul3A_463 = arith.constant 4 : i32
        %mul3A_464 = arith.muli %scan3A_213, %mul3A_463 : i32
        %add3A_465 = arith.constant 3 : i32
        %add3A_466 = arith.addi %mul3A_464, %add3A_465 : i32
        %swap3A_467 = arith.index_cast %add3A_466 : i32 to index
        %swap3A_468 = arith.constant 0 : index
        %swap3A_469 = tpu.vector_load %arg7[%swap3A_467, %swap3A_468] {strides = array<i32>} : memref<800x64xf32, #tpu.memory_space<vmem>>, vector<1x16xf32>,
        %swap3A_470 = vector.shape_cast %swap3A_469 : vector<1x16xf32> to vector<16xf32>
        %swap3A_471 = vector.shape_cast %mul3A_462 : vector<16xf32> to vector<1x16xf32>
        tpu.vector_store %arg7[%swap3A_467, %swap3A_468], %swap3A_471 {strides = array<i32>} : memref<800x64xf32, #tpu.memory_space<vmem>>, vector<1x16xf32>,
        %mul3A_472 = arith.constant 4 : i32
        %mul3A_473 = arith.muli %scan3A_213, %mul3A_472 : i32
        %add3A_474 = arith.constant 3 : i32
        %add3A_475 = arith.addi %mul3A_473, %add3A_474 : i32
        %get3A_476 = arith.index_cast %add3A_475 : i32 to index
        %get3A_477 = arith.constant 16 : index
        %get3A_478 = tpu.vector_load %arg7[%get3A_476, %get3A_477] {strides = array<i32>} : memref<800x64xf32, #tpu.memory_space<vmem>>, vector<1x16xf32>,
        %get3A_479 = vector.shape_cast %get3A_478 : vector<1x16xf32> to vector<16xf32>
        %mul3A_480 = arith.constant 8.000000e+00 : f32
        %mul3A_481 = vector.broadcast %mul3A_480 : f32 to vector<16xf32>
        %mul3A_482 = arith.mulf %get3A_479, %mul3A_481 : vector<16xf32>
        %mul3A_483 = arith.constant 4 : i32
        %mul3A_484 = arith.muli %scan3A_213, %mul3A_483 : i32
        %add3A_485 = arith.constant 3 : i32
        %add3A_486 = arith.addi %mul3A_484, %add3A_485 : i32
        %swap3A_487 = arith.index_cast %add3A_486 : i32 to index
        %swap3A_488 = arith.constant 16 : index
        %swap3A_489 = tpu.vector_load %arg7[%swap3A_487, %swap3A_488] {strides = array<i32>} : memref<800x64xf32, #tpu.memory_space<vmem>>, vector<1x16xf32>,
        %swap3A_490 = vector.shape_cast %swap3A_489 : vector<1x16xf32> to vector<16xf32>
        %swap3A_491 = vector.shape_cast %mul3A_482 : vector<16xf32> to vector<1x16xf32>
        tpu.vector_store %arg7[%swap3A_487, %swap3A_488], %swap3A_491 {strides = array<i32>} : memref<800x64xf32, #tpu.memory_space<vmem>>, vector<1x16xf32>,
        %mul3A_492 = arith.constant 4 : i32
        %mul3A_493 = arith.muli %scan3A_213, %mul3A_492 : i32
        %add3A_494 = arith.constant 3 : i32
        %add3A_495 = arith.addi %mul3A_493, %add3A_494 : i32
        %get3A_496 = arith.index_cast %add3A_495 : i32 to index
        %get3A_497 = arith.constant 32 : index
        %get3A_498 = tpu.vector_load %arg7[%get3A_496, %get3A_497] {strides = array<i32>} : memref<800x64xf32, #tpu.memory_space<vmem>>, vector<1x16xf32>,
        %get3A_499 = vector.shape_cast %get3A_498 : vector<1x16xf32> to vector<16xf32>
        %mul3A_500 = arith.constant 8.000000e+00 : f32
        %mul3A_501 = vector.broadcast %mul3A_500 : f32 to vector<16xf32>
        %mul3A_502 = arith.mulf %get3A_499, %mul3A_501 : vector<16xf32>
        %mul3A_503 = arith.constant 4 : i32
        %mul3A_504 = arith.muli %scan3A_213, %mul3A_503 : i32
        %add3A_505 = arith.constant 3 : i32
        %add3A_506 = arith.addi %mul3A_504, %add3A_505 : i32
        %swap3A_507 = arith.index_cast %add3A_506 : i32 to index
        %swap3A_508 = arith.constant 32 : index
        %swap3A_509 = tpu.vector_load %arg7[%swap3A_507, %swap3A_508] {strides = array<i32>} : memref<800x64xf32, #tpu.memory_space<vmem>>, vector<1x16xf32>,
        %swap3A_510 = vector.shape_cast %swap3A_509 : vector<1x16xf32> to vector<16xf32>
        %swap3A_511 = vector.shape_cast %mul3A_502 : vector<16xf32> to vector<1x16xf32>
        tpu.vector_store %arg7[%swap3A_507, %swap3A_508], %swap3A_511 {strides = array<i32>} : memref<800x64xf32, #tpu.memory_space<vmem>>, vector<1x16xf32>,
        %mul3A_512 = arith.constant 4 : i32
        %mul3A_513 = arith.muli %scan3A_213, %mul3A_512 : i32
        %add3A_514 = arith.constant 3 : i32
        %add3A_515 = arith.addi %mul3A_513, %add3A_514 : i32
        %get3A_516 = arith.index_cast %add3A_515 : i32 to index
        %get3A_517 = arith.constant 48 : index
        %get3A_518 = tpu.vector_load %arg7[%get3A_516, %get3A_517] {strides = array<i32>} : memref<800x64xf32, #tpu.memory_space<vmem>>, vector<1x16xf32>,
        %get3A_519 = vector.shape_cast %get3A_518 : vector<1x16xf32> to vector<16xf32>
        %mul3A_520 = arith.constant 8.000000e+00 : f32
        %mul3A_521 = vector.broadcast %mul3A_520 : f32 to vector<16xf32>
        %mul3A_522 = arith.mulf %get3A_519, %mul3A_521 : vector<16xf32>
        %mul3A_523 = arith.constant 4 : i32
        %mul3A_524 = arith.muli %scan3A_213, %mul3A_523 : i32
        %add3A_525 = arith.constant 3 : i32
        %add3A_526 = arith.addi %mul3A_524, %add3A_525 : i32
        %swap3A_527 = arith.index_cast %add3A_526 : i32 to index
        %swap3A_528 = arith.constant 48 : index
        %swap3A_529 = tpu.vector_load %arg7[%swap3A_527, %swap3A_528] {strides = array<i32>} : memref<800x64xf32, #tpu.memory_space<vmem>>, vector<1x16xf32>,
        %swap3A_530 = vector.shape_cast %swap3A_529 : vector<1x16xf32> to vector<16xf32>
        %swap3A_531 = vector.shape_cast %mul3A_522 : vector<16xf32> to vector<1x16xf32>
        tpu.vector_store %arg7[%swap3A_527, %swap3A_528], %swap3A_531 {strides = array<i32>} : memref<800x64xf32, #tpu.memory_space<vmem>>, vector<1x16xf32>,
      }
      %scan3A_205 = arith.constant 200 : i32
      %mul3A_206 = arith.constant 800 : i32
      %mul3A_207 = arith.muli %add3A_178, %mul3A_206 : i32
      %add3A_208 = arith.addi %mul3A_2, %mul3A_207 : i32
      %dma_start3A_209 = arith.constant 0 : i32
      %dma_start3A_210 = tpu.memref_slice %arg4[%add3A_208, %dma_start3A_209] : memref<819200x64xf32, #tpu.memory_space<hbm>> -> memref<800x64xf32, #tpu.memory_space<hbm>>
      %dma_start3A_211 = arith.constant 0 : i32
      %dma_start3A_212 = tpu.memref_slice %arg4[%add3A_208, %dma_start3A_211] : memref<819200x64xf32, #tpu.memory_space<hbm>> -> memref<800x64xf32, #tpu.memory_space<hbm>>
      tpu.enqueue_dma source(%arg7 : memref<800x64xf32, #tpu.memory_space<vmem>>) target(%dma_start3A_212 : memref<800x64xf32, #tpu.memory_space<hbm>>) target_semaphore(%arg11 : memref<!tpu.dma_semaphore, #tpu.memory_space<semaphore_mem>>)
    }
    %scan3A_72 = arith.constant 14 : i32
    %dma_wait3A_73 = arith.constant 0 : i32
    %dma_wait3A_74 = arith.constant 0 : i32
    %dma_wait3A_75 = tpu.memref_slice %arg4[%dma_wait3A_73, %dma_wait3A_74] : memref<819200x64xf32, #tpu.memory_space<hbm>> -> memref<800x64xf32, #tpu.memory_space<hbm>>
    %dma_wait3A_76 = arith.constant 0 : i32
    %dma_wait3A_77 = arith.constant 0 : i32
    %dma_wait3A_78 = tpu.memref_slice %arg4[%dma_wait3A_76, %dma_wait3A_77] : memref<819200x64xf32, #tpu.memory_space<hbm>> -> memref<800x64xf32, #tpu.memory_space<hbm>>
    tpu.wait_dma2 semaphore(%arg11 : memref<!tpu.dma_semaphore, #tpu.memory_space<semaphore_mem>>) src(%arg7 : memref<800x64xf32, #tpu.memory_space<vmem>>) dst(%dma_wait3A_78 : memref<800x64xf32, #tpu.memory_space<hbm>>)
    %dma_start3A_79 = arith.constant 31 : i32
    %dma_start3A_80 = arith.constant 0 : i32
    %dma_start3A_81 = tpu.memref_slice %arg5[%dma_start3A_79, %dma_start3A_80] : memref<32x800xi32, #tpu.memory_space<vmem>> -> memref<1x800xi32, #tpu.memory_space<vmem>>
    %dma_start3A_82 = tpu.memref_squeeze %dma_start3A_81 : memref<1x800xi32, #tpu.memory_space<vmem>> -> memref<800xi32, #tpu.memory_space<vmem>>
    %dma_start3A_83 = arith.constant 0 : i32
    %dma_start3A_84 = arith.constant 0 : i32
    %dma_start3A_85 = tpu.memref_slice %arg3[%dma_start3A_83, %dma_start3A_84] : memref<1000000x64xf32, #tpu.memory_space<hbm>> -> memref<1000000x64xf32, #tpu.memory_space<hbm>>
    tpu.enqueue_indirect_dma source(%dma_start3A_85 : memref<1000000x64xf32, #tpu.memory_space<hbm>>) target(%arg7 : memref<800x64xf32, #tpu.memory_space<vmem>>) offsets(%dma_start3A_82 : memref<800xi32, #tpu.memory_space<vmem>>) semaphore(%arg9 : memref<!tpu.dma_semaphore, #tpu.memory_space<semaphore_mem>>)
    %dma_wait3A_86 = arith.constant 0 : i32
    %dma_wait3A_87 = arith.constant 0 : i32
    %dma_wait3A_88 = tpu.memref_slice %arg5[%dma_wait3A_86, %dma_wait3A_87] : memref<32x800xi32, #tpu.memory_space<vmem>> -> memref<1x800xi32, #tpu.memory_space<vmem>>
    %dma_wait3A_89 = tpu.memref_squeeze %dma_wait3A_88 : memref<1x800xi32, #tpu.memory_space<vmem>> -> memref<800xi32, #tpu.memory_space<vmem>>
    %dma_wait3A_90 = arith.constant 0 : i32
    %dma_wait3A_91 = arith.constant 0 : i32
    %dma_wait3A_92 = tpu.memref_slice %arg3[%dma_wait3A_90, %dma_wait3A_91] : memref<1000000x64xf32, #tpu.memory_space<hbm>> -> memref<1000000x64xf32, #tpu.memory_space<hbm>>
    tpu.wait_indirect_dma semaphore(%arg8 : memref<!tpu.dma_semaphore, #tpu.memory_space<semaphore_mem>>) src(%dma_wait3A_92 : memref<1000000x64xf32, #tpu.memory_space<hbm>>) dst(%arg6 : memref<800x64xf32, #tpu.memory_space<vmem>>)
    %scan3A_93 = arith.constant 0 : i32
    %scan3A_94 = arith.constant 0 : i32
    %scan3A_95 = arith.constant 200 : i32
    %scan3A_96 = arith.addi %scan3A_94, %scan3A_95 : i32
    %scan3A_97 = arith.constant 1 : i32
    scf.for %scan3A_136 = %scan3A_94 to %scan3A_96 step %scan3A_97  : i32 {
      %mul3A_137 = arith.constant 4 : i32
      %mul3A_138 = arith.muli %scan3A_136, %mul3A_137 : i32
      %add3A_139 = arith.constant 0 : i32
      %add3A_140 = arith.addi %mul3A_138, %add3A_139 : i32
      %get3A = arith.index_cast %add3A_140 : i32 to index
      %get3A_141 = arith.constant 0 : index
      %get3A_142 = tpu.vector_load %arg6[%get3A, %get3A_141] {strides = array<i32>} : memref<800x64xf32, #tpu.memory_space<vmem>>, vector<1x16xf32>,
      %get3A_143 = vector.shape_cast %get3A_142 : vector<1x16xf32> to vector<16xf32>
      %mul3A_144 = arith.constant 8.000000e+00 : f32
      %mul3A_145 = vector.broadcast %mul3A_144 : f32 to vector<16xf32>
      %mul3A_146 = arith.mulf %get3A_143, %mul3A_145 : vector<16xf32>
      %mul3A_147 = arith.constant 4 : i32
      %mul3A_148 = arith.muli %scan3A_136, %mul3A_147 : i32
      %add3A_149 = arith.constant 0 : i32
      %add3A_150 = arith.addi %mul3A_148, %add3A_149 : i32
      %swap3A = arith.index_cast %add3A_150 : i32 to index
      %swap3A_151 = arith.constant 0 : index
      %swap3A_152 = tpu.vector_load %arg6[%swap3A, %swap3A_151] {strides = array<i32>} : memref<800x64xf32, #tpu.memory_space<vmem>>, vector<1x16xf32>,
      %swap3A_153 = vector.shape_cast %swap3A_152 : vector<1x16xf32> to vector<16xf32>
      %swap3A_154 = vector.shape_cast %mul3A_146 : vector<16xf32> to vector<1x16xf32>
      tpu.vector_store %arg6[%swap3A, %swap3A_151], %swap3A_154 {strides = array<i32>} : memref<800x64xf32, #tpu.memory_space<vmem>>, vector<1x16xf32>,
      %mul3A_155 = arith.constant 4 : i32
      %mul3A_156 = arith.muli %scan3A_136, %mul3A_155 : i32
      %add3A_157 = arith.constant 0 : i32
      %add3A_158 = arith.addi %mul3A_156, %add3A_157 : i32
      %get3A_159 = arith.index_cast %add3A_158 : i32 to index
      %get3A_160 = arith.constant 16 : index
      %get3A_161 = tpu.vector_load %arg6[%get3A_159, %get3A_160] {strides = array<i32>} : memref<800x64xf32, #tpu.memory_space<vmem>>, vector<1x16xf32>,
      %get3A_162 = vector.shape_cast %get3A_161 : vector<1x16xf32> to vector<16xf32>
      %mul3A_163 = arith.constant 8.000000e+00 : f32
      %mul3A_164 = vector.broadcast %mul3A_163 : f32 to vector<16xf32>
      %mul3A_165 = arith.mulf %get3A_162, %mul3A_164 : vector<16xf32>
      %mul3A_166 = arith.constant 4 : i32
      %mul3A_167 = arith.muli %scan3A_136, %mul3A_166 : i32
      %add3A_168 = arith.constant 0 : i32
      %add3A_169 = arith.addi %mul3A_167, %add3A_168 : i32
      %swap3A_170 = arith.index_cast %add3A_169 : i32 to index
      %swap3A_171 = arith.constant 16 : index
      %swap3A_172 = tpu.vector_load %arg6[%swap3A_170, %swap3A_171] {strides = array<i32>} : memref<800x64xf32, #tpu.memory_space<vmem>>, vector<1x16xf32>,
      %swap3A_173 = vector.shape_cast %swap3A_172 : vector<1x16xf32> to vector<16xf32>
      %swap3A_174 = vector.shape_cast %mul3A_165 : vector<16xf32> to vector<1x16xf32>
      tpu.vector_store %arg6[%swap3A_170, %swap3A_171], %swap3A_174 {strides = array<i32>} : memref<800x64xf32, #tpu.memory_space<vmem>>, vector<1x16xf32>,
      %mul3A_175 = arith.constant 4 : i32
      %mul3A_176 = arith.muli %scan3A_136, %mul3A_175 : i32
      %add3A_177 = arith.constant 0 : i32
      %add3A_178 = arith.addi %mul3A_176, %add3A_177 : i32
      %get3A_179 = arith.index_cast %add3A_178 : i32 to index
      %get3A_180 = arith.constant 32 : index
      %get3A_181 = tpu.vector_load %arg6[%get3A_179, %get3A_180] {strides = array<i32>} : memref<800x64xf32, #tpu.memory_space<vmem>>, vector<1x16xf32>,
      %get3A_182 = vector.shape_cast %get3A_181 : vector<1x16xf32> to vector<16xf32>
      %mul3A_183 = arith.constant 8.000000e+00 : f32
      %mul3A_184 = vector.broadcast %mul3A_183 : f32 to vector<16xf32>
      %mul3A_185 = arith.mulf %get3A_182, %mul3A_184 : vector<16xf32>
      %mul3A_186 = arith.constant 4 : i32
      %mul3A_187 = arith.muli %scan3A_136, %mul3A_186 : i32
      %add3A_188 = arith.constant 0 : i32
      %add3A_189 = arith.addi %mul3A_187, %add3A_188 : i32
      %swap3A_190 = arith.index_cast %add3A_189 : i32 to index
      %swap3A_191 = arith.constant 32 : index
      %swap3A_192 = tpu.vector_load %arg6[%swap3A_190, %swap3A_191] {strides = array<i32>} : memref<800x64xf32, #tpu.memory_space<vmem>>, vector<1x16xf32>,
      %swap3A_193 = vector.shape_cast %swap3A_192 : vector<1x16xf32> to vector<16xf32>
      %swap3A_194 = vector.shape_cast %mul3A_185 : vector<16xf32> to vector<1x16xf32>
      tpu.vector_store %arg6[%swap3A_190, %swap3A_191], %swap3A_194 {strides = array<i32>} : memref<800x64xf32, #tpu.memory_space<vmem>>, vector<1x16xf32>,
      %mul3A_195 = arith.constant 4 : i32
      %mul3A_196 = arith.muli %scan3A_136, %mul3A_195 : i32
      %add3A_197 = arith.constant 0 : i32
      %add3A_198 = arith.addi %mul3A_196, %add3A_197 : i32
      %get3A_199 = arith.index_cast %add3A_198 : i32 to index
      %get3A_200 = arith.constant 48 : index
      %get3A_201 = tpu.vector_load %arg6[%get3A_199, %get3A_200] {strides = array<i32>} : memref<800x64xf32, #tpu.memory_space<vmem>>, vector<1x16xf32>,
      %get3A_202 = vector.shape_cast %get3A_201 : vector<1x16xf32> to vector<16xf32>
      %mul3A_203 = arith.constant 8.000000e+00 : f32
      %mul3A_204 = vector.broadcast %mul3A_203 : f32 to vector<16xf32>
      %mul3A_205 = arith.mulf %get3A_202, %mul3A_204 : vector<16xf32>
      %mul3A_206 = arith.constant 4 : i32
      %mul3A_207 = arith.muli %scan3A_136, %mul3A_206 : i32
      %add3A_208 = arith.constant 0 : i32
      %add3A_209 = arith.addi %mul3A_207, %add3A_208 : i32
      %swap3A_210 = arith.index_cast %add3A_209 : i32 to index
      %swap3A_211 = arith.constant 48 : index
      %swap3A_212 = tpu.vector_load %arg6[%swap3A_210, %swap3A_211] {strides = array<i32>} : memref<800x64xf32, #tpu.memory_space<vmem>>, vector<1x16xf32>,
      %swap3A_213 = vector.shape_cast %swap3A_212 : vector<1x16xf32> to vector<16xf32>
      %swap3A_214 = vector.shape_cast %mul3A_205 : vector<16xf32> to vector<1x16xf32>
      tpu.vector_store %arg6[%swap3A_210, %swap3A_211], %swap3A_214 {strides = array<i32>} : memref<800x64xf32, #tpu.memory_space<vmem>>, vector<1x16xf32>,
      %mul3A_215 = arith.constant 4 : i32
      %mul3A_216 = arith.muli %scan3A_136, %mul3A_215 : i32
      %add3A_217 = arith.constant 1 : i32
      %add3A_218 = arith.addi %mul3A_216, %add3A_217 : i32
      %get3A_219 = arith.index_cast %add3A_218 : i32 to index
      %get3A_220 = arith.constant 0 : index
      %get3A_221 = tpu.vector_load %arg6[%get3A_219, %get3A_220] {strides = array<i32>} : memref<800x64xf32, #tpu.memory_space<vmem>>, vector<1x16xf32>,
      %get3A_222 = vector.shape_cast %get3A_221 : vector<1x16xf32> to vector<16xf32>
      %mul3A_223 = arith.constant 8.000000e+00 : f32
      %mul3A_224 = vector.broadcast %mul3A_223 : f32 to vector<16xf32>
      %mul3A_225 = arith.mulf %get3A_222, %mul3A_224 : vector<16xf32>
      %mul3A_226 = arith.constant 4 : i32
      %mul3A_227 = arith.muli %scan3A_136, %mul3A_226 : i32
      %add3A_228 = arith.constant 1 : i32
      %add3A_229 = arith.addi %mul3A_227, %add3A_228 : i32
      %swap3A_230 = arith.index_cast %add3A_229 : i32 to index
      %swap3A_231 = arith.constant 0 : index
      %swap3A_232 = tpu.vector_load %arg6[%swap3A_230, %swap3A_231] {strides = array<i32>} : memref<800x64xf32, #tpu.memory_space<vmem>>, vector<1x16xf32>,
      %swap3A_233 = vector.shape_cast %swap3A_232 : vector<1x16xf32> to vector<16xf32>
      %swap3A_234 = vector.shape_cast %mul3A_225 : vector<16xf32> to vector<1x16xf32>
      tpu.vector_store %arg6[%swap3A_230, %swap3A_231], %swap3A_234 {strides = array<i32>} : memref<800x64xf32, #tpu.memory_space<vmem>>, vector<1x16xf32>,
      %mul3A_235 = arith.constant 4 : i32
      %mul3A_236 = arith.muli %scan3A_136, %mul3A_235 : i32
      %add3A_237 = arith.constant 1 : i32
      %add3A_238 = arith.addi %mul3A_236, %add3A_237 : i32
      %get3A_239 = arith.index_cast %add3A_238 : i32 to index
      %get3A_240 = arith.constant 16 : index
      %get3A_241 = tpu.vector_load %arg6[%get3A_239, %get3A_240] {strides = array<i32>} : memref<800x64xf32, #tpu.memory_space<vmem>>, vector<1x16xf32>,
      %get3A_242 = vector.shape_cast %get3A_241 : vector<1x16xf32> to vector<16xf32>
      %mul3A_243 = arith.constant 8.000000e+00 : f32
      %mul3A_244 = vector.broadcast %mul3A_243 : f32 to vector<16xf32>
      %mul3A_245 = arith.mulf %get3A_242, %mul3A_244 : vector<16xf32>
      %mul3A_246 = arith.constant 4 : i32
      %mul3A_247 = arith.muli %scan3A_136, %mul3A_246 : i32
      %add3A_248 = arith.constant 1 : i32
      %add3A_249 = arith.addi %mul3A_247, %add3A_248 : i32
      %swap3A_250 = arith.index_cast %add3A_249 : i32 to index
      %swap3A_251 = arith.constant 16 : index
      %swap3A_252 = tpu.vector_load %arg6[%swap3A_250, %swap3A_251] {strides = array<i32>} : memref<800x64xf32, #tpu.memory_space<vmem>>, vector<1x16xf32>,
      %swap3A_253 = vector.shape_cast %swap3A_252 : vector<1x16xf32> to vector<16xf32>
      %swap3A_254 = vector.shape_cast %mul3A_245 : vector<16xf32> to vector<1x16xf32>
      tpu.vector_store %arg6[%swap3A_250, %swap3A_251], %swap3A_254 {strides = array<i32>} : memref<800x64xf32, #tpu.memory_space<vmem>>, vector<1x16xf32>,
      %mul3A_255 = arith.constant 4 : i32
      %mul3A_256 = arith.muli %scan3A_136, %mul3A_255 : i32
      %add3A_257 = arith.constant 1 : i32
      %add3A_258 = arith.addi %mul3A_256, %add3A_257 : i32
      %get3A_259 = arith.index_cast %add3A_258 : i32 to index
      %get3A_260 = arith.constant 32 : index
      %get3A_261 = tpu.vector_load %arg6[%get3A_259, %get3A_260] {strides = array<i32>} : memref<800x64xf32, #tpu.memory_space<vmem>>, vector<1x16xf32>,
      %get3A_262 = vector.shape_cast %get3A_261 : vector<1x16xf32> to vector<16xf32>
      %mul3A_263 = arith.constant 8.000000e+00 : f32
      %mul3A_264 = vector.broadcast %mul3A_263 : f32 to vector<16xf32>
      %mul3A_265 = arith.mulf %get3A_262, %mul3A_264 : vector<16xf32>
      %mul3A_266 = arith.constant 4 : i32
      %mul3A_267 = arith.muli %scan3A_136, %mul3A_266 : i32
      %add3A_268 = arith.constant 1 : i32
      %add3A_269 = arith.addi %mul3A_267, %add3A_268 : i32
      %swap3A_270 = arith.index_cast %add3A_269 : i32 to index
      %swap3A_271 = arith.constant 32 : index
      %swap3A_272 = tpu.vector_load %arg6[%swap3A_270, %swap3A_271] {strides = array<i32>} : memref<800x64xf32, #tpu.memory_space<vmem>>, vector<1x16xf32>,
      %swap3A_273 = vector.shape_cast %swap3A_272 : vector<1x16xf32> to vector<16xf32>
      %swap3A_274 = vector.shape_cast %mul3A_265 : vector<16xf32> to vector<1x16xf32>
      tpu.vector_store %arg6[%swap3A_270, %swap3A_271], %swap3A_274 {strides = array<i32>} : memref<800x64xf32, #tpu.memory_space<vmem>>, vector<1x16xf32>,
      %mul3A_275 = arith.constant 4 : i32
      %mul3A_276 = arith.muli %scan3A_136, %mul3A_275 : i32
      %add3A_277 = arith.constant 1 : i32
      %add3A_278 = arith.addi %mul3A_276, %add3A_277 : i32
      %get3A_279 = arith.index_cast %add3A_278 : i32 to index
      %get3A_280 = arith.constant 48 : index
      %get3A_281 = tpu.vector_load %arg6[%get3A_279, %get3A_280] {strides = array<i32>} : memref<800x64xf32, #tpu.memory_space<vmem>>, vector<1x16xf32>,
      %get3A_282 = vector.shape_cast %get3A_281 : vector<1x16xf32> to vector<16xf32>
      %mul3A_283 = arith.constant 8.000000e+00 : f32
      %mul3A_284 = vector.broadcast %mul3A_283 : f32 to vector<16xf32>
      %mul3A_285 = arith.mulf %get3A_282, %mul3A_284 : vector<16xf32>
      %mul3A_286 = arith.constant 4 : i32
      %mul3A_287 = arith.muli %scan3A_136, %mul3A_286 : i32
      %add3A_288 = arith.constant 1 : i32
      %add3A_289 = arith.addi %mul3A_287, %add3A_288 : i32
      %swap3A_290 = arith.index_cast %add3A_289 : i32 to index
      %swap3A_291 = arith.constant 48 : index
      %swap3A_292 = tpu.vector_load %arg6[%swap3A_290, %swap3A_291] {strides = array<i32>} : memref<800x64xf32, #tpu.memory_space<vmem>>, vector<1x16xf32>,
      %swap3A_293 = vector.shape_cast %swap3A_292 : vector<1x16xf32> to vector<16xf32>
      %swap3A_294 = vector.shape_cast %mul3A_285 : vector<16xf32> to vector<1x16xf32>
      tpu.vector_store %arg6[%swap3A_290, %swap3A_291], %swap3A_294 {strides = array<i32>} : memref<800x64xf32, #tpu.memory_space<vmem>>, vector<1x16xf32>,
      %mul3A_295 = arith.constant 4 : i32
      %mul3A_296 = arith.muli %scan3A_136, %mul3A_295 : i32
      %add3A_297 = arith.constant 2 : i32
      %add3A_298 = arith.addi %mul3A_296, %add3A_297 : i32
      %get3A_299 = arith.index_cast %add3A_298 : i32 to index
      %get3A_300 = arith.constant 0 : index
      %get3A_301 = tpu.vector_load %arg6[%get3A_299, %get3A_300] {strides = array<i32>} : memref<800x64xf32, #tpu.memory_space<vmem>>, vector<1x16xf32>,
      %get3A_302 = vector.shape_cast %get3A_301 : vector<1x16xf32> to vector<16xf32>
      %mul3A_303 = arith.constant 8.000000e+00 : f32
      %mul3A_304 = vector.broadcast %mul3A_303 : f32 to vector<16xf32>
      %mul3A_305 = arith.mulf %get3A_302, %mul3A_304 : vector<16xf32>
      %mul3A_306 = arith.constant 4 : i32
      %mul3A_307 = arith.muli %scan3A_136, %mul3A_306 : i32
      %add3A_308 = arith.constant 2 : i32
      %add3A_309 = arith.addi %mul3A_307, %add3A_308 : i32
      %swap3A_310 = arith.index_cast %add3A_309 : i32 to index
      %swap3A_311 = arith.constant 0 : index
      %swap3A_312 = tpu.vector_load %arg6[%swap3A_310, %swap3A_311] {strides = array<i32>} : memref<800x64xf32, #tpu.memory_space<vmem>>, vector<1x16xf32>,
      %swap3A_313 = vector.shape_cast %swap3A_312 : vector<1x16xf32> to vector<16xf32>
      %swap3A_314 = vector.shape_cast %mul3A_305 : vector<16xf32> to vector<1x16xf32>
      tpu.vector_store %arg6[%swap3A_310, %swap3A_311], %swap3A_314 {strides = array<i32>} : memref<800x64xf32, #tpu.memory_space<vmem>>, vector<1x16xf32>,
      %mul3A_315 = arith.constant 4 : i32
      %mul3A_316 = arith.muli %scan3A_136, %mul3A_315 : i32
      %add3A_317 = arith.constant 2 : i32
      %add3A_318 = arith.addi %mul3A_316, %add3A_317 : i32
      %get3A_319 = arith.index_cast %add3A_318 : i32 to index
      %get3A_320 = arith.constant 16 : index
      %get3A_321 = tpu.vector_load %arg6[%get3A_319, %get3A_320] {strides = array<i32>} : memref<800x64xf32, #tpu.memory_space<vmem>>, vector<1x16xf32>,
      %get3A_322 = vector.shape_cast %get3A_321 : vector<1x16xf32> to vector<16xf32>
      %mul3A_323 = arith.constant 8.000000e+00 : f32
      %mul3A_324 = vector.broadcast %mul3A_323 : f32 to vector<16xf32>
      %mul3A_325 = arith.mulf %get3A_322, %mul3A_324 : vector<16xf32>
      %mul3A_326 = arith.constant 4 : i32
      %mul3A_327 = arith.muli %scan3A_136, %mul3A_326 : i32
      %add3A_328 = arith.constant 2 : i32
      %add3A_329 = arith.addi %mul3A_327, %add3A_328 : i32
      %swap3A_330 = arith.index_cast %add3A_329 : i32 to index
      %swap3A_331 = arith.constant 16 : index
      %swap3A_332 = tpu.vector_load %arg6[%swap3A_330, %swap3A_331] {strides = array<i32>} : memref<800x64xf32, #tpu.memory_space<vmem>>, vector<1x16xf32>,
      %swap3A_333 = vector.shape_cast %swap3A_332 : vector<1x16xf32> to vector<16xf32>
      %swap3A_334 = vector.shape_cast %mul3A_325 : vector<16xf32> to vector<1x16xf32>
      tpu.vector_store %arg6[%swap3A_330, %swap3A_331], %swap3A_334 {strides = array<i32>} : memref<800x64xf32, #tpu.memory_space<vmem>>, vector<1x16xf32>,
      %mul3A_335 = arith.constant 4 : i32
      %mul3A_336 = arith.muli %scan3A_136, %mul3A_335 : i32
      %add3A_337 = arith.constant 2 : i32
      %add3A_338 = arith.addi %mul3A_336, %add3A_337 : i32
      %get3A_339 = arith.index_cast %add3A_338 : i32 to index
      %get3A_340 = arith.constant 32 : index
      %get3A_341 = tpu.vector_load %arg6[%get3A_339, %get3A_340] {strides = array<i32>} : memref<800x64xf32, #tpu.memory_space<vmem>>, vector<1x16xf32>,
      %get3A_342 = vector.shape_cast %get3A_341 : vector<1x16xf32> to vector<16xf32>
      %mul3A_343 = arith.constant 8.000000e+00 : f32
      %mul3A_344 = vector.broadcast %mul3A_343 : f32 to vector<16xf32>
      %mul3A_345 = arith.mulf %get3A_342, %mul3A_344 : vector<16xf32>
      %mul3A_346 = arith.constant 4 : i32
      %mul3A_347 = arith.muli %scan3A_136, %mul3A_346 : i32
      %add3A_348 = arith.constant 2 : i32
      %add3A_349 = arith.addi %mul3A_347, %add3A_348 : i32
      %swap3A_350 = arith.index_cast %add3A_349 : i32 to index
      %swap3A_351 = arith.constant 32 : index
      %swap3A_352 = tpu.vector_load %arg6[%swap3A_350, %swap3A_351] {strides = array<i32>} : memref<800x64xf32, #tpu.memory_space<vmem>>, vector<1x16xf32>,
      %swap3A_353 = vector.shape_cast %swap3A_352 : vector<1x16xf32> to vector<16xf32>
      %swap3A_354 = vector.shape_cast %mul3A_345 : vector<16xf32> to vector<1x16xf32>
      tpu.vector_store %arg6[%swap3A_350, %swap3A_351], %swap3A_354 {strides = array<i32>} : memref<800x64xf32, #tpu.memory_space<vmem>>, vector<1x16xf32>,
      %mul3A_355 = arith.constant 4 : i32
      %mul3A_356 = arith.muli %scan3A_136, %mul3A_355 : i32
      %add3A_357 = arith.constant 2 : i32
      %add3A_358 = arith.addi %mul3A_356, %add3A_357 : i32
      %get3A_359 = arith.index_cast %add3A_358 : i32 to index
      %get3A_360 = arith.constant 48 : index
      %get3A_361 = tpu.vector_load %arg6[%get3A_359, %get3A_360] {strides = array<i32>} : memref<800x64xf32, #tpu.memory_space<vmem>>, vector<1x16xf32>,
      %get3A_362 = vector.shape_cast %get3A_361 : vector<1x16xf32> to vector<16xf32>
      %mul3A_363 = arith.constant 8.000000e+00 : f32
      %mul3A_364 = vector.broadcast %mul3A_363 : f32 to vector<16xf32>
      %mul3A_365 = arith.mulf %get3A_362, %mul3A_364 : vector<16xf32>
      %mul3A_366 = arith.constant 4 : i32
      %mul3A_367 = arith.muli %scan3A_136, %mul3A_366 : i32
      %add3A_368 = arith.constant 2 : i32
      %add3A_369 = arith.addi %mul3A_367, %add3A_368 : i32
      %swap3A_370 = arith.index_cast %add3A_369 : i32 to index
      %swap3A_371 = arith.constant 48 : index
      %swap3A_372 = tpu.vector_load %arg6[%swap3A_370, %swap3A_371] {strides = array<i32>} : memref<800x64xf32, #tpu.memory_space<vmem>>, vector<1x16xf32>,
      %swap3A_373 = vector.shape_cast %swap3A_372 : vector<1x16xf32> to vector<16xf32>
      %swap3A_374 = vector.shape_cast %mul3A_365 : vector<16xf32> to vector<1x16xf32>
      tpu.vector_store %arg6[%swap3A_370, %swap3A_371], %swap3A_374 {strides = array<i32>} : memref<800x64xf32, #tpu.memory_space<vmem>>, vector<1x16xf32>,
      %mul3A_375 = arith.constant 4 : i32
      %mul3A_376 = arith.muli %scan3A_136, %mul3A_375 : i32
      %add3A_377 = arith.constant 3 : i32
      %add3A_378 = arith.addi %mul3A_376, %add3A_377 : i32
      %get3A_379 = arith.index_cast %add3A_378 : i32 to index
      %get3A_380 = arith.constant 0 : index
      %get3A_381 = tpu.vector_load %arg6[%get3A_379, %get3A_380] {strides = array<i32>} : memref<800x64xf32, #tpu.memory_space<vmem>>, vector<1x16xf32>,
      %get3A_382 = vector.shape_cast %get3A_381 : vector<1x16xf32> to vector<16xf32>
      %mul3A_383 = arith.constant 8.000000e+00 : f32
      %mul3A_384 = vector.broadcast %mul3A_383 : f32 to vector<16xf32>
      %mul3A_385 = arith.mulf %get3A_382, %mul3A_384 : vector<16xf32>
      %mul3A_386 = arith.constant 4 : i32
      %mul3A_387 = arith.muli %scan3A_136, %mul3A_386 : i32
      %add3A_388 = arith.constant 3 : i32
      %add3A_389 = arith.addi %mul3A_387, %add3A_388 : i32
      %swap3A_390 = arith.index_cast %add3A_389 : i32 to index
      %swap3A_391 = arith.constant 0 : index
      %swap3A_392 = tpu.vector_load %arg6[%swap3A_390, %swap3A_391] {strides = array<i32>} : memref<800x64xf32, #tpu.memory_space<vmem>>, vector<1x16xf32>,
      %swap3A_393 = vector.shape_cast %swap3A_392 : vector<1x16xf32> to vector<16xf32>
      %swap3A_394 = vector.shape_cast %mul3A_385 : vector<16xf32> to vector<1x16xf32>
      tpu.vector_store %arg6[%swap3A_390, %swap3A_391], %swap3A_394 {strides = array<i32>} : memref<800x64xf32, #tpu.memory_space<vmem>>, vector<1x16xf32>,
      %mul3A_395 = arith.constant 4 : i32
      %mul3A_396 = arith.muli %scan3A_136, %mul3A_395 : i32
      %add3A_397 = arith.constant 3 : i32
      %add3A_398 = arith.addi %mul3A_396, %add3A_397 : i32
      %get3A_399 = arith.index_cast %add3A_398 : i32 to index
      %get3A_400 = arith.constant 16 : index
      %get3A_401 = tpu.vector_load %arg6[%get3A_399, %get3A_400] {strides = array<i32>} : memref<800x64xf32, #tpu.memory_space<vmem>>, vector<1x16xf32>,
      %get3A_402 = vector.shape_cast %get3A_401 : vector<1x16xf32> to vector<16xf32>
      %mul3A_403 = arith.constant 8.000000e+00 : f32
      %mul3A_404 = vector.broadcast %mul3A_403 : f32 to vector<16xf32>
      %mul3A_405 = arith.mulf %get3A_402, %mul3A_404 : vector<16xf32>
      %mul3A_406 = arith.constant 4 : i32
      %mul3A_407 = arith.muli %scan3A_136, %mul3A_406 : i32
      %add3A_408 = arith.constant 3 : i32
      %add3A_409 = arith.addi %mul3A_407, %add3A_408 : i32
      %swap3A_410 = arith.index_cast %add3A_409 : i32 to index
      %swap3A_411 = arith.constant 16 : index
      %swap3A_412 = tpu.vector_load %arg6[%swap3A_410, %swap3A_411] {strides = array<i32>} : memref<800x64xf32, #tpu.memory_space<vmem>>, vector<1x16xf32>,
      %swap3A_413 = vector.shape_cast %swap3A_412 : vector<1x16xf32> to vector<16xf32>
      %swap3A_414 = vector.shape_cast %mul3A_405 : vector<16xf32> to vector<1x16xf32>
      tpu.vector_store %arg6[%swap3A_410, %swap3A_411], %swap3A_414 {strides = array<i32>} : memref<800x64xf32, #tpu.memory_space<vmem>>, vector<1x16xf32>,
      %mul3A_415 = arith.constant 4 : i32
      %mul3A_416 = arith.muli %scan3A_136, %mul3A_415 : i32
      %add3A_417 = arith.constant 3 : i32
      %add3A_418 = arith.addi %mul3A_416, %add3A_417 : i32
      %get3A_419 = arith.index_cast %add3A_418 : i32 to index
      %get3A_420 = arith.constant 32 : index
      %get3A_421 = tpu.vector_load %arg6[%get3A_419, %get3A_420] {strides = array<i32>} : memref<800x64xf32, #tpu.memory_space<vmem>>, vector<1x16xf32>,
      %get3A_422 = vector.shape_cast %get3A_421 : vector<1x16xf32> to vector<16xf32>
      %mul3A_423 = arith.constant 8.000000e+00 : f32
      %mul3A_424 = vector.broadcast %mul3A_423 : f32 to vector<16xf32>
      %mul3A_425 = arith.mulf %get3A_422, %mul3A_424 : vector<16xf32>
      %mul3A_426 = arith.constant 4 : i32
      %mul3A_427 = arith.muli %scan3A_136, %mul3A_426 : i32
      %add3A_428 = arith.constant 3 : i32
      %add3A_429 = arith.addi %mul3A_427, %add3A_428 : i32
      %swap3A_430 = arith.index_cast %add3A_429 : i32 to index
      %swap3A_431 = arith.constant 32 : index
      %swap3A_432 = tpu.vector_load %arg6[%swap3A_430, %swap3A_431] {strides = array<i32>} : memref<800x64xf32, #tpu.memory_space<vmem>>, vector<1x16xf32>,
      %swap3A_433 = vector.shape_cast %swap3A_432 : vector<1x16xf32> to vector<16xf32>
      %swap3A_434 = vector.shape_cast %mul3A_425 : vector<16xf32> to vector<1x16xf32>
      tpu.vector_store %arg6[%swap3A_430, %swap3A_431], %swap3A_434 {strides = array<i32>} : memref<800x64xf32, #tpu.memory_space<vmem>>, vector<1x16xf32>,
      %mul3A_435 = arith.constant 4 : i32
      %mul3A_436 = arith.muli %scan3A_136, %mul3A_435 : i32
      %add3A_437 = arith.constant 3 : i32
      %add3A_438 = arith.addi %mul3A_436, %add3A_437 : i32
      %get3A_439 = arith.index_cast %add3A_438 : i32 to index
      %get3A_440 = arith.constant 48 : index
      %get3A_441 = tpu.vector_load %arg6[%get3A_439, %get3A_440] {strides = array<i32>} : memref<800x64xf32, #tpu.memory_space<vmem>>, vector<1x16xf32>,
      %get3A_442 = vector.shape_cast %get3A_441 : vector<1x16xf32> to vector<16xf32>
      %mul3A_443 = arith.constant 8.000000e+00 : f32
      %mul3A_444 = vector.broadcast %mul3A_443 : f32 to vector<16xf32>
      %mul3A_445 = arith.mulf %get3A_442, %mul3A_444 : vector<16xf32>
      %mul3A_446 = arith.constant 4 : i32
      %mul3A_447 = arith.muli %scan3A_136, %mul3A_446 : i32
      %add3A_448 = arith.constant 3 : i32
      %add3A_449 = arith.addi %mul3A_447, %add3A_448 : i32
      %swap3A_450 = arith.index_cast %add3A_449 : i32 to index
      %swap3A_451 = arith.constant 48 : index
      %swap3A_452 = tpu.vector_load %arg6[%swap3A_450, %swap3A_451] {strides = array<i32>} : memref<800x64xf32, #tpu.memory_space<vmem>>, vector<1x16xf32>,
      %swap3A_453 = vector.shape_cast %swap3A_452 : vector<1x16xf32> to vector<16xf32>
      %swap3A_454 = vector.shape_cast %mul3A_445 : vector<16xf32> to vector<1x16xf32>
      tpu.vector_store %arg6[%swap3A_450, %swap3A_451], %swap3A_454 {strides = array<i32>} : memref<800x64xf32, #tpu.memory_space<vmem>>, vector<1x16xf32>,
    }
    %scan3A_98 = arith.constant 200 : i32
    %add3A_99 = arith.constant 24000 : i32
    %add3A_100 = arith.addi %mul3A_2, %add3A_99 : i32
    %dma_start3A_101 = arith.constant 0 : i32
    %dma_start3A_102 = tpu.memref_slice %arg4[%add3A_100, %dma_start3A_101] : memref<819200x64xf32, #tpu.memory_space<hbm>> -> memref<800x64xf32, #tpu.memory_space<hbm>>
    %dma_start3A_103 = arith.constant 0 : i32
    %dma_start3A_104 = tpu.memref_slice %arg4[%add3A_100, %dma_start3A_103] : memref<819200x64xf32, #tpu.memory_space<hbm>> -> memref<800x64xf32, #tpu.memory_space<hbm>>
    tpu.enqueue_dma source(%arg6 : memref<800x64xf32, #tpu.memory_space<vmem>>) target(%dma_start3A_104 : memref<800x64xf32, #tpu.memory_space<hbm>>) target_semaphore(%arg10 : memref<!tpu.dma_semaphore, #tpu.memory_space<semaphore_mem>>)
    %dma_wait3A_105 = arith.constant 0 : i32
    %dma_wait3A_106 = arith.constant 0 : i32
    %dma_wait3A_107 = tpu.memref_slice %arg5[%dma_wait3A_105, %dma_wait3A_106] : memref<32x800xi32, #tpu.memory_space<vmem>> -> memref<1x800xi32, #tpu.memory_space<vmem>>
    %dma_wait3A_108 = tpu.memref_squeeze %dma_wait3A_107 : memref<1x800xi32, #tpu.memory_space<vmem>> -> memref<800xi32, #tpu.memory_space<vmem>>
    %dma_wait3A_109 = arith.constant 0 : i32
    %dma_wait3A_110 = arith.constant 0 : i32
    %dma_wait3A_111 = tpu.memref_slice %arg3[%dma_wait3A_109, %dma_wait3A_110] : memref<1000000x64xf32, #tpu.memory_space<hbm>> -> memref<1000000x64xf32, #tpu.memory_space<hbm>>
    tpu.wait_indirect_dma semaphore(%arg9 : memref<!tpu.dma_semaphore, #tpu.memory_space<semaphore_mem>>) src(%dma_wait3A_111 : memref<1000000x64xf32, #tpu.memory_space<hbm>>) dst(%arg7 : memref<800x64xf32, #tpu.memory_space<vmem>>)
    %scan3A_112 = arith.constant 0 : i32
    %scan3A_113 = arith.constant 0 : i32
    %scan3A_114 = arith.constant 200 : i32
    %scan3A_115 = arith.addi %scan3A_113, %scan3A_114 : i32
    %scan3A_116 = arith.constant 1 : i32
    scf.for %scan3A_136 = %scan3A_113 to %scan3A_115 step %scan3A_116  : i32 {
      %mul3A_137 = arith.constant 4 : i32
      %mul3A_138 = arith.muli %scan3A_136, %mul3A_137 : i32
      %add3A_139 = arith.constant 0 : i32
      %add3A_140 = arith.addi %mul3A_138, %add3A_139 : i32
      %get3A = arith.index_cast %add3A_140 : i32 to index
      %get3A_141 = arith.constant 0 : index
      %get3A_142 = tpu.vector_load %arg7[%get3A, %get3A_141] {strides = array<i32>} : memref<800x64xf32, #tpu.memory_space<vmem>>, vector<1x16xf32>,
      %get3A_143 = vector.shape_cast %get3A_142 : vector<1x16xf32> to vector<16xf32>
      %mul3A_144 = arith.constant 8.000000e+00 : f32
      %mul3A_145 = vector.broadcast %mul3A_144 : f32 to vector<16xf32>
      %mul3A_146 = arith.mulf %get3A_143, %mul3A_145 : vector<16xf32>
      %mul3A_147 = arith.constant 4 : i32
      %mul3A_148 = arith.muli %scan3A_136, %mul3A_147 : i32
      %add3A_149 = arith.constant 0 : i32
      %add3A_150 = arith.addi %mul3A_148, %add3A_149 : i32
      %swap3A = arith.index_cast %add3A_150 : i32 to index
      %swap3A_151 = arith.constant 0 : index
      %swap3A_152 = tpu.vector_load %arg7[%swap3A, %swap3A_151] {strides = array<i32>} : memref<800x64xf32, #tpu.memory_space<vmem>>, vector<1x16xf32>,
      %swap3A_153 = vector.shape_cast %swap3A_152 : vector<1x16xf32> to vector<16xf32>
      %swap3A_154 = vector.shape_cast %mul3A_146 : vector<16xf32> to vector<1x16xf32>
      tpu.vector_store %arg7[%swap3A, %swap3A_151], %swap3A_154 {strides = array<i32>} : memref<800x64xf32, #tpu.memory_space<vmem>>, vector<1x16xf32>,
      %mul3A_155 = arith.constant 4 : i32
      %mul3A_156 = arith.muli %scan3A_136, %mul3A_155 : i32
      %add3A_157 = arith.constant 0 : i32
      %add3A_158 = arith.addi %mul3A_156, %add3A_157 : i32
      %get3A_159 = arith.index_cast %add3A_158 : i32 to index
      %get3A_160 = arith.constant 16 : index
      %get3A_161 = tpu.vector_load %arg7[%get3A_159, %get3A_160] {strides = array<i32>} : memref<800x64xf32, #tpu.memory_space<vmem>>, vector<1x16xf32>,
      %get3A_162 = vector.shape_cast %get3A_161 : vector<1x16xf32> to vector<16xf32>
      %mul3A_163 = arith.constant 8.000000e+00 : f32
      %mul3A_164 = vector.broadcast %mul3A_163 : f32 to vector<16xf32>
      %mul3A_165 = arith.mulf %get3A_162, %mul3A_164 : vector<16xf32>
      %mul3A_166 = arith.constant 4 : i32
      %mul3A_167 = arith.muli %scan3A_136, %mul3A_166 : i32
      %add3A_168 = arith.constant 0 : i32
      %add3A_169 = arith.addi %mul3A_167, %add3A_168 : i32
      %swap3A_170 = arith.index_cast %add3A_169 : i32 to index
      %swap3A_171 = arith.constant 16 : index
      %swap3A_172 = tpu.vector_load %arg7[%swap3A_170, %swap3A_171] {strides = array<i32>} : memref<800x64xf32, #tpu.memory_space<vmem>>, vector<1x16xf32>,
      %swap3A_173 = vector.shape_cast %swap3A_172 : vector<1x16xf32> to vector<16xf32>
      %swap3A_174 = vector.shape_cast %mul3A_165 : vector<16xf32> to vector<1x16xf32>
      tpu.vector_store %arg7[%swap3A_170, %swap3A_171], %swap3A_174 {strides = array<i32>} : memref<800x64xf32, #tpu.memory_space<vmem>>, vector<1x16xf32>,
      %mul3A_175 = arith.constant 4 : i32
      %mul3A_176 = arith.muli %scan3A_136, %mul3A_175 : i32
      %add3A_177 = arith.constant 0 : i32
      %add3A_178 = arith.addi %mul3A_176, %add3A_177 : i32
      %get3A_179 = arith.index_cast %add3A_178 : i32 to index
      %get3A_180 = arith.constant 32 : index
      %get3A_181 = tpu.vector_load %arg7[%get3A_179, %get3A_180] {strides = array<i32>} : memref<800x64xf32, #tpu.memory_space<vmem>>, vector<1x16xf32>,
      %get3A_182 = vector.shape_cast %get3A_181 : vector<1x16xf32> to vector<16xf32>
      %mul3A_183 = arith.constant 8.000000e+00 : f32
      %mul3A_184 = vector.broadcast %mul3A_183 : f32 to vector<16xf32>
      %mul3A_185 = arith.mulf %get3A_182, %mul3A_184 : vector<16xf32>
      %mul3A_186 = arith.constant 4 : i32
      %mul3A_187 = arith.muli %scan3A_136, %mul3A_186 : i32
      %add3A_188 = arith.constant 0 : i32
      %add3A_189 = arith.addi %mul3A_187, %add3A_188 : i32
      %swap3A_190 = arith.index_cast %add3A_189 : i32 to index
      %swap3A_191 = arith.constant 32 : index
      %swap3A_192 = tpu.vector_load %arg7[%swap3A_190, %swap3A_191] {strides = array<i32>} : memref<800x64xf32, #tpu.memory_space<vmem>>, vector<1x16xf32>,
      %swap3A_193 = vector.shape_cast %swap3A_192 : vector<1x16xf32> to vector<16xf32>
      %swap3A_194 = vector.shape_cast %mul3A_185 : vector<16xf32> to vector<1x16xf32>
      tpu.vector_store %arg7[%swap3A_190, %swap3A_191], %swap3A_194 {strides = array<i32>} : memref<800x64xf32, #tpu.memory_space<vmem>>, vector<1x16xf32>,
      %mul3A_195 = arith.constant 4 : i32
      %mul3A_196 = arith.muli %scan3A_136, %mul3A_195 : i32
      %add3A_197 = arith.constant 0 : i32
      %add3A_198 = arith.addi %mul3A_196, %add3A_197 : i32
      %get3A_199 = arith.index_cast %add3A_198 : i32 to index
      %get3A_200 = arith.constant 48 : index
      %get3A_201 = tpu.vector_load %arg7[%get3A_199, %get3A_200] {strides = array<i32>} : memref<800x64xf32, #tpu.memory_space<vmem>>, vector<1x16xf32>,
      %get3A_202 = vector.shape_cast %get3A_201 : vector<1x16xf32> to vector<16xf32>
      %mul3A_203 = arith.constant 8.000000e+00 : f32
      %mul3A_204 = vector.broadcast %mul3A_203 : f32 to vector<16xf32>
      %mul3A_205 = arith.mulf %get3A_202, %mul3A_204 : vector<16xf32>
      %mul3A_206 = arith.constant 4 : i32
      %mul3A_207 = arith.muli %scan3A_136, %mul3A_206 : i32
      %add3A_208 = arith.constant 0 : i32
      %add3A_209 = arith.addi %mul3A_207, %add3A_208 : i32
      %swap3A_210 = arith.index_cast %add3A_209 : i32 to index
      %swap3A_211 = arith.constant 48 : index
      %swap3A_212 = tpu.vector_load %arg7[%swap3A_210, %swap3A_211] {strides = array<i32>} : memref<800x64xf32, #tpu.memory_space<vmem>>, vector<1x16xf32>,
      %swap3A_213 = vector.shape_cast %swap3A_212 : vector<1x16xf32> to vector<16xf32>
      %swap3A_214 = vector.shape_cast %mul3A_205 : vector<16xf32> to vector<1x16xf32>
      tpu.vector_store %arg7[%swap3A_210, %swap3A_211], %swap3A_214 {strides = array<i32>} : memref<800x64xf32, #tpu.memory_space<vmem>>, vector<1x16xf32>,
      %mul3A_215 = arith.constant 4 : i32
      %mul3A_216 = arith.muli %scan3A_136, %mul3A_215 : i32
      %add3A_217 = arith.constant 1 : i32
      %add3A_218 = arith.addi %mul3A_216, %add3A_217 : i32
      %get3A_219 = arith.index_cast %add3A_218 : i32 to index
      %get3A_220 = arith.constant 0 : index
      %get3A_221 = tpu.vector_load %arg7[%get3A_219, %get3A_220] {strides = array<i32>} : memref<800x64xf32, #tpu.memory_space<vmem>>, vector<1x16xf32>,
      %get3A_222 = vector.shape_cast %get3A_221 : vector<1x16xf32> to vector<16xf32>
      %mul3A_223 = arith.constant 8.000000e+00 : f32
      %mul3A_224 = vector.broadcast %mul3A_223 : f32 to vector<16xf32>
      %mul3A_225 = arith.mulf %get3A_222, %mul3A_224 : vector<16xf32>
      %mul3A_226 = arith.constant 4 : i32
      %mul3A_227 = arith.muli %scan3A_136, %mul3A_226 : i32
      %add3A_228 = arith.constant 1 : i32
      %add3A_229 = arith.addi %mul3A_227, %add3A_228 : i32
      %swap3A_230 = arith.index_cast %add3A_229 : i32 to index
      %swap3A_231 = arith.constant 0 : index
      %swap3A_232 = tpu.vector_load %arg7[%swap3A_230, %swap3A_231] {strides = array<i32>} : memref<800x64xf32, #tpu.memory_space<vmem>>, vector<1x16xf32>,
      %swap3A_233 = vector.shape_cast %swap3A_232 : vector<1x16xf32> to vector<16xf32>
      %swap3A_234 = vector.shape_cast %mul3A_225 : vector<16xf32> to vector<1x16xf32>
      tpu.vector_store %arg7[%swap3A_230, %swap3A_231], %swap3A_234 {strides = array<i32>} : memref<800x64xf32, #tpu.memory_space<vmem>>, vector<1x16xf32>,
      %mul3A_235 = arith.constant 4 : i32
      %mul3A_236 = arith.muli %scan3A_136, %mul3A_235 : i32
      %add3A_237 = arith.constant 1 : i32
      %add3A_238 = arith.addi %mul3A_236, %add3A_237 : i32
      %get3A_239 = arith.index_cast %add3A_238 : i32 to index
      %get3A_240 = arith.constant 16 : index
      %get3A_241 = tpu.vector_load %arg7[%get3A_239, %get3A_240] {strides = array<i32>} : memref<800x64xf32, #tpu.memory_space<vmem>>, vector<1x16xf32>,
      %get3A_242 = vector.shape_cast %get3A_241 : vector<1x16xf32> to vector<16xf32>
      %mul3A_243 = arith.constant 8.000000e+00 : f32
      %mul3A_244 = vector.broadcast %mul3A_243 : f32 to vector<16xf32>
      %mul3A_245 = arith.mulf %get3A_242, %mul3A_244 : vector<16xf32>
      %mul3A_246 = arith.constant 4 : i32
      %mul3A_247 = arith.muli %scan3A_136, %mul3A_246 : i32
      %add3A_248 = arith.constant 1 : i32
      %add3A_249 = arith.addi %mul3A_247, %add3A_248 : i32
      %swap3A_250 = arith.index_cast %add3A_249 : i32 to index
      %swap3A_251 = arith.constant 16 : index
      %swap3A_252 = tpu.vector_load %arg7[%swap3A_250, %swap3A_251] {strides = array<i32>} : memref<800x64xf32, #tpu.memory_space<vmem>>, vector<1x16xf32>,
      %swap3A_253 = vector.shape_cast %swap3A_252 : vector<1x16xf32> to vector<16xf32>
      %swap3A_254 = vector.shape_cast %mul3A_245 : vector<16xf32> to vector<1x16xf32>
      tpu.vector_store %arg7[%swap3A_250, %swap3A_251], %swap3A_254 {strides = array<i32>} : memref<800x64xf32, #tpu.memory_space<vmem>>, vector<1x16xf32>,
      %mul3A_255 = arith.constant 4 : i32
      %mul3A_256 = arith.muli %scan3A_136, %mul3A_255 : i32
      %add3A_257 = arith.constant 1 : i32
      %add3A_258 = arith.addi %mul3A_256, %add3A_257 : i32
      %get3A_259 = arith.index_cast %add3A_258 : i32 to index
      %get3A_260 = arith.constant 32 : index
      %get3A_261 = tpu.vector_load %arg7[%get3A_259, %get3A_260] {strides = array<i32>} : memref<800x64xf32, #tpu.memory_space<vmem>>, vector<1x16xf32>,
      %get3A_262 = vector.shape_cast %get3A_261 : vector<1x16xf32> to vector<16xf32>
      %mul3A_263 = arith.constant 8.000000e+00 : f32
      %mul3A_264 = vector.broadcast %mul3A_263 : f32 to vector<16xf32>
      %mul3A_265 = arith.mulf %get3A_262, %mul3A_264 : vector<16xf32>
      %mul3A_266 = arith.constant 4 : i32
      %mul3A_267 = arith.muli %scan3A_136, %mul3A_266 : i32
      %add3A_268 = arith.constant 1 : i32
      %add3A_269 = arith.addi %mul3A_267, %add3A_268 : i32
      %swap3A_270 = arith.index_cast %add3A_269 : i32 to index
      %swap3A_271 = arith.constant 32 : index
      %swap3A_272 = tpu.vector_load %arg7[%swap3A_270, %swap3A_271] {strides = array<i32>} : memref<800x64xf32, #tpu.memory_space<vmem>>, vector<1x16xf32>,
      %swap3A_273 = vector.shape_cast %swap3A_272 : vector<1x16xf32> to vector<16xf32>
      %swap3A_274 = vector.shape_cast %mul3A_265 : vector<16xf32> to vector<1x16xf32>
      tpu.vector_store %arg7[%swap3A_270, %swap3A_271], %swap3A_274 {strides = array<i32>} : memref<800x64xf32, #tpu.memory_space<vmem>>, vector<1x16xf32>,
      %mul3A_275 = arith.constant 4 : i32
      %mul3A_276 = arith.muli %scan3A_136, %mul3A_275 : i32
      %add3A_277 = arith.constant 1 : i32
      %add3A_278 = arith.addi %mul3A_276, %add3A_277 : i32
      %get3A_279 = arith.index_cast %add3A_278 : i32 to index
      %get3A_280 = arith.constant 48 : index
      %get3A_281 = tpu.vector_load %arg7[%get3A_279, %get3A_280] {strides = array<i32>} : memref<800x64xf32, #tpu.memory_space<vmem>>, vector<1x16xf32>,
      %get3A_282 = vector.shape_cast %get3A_281 : vector<1x16xf32> to vector<16xf32>
      %mul3A_283 = arith.constant 8.000000e+00 : f32
      %mul3A_284 = vector.broadcast %mul3A_283 : f32 to vector<16xf32>
      %mul3A_285 = arith.mulf %get3A_282, %mul3A_284 : vector<16xf32>
      %mul3A_286 = arith.constant 4 : i32
      %mul3A_287 = arith.muli %scan3A_136, %mul3A_286 : i32
      %add3A_288 = arith.constant 1 : i32
      %add3A_289 = arith.addi %mul3A_287, %add3A_288 : i32
      %swap3A_290 = arith.index_cast %add3A_289 : i32 to index
      %swap3A_291 = arith.constant 48 : index
      %swap3A_292 = tpu.vector_load %arg7[%swap3A_290, %swap3A_291] {strides = array<i32>} : memref<800x64xf32, #tpu.memory_space<vmem>>, vector<1x16xf32>,
      %swap3A_293 = vector.shape_cast %swap3A_292 : vector<1x16xf32> to vector<16xf32>
      %swap3A_294 = vector.shape_cast %mul3A_285 : vector<16xf32> to vector<1x16xf32>
      tpu.vector_store %arg7[%swap3A_290, %swap3A_291], %swap3A_294 {strides = array<i32>} : memref<800x64xf32, #tpu.memory_space<vmem>>, vector<1x16xf32>,
      %mul3A_295 = arith.constant 4 : i32
      %mul3A_296 = arith.muli %scan3A_136, %mul3A_295 : i32
      %add3A_297 = arith.constant 2 : i32
      %add3A_298 = arith.addi %mul3A_296, %add3A_297 : i32
      %get3A_299 = arith.index_cast %add3A_298 : i32 to index
      %get3A_300 = arith.constant 0 : index
      %get3A_301 = tpu.vector_load %arg7[%get3A_299, %get3A_300] {strides = array<i32>} : memref<800x64xf32, #tpu.memory_space<vmem>>, vector<1x16xf32>,
      %get3A_302 = vector.shape_cast %get3A_301 : vector<1x16xf32> to vector<16xf32>
      %mul3A_303 = arith.constant 8.000000e+00 : f32
      %mul3A_304 = vector.broadcast %mul3A_303 : f32 to vector<16xf32>
      %mul3A_305 = arith.mulf %get3A_302, %mul3A_304 : vector<16xf32>
      %mul3A_306 = arith.constant 4 : i32
      %mul3A_307 = arith.muli %scan3A_136, %mul3A_306 : i32
      %add3A_308 = arith.constant 2 : i32
      %add3A_309 = arith.addi %mul3A_307, %add3A_308 : i32
      %swap3A_310 = arith.index_cast %add3A_309 : i32 to index
      %swap3A_311 = arith.constant 0 : index
      %swap3A_312 = tpu.vector_load %arg7[%swap3A_310, %swap3A_311] {strides = array<i32>} : memref<800x64xf32, #tpu.memory_space<vmem>>, vector<1x16xf32>,
      %swap3A_313 = vector.shape_cast %swap3A_312 : vector<1x16xf32> to vector<16xf32>
      %swap3A_314 = vector.shape_cast %mul3A_305 : vector<16xf32> to vector<1x16xf32>
      tpu.vector_store %arg7[%swap3A_310, %swap3A_311], %swap3A_314 {strides = array<i32>} : memref<800x64xf32, #tpu.memory_space<vmem>>, vector<1x16xf32>,
      %mul3A_315 = arith.constant 4 : i32
      %mul3A_316 = arith.muli %scan3A_136, %mul3A_315 : i32
      %add3A_317 = arith.constant 2 : i32
      %add3A_318 = arith.addi %mul3A_316, %add3A_317 : i32
      %get3A_319 = arith.index_cast %add3A_318 : i32 to index
      %get3A_320 = arith.constant 16 : index
      %get3A_321 = tpu.vector_load %arg7[%get3A_319, %get3A_320] {strides = array<i32>} : memref<800x64xf32, #tpu.memory_space<vmem>>, vector<1x16xf32>,
      %get3A_322 = vector.shape_cast %get3A_321 : vector<1x16xf32> to vector<16xf32>
      %mul3A_323 = arith.constant 8.000000e+00 : f32
      %mul3A_324 = vector.broadcast %mul3A_323 : f32 to vector<16xf32>
      %mul3A_325 = arith.mulf %get3A_322, %mul3A_324 : vector<16xf32>
      %mul3A_326 = arith.constant 4 : i32
      %mul3A_327 = arith.muli %scan3A_136, %mul3A_326 : i32
      %add3A_328 = arith.constant 2 : i32
      %add3A_329 = arith.addi %mul3A_327, %add3A_328 : i32
      %swap3A_330 = arith.index_cast %add3A_329 : i32 to index
      %swap3A_331 = arith.constant 16 : index
      %swap3A_332 = tpu.vector_load %arg7[%swap3A_330, %swap3A_331] {strides = array<i32>} : memref<800x64xf32, #tpu.memory_space<vmem>>, vector<1x16xf32>,
      %swap3A_333 = vector.shape_cast %swap3A_332 : vector<1x16xf32> to vector<16xf32>
      %swap3A_334 = vector.shape_cast %mul3A_325 : vector<16xf32> to vector<1x16xf32>
      tpu.vector_store %arg7[%swap3A_330, %swap3A_331], %swap3A_334 {strides = array<i32>} : memref<800x64xf32, #tpu.memory_space<vmem>>, vector<1x16xf32>,
      %mul3A_335 = arith.constant 4 : i32
      %mul3A_336 = arith.muli %scan3A_136, %mul3A_335 : i32
      %add3A_337 = arith.constant 2 : i32
      %add3A_338 = arith.addi %mul3A_336, %add3A_337 : i32
      %get3A_339 = arith.index_cast %add3A_338 : i32 to index
      %get3A_340 = arith.constant 32 : index
      %get3A_341 = tpu.vector_load %arg7[%get3A_339, %get3A_340] {strides = array<i32>} : memref<800x64xf32, #tpu.memory_space<vmem>>, vector<1x16xf32>,
      %get3A_342 = vector.shape_cast %get3A_341 : vector<1x16xf32> to vector<16xf32>
      %mul3A_343 = arith.constant 8.000000e+00 : f32
      %mul3A_344 = vector.broadcast %mul3A_343 : f32 to vector<16xf32>
      %mul3A_345 = arith.mulf %get3A_342, %mul3A_344 : vector<16xf32>
      %mul3A_346 = arith.constant 4 : i32
      %mul3A_347 = arith.muli %scan3A_136, %mul3A_346 : i32
      %add3A_348 = arith.constant 2 : i32
      %add3A_349 = arith.addi %mul3A_347, %add3A_348 : i32
      %swap3A_350 = arith.index_cast %add3A_349 : i32 to index
      %swap3A_351 = arith.constant 32 : index
      %swap3A_352 = tpu.vector_load %arg7[%swap3A_350, %swap3A_351] {strides = array<i32>} : memref<800x64xf32, #tpu.memory_space<vmem>>, vector<1x16xf32>,
      %swap3A_353 = vector.shape_cast %swap3A_352 : vector<1x16xf32> to vector<16xf32>
      %swap3A_354 = vector.shape_cast %mul3A_345 : vector<16xf32> to vector<1x16xf32>
      tpu.vector_store %arg7[%swap3A_350, %swap3A_351], %swap3A_354 {strides = array<i32>} : memref<800x64xf32, #tpu.memory_space<vmem>>, vector<1x16xf32>,
      %mul3A_355 = arith.constant 4 : i32
      %mul3A_356 = arith.muli %scan3A_136, %mul3A_355 : i32
      %add3A_357 = arith.constant 2 : i32
      %add3A_358 = arith.addi %mul3A_356, %add3A_357 : i32
      %get3A_359 = arith.index_cast %add3A_358 : i32 to index
      %get3A_360 = arith.constant 48 : index
      %get3A_361 = tpu.vector_load %arg7[%get3A_359, %get3A_360] {strides = array<i32>} : memref<800x64xf32, #tpu.memory_space<vmem>>, vector<1x16xf32>,
      %get3A_362 = vector.shape_cast %get3A_361 : vector<1x16xf32> to vector<16xf32>
      %mul3A_363 = arith.constant 8.000000e+00 : f32
      %mul3A_364 = vector.broadcast %mul3A_363 : f32 to vector<16xf32>
      %mul3A_365 = arith.mulf %get3A_362, %mul3A_364 : vector<16xf32>
      %mul3A_366 = arith.constant 4 : i32
      %mul3A_367 = arith.muli %scan3A_136, %mul3A_366 : i32
      %add3A_368 = arith.constant 2 : i32
      %add3A_369 = arith.addi %mul3A_367, %add3A_368 : i32
      %swap3A_370 = arith.index_cast %add3A_369 : i32 to index
      %swap3A_371 = arith.constant 48 : index
      %swap3A_372 = tpu.vector_load %arg7[%swap3A_370, %swap3A_371] {strides = array<i32>} : memref<800x64xf32, #tpu.memory_space<vmem>>, vector<1x16xf32>,
      %swap3A_373 = vector.shape_cast %swap3A_372 : vector<1x16xf32> to vector<16xf32>
      %swap3A_374 = vector.shape_cast %mul3A_365 : vector<16xf32> to vector<1x16xf32>
      tpu.vector_store %arg7[%swap3A_370, %swap3A_371], %swap3A_374 {strides = array<i32>} : memref<800x64xf32, #tpu.memory_space<vmem>>, vector<1x16xf32>,
      %mul3A_375 = arith.constant 4 : i32
      %mul3A_376 = arith.muli %scan3A_136, %mul3A_375 : i32
      %add3A_377 = arith.constant 3 : i32
      %add3A_378 = arith.addi %mul3A_376, %add3A_377 : i32
      %get3A_379 = arith.index_cast %add3A_378 : i32 to index
      %get3A_380 = arith.constant 0 : index
      %get3A_381 = tpu.vector_load %arg7[%get3A_379, %get3A_380] {strides = array<i32>} : memref<800x64xf32, #tpu.memory_space<vmem>>, vector<1x16xf32>,
      %get3A_382 = vector.shape_cast %get3A_381 : vector<1x16xf32> to vector<16xf32>
      %mul3A_383 = arith.constant 8.000000e+00 : f32
      %mul3A_384 = vector.broadcast %mul3A_383 : f32 to vector<16xf32>
      %mul3A_385 = arith.mulf %get3A_382, %mul3A_384 : vector<16xf32>
      %mul3A_386 = arith.constant 4 : i32
      %mul3A_387 = arith.muli %scan3A_136, %mul3A_386 : i32
      %add3A_388 = arith.constant 3 : i32
      %add3A_389 = arith.addi %mul3A_387, %add3A_388 : i32
      %swap3A_390 = arith.index_cast %add3A_389 : i32 to index
      %swap3A_391 = arith.constant 0 : index
      %swap3A_392 = tpu.vector_load %arg7[%swap3A_390, %swap3A_391] {strides = array<i32>} : memref<800x64xf32, #tpu.memory_space<vmem>>, vector<1x16xf32>,
      %swap3A_393 = vector.shape_cast %swap3A_392 : vector<1x16xf32> to vector<16xf32>
      %swap3A_394 = vector.shape_cast %mul3A_385 : vector<16xf32> to vector<1x16xf32>
      tpu.vector_store %arg7[%swap3A_390, %swap3A_391], %swap3A_394 {strides = array<i32>} : memref<800x64xf32, #tpu.memory_space<vmem>>, vector<1x16xf32>,
      %mul3A_395 = arith.constant 4 : i32
      %mul3A_396 = arith.muli %scan3A_136, %mul3A_395 : i32
      %add3A_397 = arith.constant 3 : i32
      %add3A_398 = arith.addi %mul3A_396, %add3A_397 : i32
      %get3A_399 = arith.index_cast %add3A_398 : i32 to index
      %get3A_400 = arith.constant 16 : index
      %get3A_401 = tpu.vector_load %arg7[%get3A_399, %get3A_400] {strides = array<i32>} : memref<800x64xf32, #tpu.memory_space<vmem>>, vector<1x16xf32>,
      %get3A_402 = vector.shape_cast %get3A_401 : vector<1x16xf32> to vector<16xf32>
      %mul3A_403 = arith.constant 8.000000e+00 : f32
      %mul3A_404 = vector.broadcast %mul3A_403 : f32 to vector<16xf32>
      %mul3A_405 = arith.mulf %get3A_402, %mul3A_404 : vector<16xf32>
      %mul3A_406 = arith.constant 4 : i32
      %mul3A_407 = arith.muli %scan3A_136, %mul3A_406 : i32
      %add3A_408 = arith.constant 3 : i32
      %add3A_409 = arith.addi %mul3A_407, %add3A_408 : i32
      %swap3A_410 = arith.index_cast %add3A_409 : i32 to index
      %swap3A_411 = arith.constant 16 : index
      %swap3A_412 = tpu.vector_load %arg7[%swap3A_410, %swap3A_411] {strides = array<i32>} : memref<800x64xf32, #tpu.memory_space<vmem>>, vector<1x16xf32>,
      %swap3A_413 = vector.shape_cast %swap3A_412 : vector<1x16xf32> to vector<16xf32>
      %swap3A_414 = vector.shape_cast %mul3A_405 : vector<16xf32> to vector<1x16xf32>
      tpu.vector_store %arg7[%swap3A_410, %swap3A_411], %swap3A_414 {strides = array<i32>} : memref<800x64xf32, #tpu.memory_space<vmem>>, vector<1x16xf32>,
      %mul3A_415 = arith.constant 4 : i32
      %mul3A_416 = arith.muli %scan3A_136, %mul3A_415 : i32
      %add3A_417 = arith.constant 3 : i32
      %add3A_418 = arith.addi %mul3A_416, %add3A_417 : i32
      %get3A_419 = arith.index_cast %add3A_418 : i32 to index
      %get3A_420 = arith.constant 32 : index
      %get3A_421 = tpu.vector_load %arg7[%get3A_419, %get3A_420] {strides = array<i32>} : memref<800x64xf32, #tpu.memory_space<vmem>>, vector<1x16xf32>,
      %get3A_422 = vector.shape_cast %get3A_421 : vector<1x16xf32> to vector<16xf32>
      %mul3A_423 = arith.constant 8.000000e+00 : f32
      %mul3A_424 = vector.broadcast %mul3A_423 : f32 to vector<16xf32>
      %mul3A_425 = arith.mulf %get3A_422, %mul3A_424 : vector<16xf32>
      %mul3A_426 = arith.constant 4 : i32
      %mul3A_427 = arith.muli %scan3A_136, %mul3A_426 : i32
      %add3A_428 = arith.constant 3 : i32
      %add3A_429 = arith.addi %mul3A_427, %add3A_428 : i32
      %swap3A_430 = arith.index_cast %add3A_429 : i32 to index
      %swap3A_431 = arith.constant 32 : index
      %swap3A_432 = tpu.vector_load %arg7[%swap3A_430, %swap3A_431] {strides = array<i32>} : memref<800x64xf32, #tpu.memory_space<vmem>>, vector<1x16xf32>,
      %swap3A_433 = vector.shape_cast %swap3A_432 : vector<1x16xf32> to vector<16xf32>
      %swap3A_434 = vector.shape_cast %mul3A_425 : vector<16xf32> to vector<1x16xf32>
      tpu.vector_store %arg7[%swap3A_430, %swap3A_431], %swap3A_434 {strides = array<i32>} : memref<800x64xf32, #tpu.memory_space<vmem>>, vector<1x16xf32>,
      %mul3A_435 = arith.constant 4 : i32
      %mul3A_436 = arith.muli %scan3A_136, %mul3A_435 : i32
      %add3A_437 = arith.constant 3 : i32
      %add3A_438 = arith.addi %mul3A_436, %add3A_437 : i32
      %get3A_439 = arith.index_cast %add3A_438 : i32 to index
      %get3A_440 = arith.constant 48 : index
      %get3A_441 = tpu.vector_load %arg7[%get3A_439, %get3A_440] {strides = array<i32>} : memref<800x64xf32, #tpu.memory_space<vmem>>, vector<1x16xf32>,
      %get3A_442 = vector.shape_cast %get3A_441 : vector<1x16xf32> to vector<16xf32>
      %mul3A_443 = arith.constant 8.000000e+00 : f32
      %mul3A_444 = vector.broadcast %mul3A_443 : f32 to vector<16xf32>
      %mul3A_445 = arith.mulf %get3A_442, %mul3A_444 : vector<16xf32>
      %mul3A_446 = arith.constant 4 : i32
      %mul3A_447 = arith.muli %scan3A_136, %mul3A_446 : i32
      %add3A_448 = arith.constant 3 : i32
      %add3A_449 = arith.addi %mul3A_447, %add3A_448 : i32
      %swap3A_450 = arith.index_cast %add3A_449 : i32 to index
      %swap3A_451 = arith.constant 48 : index
      %swap3A_452 = tpu.vector_load %arg7[%swap3A_450, %swap3A_451] {strides = array<i32>} : memref<800x64xf32, #tpu.memory_space<vmem>>, vector<1x16xf32>,
      %swap3A_453 = vector.shape_cast %swap3A_452 : vector<1x16xf32> to vector<16xf32>
      %swap3A_454 = vector.shape_cast %mul3A_445 : vector<16xf32> to vector<1x16xf32>
      tpu.vector_store %arg7[%swap3A_450, %swap3A_451], %swap3A_454 {strides = array<i32>} : memref<800x64xf32, #tpu.memory_space<vmem>>, vector<1x16xf32>,
    }
    %scan3A_117 = arith.constant 200 : i32
    %add3A_118 = arith.constant 24800 : i32
    %add3A_119 = arith.addi %mul3A_2, %add3A_118 : i32
    %dma_start3A_120 = arith.constant 0 : i32
    %dma_start3A_121 = tpu.memref_slice %arg4[%add3A_119, %dma_start3A_120] : memref<819200x64xf32, #tpu.memory_space<hbm>> -> memref<800x64xf32, #tpu.memory_space<hbm>>
    %dma_start3A_122 = arith.constant 0 : i32
    %dma_start3A_123 = tpu.memref_slice %arg4[%add3A_119, %dma_start3A_122] : memref<819200x64xf32, #tpu.memory_space<hbm>> -> memref<800x64xf32, #tpu.memory_space<hbm>>
    tpu.enqueue_dma source(%arg7 : memref<800x64xf32, #tpu.memory_space<vmem>>) target(%dma_start3A_123 : memref<800x64xf32, #tpu.memory_space<hbm>>) target_semaphore(%arg11 : memref<!tpu.dma_semaphore, #tpu.memory_space<semaphore_mem>>)
    %dma_wait3A_124 = arith.constant 0 : i32
    %dma_wait3A_125 = arith.constant 0 : i32
    %dma_wait3A_126 = tpu.memref_slice %arg4[%dma_wait3A_124, %dma_wait3A_125] : memref<819200x64xf32, #tpu.memory_space<hbm>> -> memref<800x64xf32, #tpu.memory_space<hbm>>
    %dma_wait3A_127 = arith.constant 0 : i32
    %dma_wait3A_128 = arith.constant 0 : i32
    %dma_wait3A_129 = tpu.memref_slice %arg4[%dma_wait3A_127, %dma_wait3A_128] : memref<819200x64xf32, #tpu.memory_space<hbm>> -> memref<800x64xf32, #tpu.memory_space<hbm>>
    tpu.wait_dma2 semaphore(%arg10 : memref<!tpu.dma_semaphore, #tpu.memory_space<semaphore_mem>>) src(%arg6 : memref<800x64xf32, #tpu.memory_space<vmem>>) dst(%dma_wait3A_129 : memref<800x64xf32, #tpu.memory_space<hbm>>)
    %dma_wait3A_130 = arith.constant 0 : i32
    %dma_wait3A_131 = arith.constant 0 : i32
    %dma_wait3A_132 = tpu.memref_slice %arg4[%dma_wait3A_130, %dma_wait3A_131] : memref<819200x64xf32, #tpu.memory_space<hbm>> -> memref<800x64xf32, #tpu.memory_space<hbm>>
    %dma_wait3A_133 = arith.constant 0 : i32
    %dma_wait3A_134 = arith.constant 0 : i32
    %dma_wait3A_135 = tpu.memref_slice %arg4[%dma_wait3A_133, %dma_wait3A_134] : memref<819200x64xf32, #tpu.memory_space<hbm>> -> memref<800x64xf32, #tpu.memory_space<hbm>>
    tpu.wait_dma2 semaphore(%arg11 : memref<!tpu.dma_semaphore, #tpu.memory_space<semaphore_mem>>) src(%arg7 : memref<800x64xf32, #tpu.memory_space<vmem>>) dst(%dma_wait3A_135 : memref<800x64xf32, #tpu.memory_space<hbm>>)
    return
  }
}

</mosaic_0001>

<sc_bundles>
// kernel: kernel.3.cloned.1.call-start
scs
__scs_entry_jumppad:
0x0: {  	(pc) =	sbr.rel $0x88, $3  }
0x1: {  	(tag) =	ssettag $0x0;
	lr =	simm.s32 $0x1  }
0x2: {  	[smem:$0x3F9F] =	sst lr;
	_ =	strace $0xD0000000  }
0x3: {  	_ = 	snop  }
0x4: {  	_ = 	snop  }
0x5: {  	_ = 	snop  }
0x6: {  	_ = 	snop  }
0x7: {  	_ = 	snop  }
__scs_overlays_trampoline_lowered:
0x8: {  	[smem:$0x3FAE] =	sst s0  }
0x9: {  	[smem:$0x3FAF] =	sst s1  }
0xa: {  	[smem:$0x3FB0] =	sst s2  }
0xb: {  	[smem:$0x3FB1] =	sst s3  }
0xc: {  	[smem:$0x3FB2] =	sst s4  }
0xd: {  	[smem:$0x3FB3] =	sst s5  }
0xe: {  	[smem:$0x3FB4] =	sst s6  }
0xf: {  	[smem:$0x3FB5] =	sst s7  }
0x10: {  	[smem:$0x3FB6] =	sst s8  }
0x11: {  	[smem:$0x3FB7] =	sst s9;
	s0 =	simm.s32 @!p0 $0x0  }
0x12: {  	s1 =	sld [smem:$0x3F9D];
	s0 =	simm.s32 @p0 $0x1  }
0x13: {  	[smem:$0x3FB8] =	sst s0;
	s0 =	simm.s32 @!p1 $0x0  }
0x14: {  	s2 =	sld [smem:$0x3F9C];
	s0 =	simm.s32 @p1 $0x1  }
0x15: {  	[smem:$0x3FB9] =	sst s0;
	s0 =	simm.s32 @!p2 $0x0  }
0x16: {  	s3 =	sld [smem:$0x3FDB];
	s0 =	simm.s32 @p2 $0x1  }
0x17: {  	s4 =	simm.s32 $0x1BF5;
	[smem:$0x3FBB] =	sst s0  }
0x18: {  	s0 =	sld [smem:$0x3F9E];
	_ =	swait.ge [sflag:s4], $0x0  }
0x19: {  	s7 =	sld [smem:$0x3F9F]  }
0x1a: {  	s8 =	sadd.s32 $0xFFFFE003, lr  }
0x1b: {  	s9 =	sadd.s32 $0xFFFFFEF7, lr;
	s5 =	simm.s32 $0xFFFFFFFF;
	p2 =	slt.u32 s8, $0xFFFFF086  }
0x1c: {  	p1 =	slt.u32 s9, $0xF7A;
	s5 =	simm.s32 @!p2 $0x0  }
0x1d: {  	s5 =	simm.s32 @p1 $0x1;
	p0 =	seq.s32 s7, s2  }
0x1e: {  	s7 =	smul.u32 @!p0 $0xF7A, s2;
	p2 =	seq.s32 @!p0 s5, $0x0  }
0x1f: {  	s9 =	smul.u32 $0xF7A, s1;
	s8 =	simm.s32 @!p0 $0x1BF5;
	p2 =	por !p2, p0  }
0x20: {  	[sflag:s8] =	ssyncset.s32 @!p0 $0xFFFFF086;
	s6 =	sadd.s32 @!p0 s3, s7;
	s7 =	simm.s32 @!p0 $0x108  }
0x21: {  	s3 =	sadd.s32 s3, s9;
	s6 =	sadd.s32 @!p0 $0x88, s6;
	s7 =	simm.s32 @p2 $0x1082  }
0x22: {  	[simem:s7], [sflag:s8] =	dma.local @!p0 [hbm:s6], $0xF7A  }
0x23: {  	s9 =	sor.u32 $0xD0000000, s2;
	s6 =	simm.s32 $0x108;
	_ =	swait.ge @!p0 [sflag:s8], $0x0  }
0x24: {  	s3 =	sadd.s32 $0x88, s3;
	s6 =	simm.s32 @!p1 $0x1082;
	[sflag:s4] =	ssyncset.s32 $0xFFFFF086  }
0x25: {  	[simem:s6], [sflag:s4] =	dma.local [hbm:s3], $0xF7A  }
0x26: {  	[smem:$0x3F9F] =	sst s1;
	(tag) =	ssettag s2;
	_ =	strace s9  }
0x27: {  	s1 =	sld [smem:$0x3FAF]  }
0x28: {  	s2 =	sld [smem:$0x3FB0]  }
0x29: {  	s4 =	sld [smem:$0x3FB2]  }
0x2a: {  	p0 =	seq.s32 s5, $0x0;
	s5 =	sld [smem:$0x3FB3]  }
0x2b: {  	s6 =	sld [smem:$0x3FB4]  }
0x2c: {  	s7 =	sld [smem:$0x3FB5]  }
0x2d: {  	s3 =	simm.s32 $0x108;
	s8 =	sld [smem:$0x3FB6]  }
0x2e: {  	s3 =	simm.s32 @!p0 $0x1082;
	s9 =	sld [smem:$0x3FB7]  }
0x2f: {  	lr =	sadd.s32 s0, s3;
	s0 =	sld [smem:$0x3FAE]  }
0x30: {  	s3 =	sld [smem:$0x3FB1]  }
0x31: {  	[smem:$0x3FBA] =	sst s10  }
0x32: {  	s10 =	sld [smem:$0x3FB8];
	_ =	sdelay $0x3  }
0x33: {  	p0 =	seq.s32 s10, $0x1;
	s10 =	sld [smem:$0x3FBA];
	_ =	sdelay $0x3  }
0x34: {  	[smem:$0x3FBA] =	sst s10  }
0x35: {  	s10 =	sld [smem:$0x3FB9];
	_ =	sdelay $0x3  }
0x36: {  	p1 =	seq.s32 s10, $0x1;
	s10 =	sld [smem:$0x3FBA];
	_ =	sdelay $0x3  }
0x37: {  	[smem:$0x3FBA] =	sst s10  }
0x38: {  	s10 =	sld [smem:$0x3FBB]  }
0x39: {  	_ = 	snop;
	(pc) =	sbr.ind lr, $3  }
0x3a: {  	_ = 	snop  }
0x3b: {  	_ = 	snop  }
0x3c: {  	p2 =	seq.s32 s10, $0x1;
	s10 =	sld [smem:$0x3FBA]  }
0x3d: {  	_ =	shalt  }
0x3e: {  	_ =	shalt  }
0x3f: {  	_ =	shalt  }
0x40: {  	_ =	shalt  }
0x41: {  	_ =	shalt  }
0x42: {  	_ =	shalt  }
0x43: {  	_ =	shalt  }
0x44: {  	_ =	shalt  }
0x45: {  	_ =	shalt  }
0x46: {  	_ =	shalt  }
0x47: {  	_ =	shalt  }
0x48: {  	_ =	shalt  }
0x49: {  	_ =	shalt  }
0x4a: {  	_ =	shalt  }
0x4b: {  	_ =	shalt  }
0x4c: {  	_ =	shalt  }
0x4d: {  	_ =	shalt  }
0x4e: {  	_ =	shalt  }
0x4f: {  	_ =	shalt  }
0x50: {  	_ =	shalt  }
0x51: {  	_ =	shalt  }
0x52: {  	_ =	shalt  }
0x53: {  	_ =	shalt  }
0x54: {  	_ =	shalt  }
0x55: {  	_ =	shalt  }
0x56: {  	_ =	shalt  }
0x57: {  	_ =	shalt  }
0x58: {  	_ =	shalt  }
0x59: {  	_ =	shalt  }
0x5a: {  	_ =	shalt  }
0x5b: {  	_ =	shalt  }
0x5c: {  	_ =	shalt  }
0x5d: {  	_ =	shalt  }
0x5e: {  	_ =	shalt  }
0x5f: {  	_ =	shalt  }
0x60: {  	_ =	shalt  }
0x61: {  	_ =	shalt  }
0x62: {  	_ =	shalt  }
0x63: {  	_ =	shalt  }
0x64: {  	_ =	shalt  }
0x65: {  	_ =	shalt  }
0x66: {  	_ =	shalt  }
0x67: {  	_ =	shalt  }
0x68: {  	_ =	shalt  }
0x69: {  	_ =	shalt  }
0x6a: {  	_ =	shalt  }
0x6b: {  	_ =	shalt  }
0x6c: {  	_ =	shalt  }
0x6d: {  	_ =	shalt  }
0x6e: {  	_ =	shalt  }
0x6f: {  	_ =	shalt  }
0x70: {  	_ =	shalt  }
0x71: {  	_ =	shalt  }
0x72: {  	_ =	shalt  }
0x73: {  	_ =	shalt  }
0x74: {  	_ =	shalt  }
0x75: {  	_ =	shalt  }
0x76: {  	_ =	shalt  }
0x77: {  	_ =	shalt  }
0x78: {  	_ =	shalt  }
0x79: {  	_ =	shalt  }
0x7a: {  	_ =	shalt  }
0x7b: {  	_ =	shalt  }
0x7c: {  	_ =	shalt  }
0x7d: {  	_ =	shalt  }
0x7e: {  	_ =	shalt  }
0x7f: {  	_ =	shalt  }
0x80: {  	_ =	shalt  }
0x81: {  	_ =	shalt  }
0x82: {  	_ =	shalt  }
0x83: {  	_ =	shalt  }
0x84: {  	_ =	shalt  }
0x85: {  	_ =	shalt  }
0x86: {  	_ =	shalt  }
0x87: {  	_ =	shalt  }
.Lfunc_end0:
.L_simem_size_0:
called_computation.1_lowered:
.L_overlay_start_0:
0x88: {  	s2 =	sld [smem:$0x3FD9]  }
0x89: {  	s3 =	sld [smem:$0x3FFE];
	_ =	sdelay $0x1  }
0x8a: {  	s1 =	srdreg.scid  }
0x8b: {  	s0 =	sand.u32 $0x1, s1  }
0x8c: {  	s17 =	sshll.u32 s0, $0xA;
	s2 =	sadd.s32 s3, s2  }
0x8d: {  	s2 =	sadd.s32 s2, s17  }
0x8e: {  	[smem:$0x3FC6] =	sst s2  }
0x8f: {  	_ = 	snop  }
0x90: {  	s2 =	sld [smem:$0x3FD0];
	(tm) =	ssettm $0x1  }
0x91: {  	s18 =	sld [smem:$0x3FFB];
	_ =	sdelay $0x3  }
0x92: {  	_ =	strace s18  }
0x93: {  	s3 =	sld [smem:$0x3FFC];
	_ =	sdelay $0x3  }
0x94: {  	_ =	strace s3  }
0x95: {  	s3 =	sld [smem:$0x3FFD];
	_ =	sdelay $0x3  }
0x96: {  	_ =	strace s3  }
0x97: {  	_ =	strace $0x8FFFFFFF  }
0x98: {  	s19 =	sld [smem:$0x3FDB];
	_ =	sdelay $0x1  }
0x99: {  	s4 =	simm.s32 $_scs_section_size  }
0x9a: {  	s5 =	simm.s32 $_size__tile_overlayer_lowered;
	s6 =	simm.s32 $_tile_overlayer_lowered  }
0x9b: {  	s22 =	simm.s32 $0x1BFF;
	s21 =	sshll.u32 s6, $0x1;
	s3 =	sadd.s32 s4, s19  }
0x9c: {  	s7 =	simm.s32 $0x0;
	s20 =	sshll.u32 s5, $0x1;
	s5 =	sadd.s32 s21, s3  }
0x9d: {  	[timem:s7], [sflag:s22] =	dma.local [hbm:s5], s20  }
0x9e: {  	_ =	swait.ge [sflag:s22], s20  }
0x9f: {  	s4 =	ssub.s32 $0x0, s20;
	[sflag:s22] =	ssyncset.done $0x0  }
0xa0: {  	[sflag:s22] =	ssyncadd.s32 s4;
	_ =	sdelay $0x1  }
0xa1: {  	s23 =	simm.s32 $0x1B8B  }
0xa2: {  	_ =	swait.ge [sflag:s23], $0x1  }
0xa3: {  	[sflag:s23] =	ssyncset.done $0x0  }
0xa4: {  	s25 =	simm.s32 $0x1B8E;
	s24 =	sld [smem:$0x3FFE];
	[sflag:s23] =	ssyncadd.s32 $0xFFFFFFFF  }
0xa5: {  	s26 =	simm.s32 $execute0_lowered;
	[smem:$0x3FD2] =	sst s25  }
0xa6: {  	s5 =	sshll.u32 s26, $0x1;
	_ =	strace $0x80000046;
	[dreg:$0x1] =	wrdreg $0xFFFFFFFF  }
0xa7: {  	s28 =	simm.s32 $_size_execute0_lowered;
	s3 =	sadd.s32 s3, s5;
	[dreg:$0x0] =	wrdreg $0x0  }
0xa8: {  	s5 =	sshll.u32 s28, $0x1;
	[dreg:$0x2] =	wrdreg s3  }
0xa9: {  	[dreg:$0x3] =	wrdreg s5  }
0xaa: {  	[dreg:$0x4] =	wrdreg $0xC0  }
0xab: {  	_ =	task [dreg:s7], $0x5FFFF  }
0xac: {  	[dreg:$0x1] =	wrdreg $0xFFFFFFFF  }
0xad: {  	[dreg:$0x0] =	wrdreg $0x60  }
0xae: {  	[dreg:$0x2] =	wrdreg s24  }
0xaf: {  	[dreg:$0x3] =	wrdreg s2  }
0xb0: {  	[dreg:$0x4] =	wrdreg $0x9  }
0xb1: {  	_ =	task.clear_ibuf [dreg:s7], $0x5FFFF;
	_ =	strace $0x90000046  }
0xb2: {  	s29 =	simm.s32 $0x9;
	_ =	strace $0x80000048  }
0xb3: {  	_ =	swait.ge [sflag:s29], $0x1  }
0xb4: {  	[sflag:s29] =	ssyncadd.s32 $0xFFFFFFFF  }
0xb5: {  	_ =	strace $0x90000048  }
0xb6: {  	_ =	sfence  }
0xb7: {  	s30 =	sld [smem:$0x0];
	_ =	sdelay $0x2  }
0xb8: {  	s31 =	sshll.u32 s1, $0xD;
	s1 =	sshrl.u32 s1, $0x2  }
0xb9: {  	s3 =	sand.u32 $0x4000, s31;
	s1 =	sadd.s32 s1, s30  }
0xba: {  	s0 =	sor.u32 s3, s0;
	s1 =	sshll.u32 s1, $0x11  }
0xbb: {  	s0 =	sor.u32 s1, s0  }
0xbc: {  	s0 =	sadd.s32 $0x8F2B, s0  }
0xbd: {  	[sflag:s0] =	ssyncadd.remote.s32 $0x1  }
0xbe: {  	_ =	sfence.sel $0xFFFF  }
0xbf: {  	[dreg:$0x0] =	wrdreg $0xFFFFFFFF;
	(pc) =	sbr.abs _section_cstart, $3  }
0xc0: {  	[dreg:$0x1] =	wrdreg $0xFFFFFFFF  }
0xc1: {  	_ =	task.clear_ibuf [dreg:s7], $0x2FFFF;
	_ =	strace $0x9FFFFFFF  }
0xc2: {  	(tm) =	ssettm $0x7FFFFFFF  }
0xc3: {  	_ =	shalt  }
tec
execute0_lowered:
.L_overlay_start_1:
0x0: {  	(tag) =	ssettag $0x1  }
0x1: {  	s4 =	rddreg [dreg:$0x0]  }
0x2: {  	s1 =	srdreg.scid;
	s0 =	stileid.u32  }
0x3: {  	s2 =	rddreg [dreg:$0x1];
	s3 =	simm.s32 $0x0;
	s12 =	simm.s32 $0x5  }
0x4: {  	s13 =	simm.s32 $0x320;
	s14 =	simm.s32 $0x6400;
	s15 =	simm.s32 $0x12C00  }
0x5: {  	s16 =	simm.s32 $0x1;
	s17 =	simm.s32 $0x3;
	s18 =	simm.s32 $0x640  }
0x6: {  	s19 =	simm.s32 $0x2;
	s5 =	sand.u32 $0x1, s1;
	s6 =	sshll.u32 s0, $0x1  }
0x7: {  	s20 =	simm.s32 $0x4;
	s21 =	simm.s32 $0x60E0;
	s6 =	sor.u32 s5, s6  }
0x8: {  	s22 =	simm.s32 $0x0;
	s1 =	rddreg [dreg:$0x2];
	s7 =	smul.u32 $0xC80, s6  }
0x9: {  	[smem:$0x7FF] =	sst s3;
	s5 =	ssub.s32 $0x2, s5;
	s8 =	smul.u32 $0x190000, s6  }
0xa: {  	_ =	strace $0x80000047;
	s9 =	sshrl.u32 s5, $0x1;
	s10 =	smul.u32 $0x32000, s6  }
0xb: {  	s11 =	ssub.s32 s5, s9;
	s5 =	smul.u32 $0x6400, s6;
	s7 =	sadd.s32 s7, s4  }
0xc: {  	s4 =	sadd.s32 $0xF42E00, s4;
	s8 =	sshrl.u32 s8, $0x3;
	s11 =	smax.u32 s11, $0x1  }
0xd: {  	s6 =	sadd.s32 $0xA00, s7;
	s7 =	sadd.s32 s2, s10;
	s31 =	sadd.s32 s2, s8  }
0xe: {  	s8 =	sadd.s32 $0x1900, s7;
	s9 =	sadd.s32 $0x2EE00, s31;
	s10 =	sadd.s32 $0x30700, s31  }
.LBB2_1:
0xf: {  	[tilespmem:s3], [sflag:$0x5] =	stream.linear.gather [hbm4b:s6+s3], $0x6400, $0x38;
	[tilespmem:$0x1F400] =	vst v63  }
0x10: {  	_ =	swait.ge [sflag:s12], $0x6400  }
0x11: {  	[sflag:s12] =	ssyncset.done $0x0  }
0x12: {  	[sflag:s12] =	ssyncadd.s32 $0xFFFF9C00  }
0x13: {  	[tilespmem:s14], [sflag:$0x1] =	stream.indirect.gather [hbm4b:s4+s13], $0x40, s3, s13, $0xb8;
	[tilespmem:$0x1F400] =	vst v63  }
0x14: {  	_ = 	snop  }
0x15: {  	[tilespmem:s15], [sflag:$0x2] =	stream.indirect.gather [hbm4b:s4+s13], $0x40, s13, s13, $0xb8;
	[tilespmem:$0x1F400] =	vst v63  }
0x16: {  	_ =	swait.ge [sflag:s16], $0xC800  }
0x17: {  	[sflag:s16] =	ssyncset.done $0x0  }
0x18: {  	s23 =	simm.s32 $0x0;
	[sflag:s16] =	ssyncadd.s32 $0xFFFF3800  }
0x19: {  	v0 =	vld [tilespmem:s23+$0x6400]  }
0x1a: {  	v1 =	vld [tilespmem:s23+$0x6410]  }
0x1b: {  	v2 =	vld [tilespmem:s23+$0x6420]  }
0x1c: {  	v3 =	vld [tilespmem:s23+$0x6430]  }
0x1d: {  	v4 =	vld [tilespmem:s23+$0x6440]  }
0x1e: {  	v5 =	vld [tilespmem:s23+$0x6450];
	v0 =	vmul.f32 $8.000000000e+00, v0  }
0x1f: {  	v6 =	vld [tilespmem:s23+$0x6460];
	v1 =	vmul.f32 $8.000000000e+00, v1  }
0x20: {  	v7 =	vld [tilespmem:s23+$0x6470];
	[tilespmem:s23+$0x6400] =	vst v0;
	v0 =	vmul.f32 $8.000000000e+00, v2  }
0x21: {  	v8 =	vld [tilespmem:s23+$0x6480];
	[tilespmem:s23+$0x6410] =	vst v1;
	v1 =	vmul.f32 $8.000000000e+00, v3  }
0x22: {  	v9 =	vld [tilespmem:s23+$0x6490];
	[tilespmem:s23+$0x6420] =	vst v0;
	v0 =	vmul.f32 $8.000000000e+00, v4  }
0x23: {  	v2 =	vmul.f32 $8.000000000e+00, v5;
	[tilespmem:s23+$0x6430] =	vst v1;
	v1 =	vld [tilespmem:s23+$0x64A0]  }
0x24: {  	v3 =	vmul.f32 $8.000000000e+00, v6;
	[tilespmem:s23+$0x6440] =	vst v0;
	v0 =	vld [tilespmem:s23+$0x64B0]  }
0x25: {  	[tilespmem:s23+$0x6450] =	vst v2;
	v2 =	vld [tilespmem:s23+$0x64C0];
	v4 =	vmul.f32 $8.000000000e+00, v7  }
0x26: {  	v6 =	vmul.f32 $8.000000000e+00, v8;
	[tilespmem:s23+$0x6460] =	vst v3;
	v3 =	vld [tilespmem:s23+$0x64D0]  }
0x27: {  	s24 =	simm.s32 $0x400;
	v5 =	vmul.f32 $8.000000000e+00, v9;
	[tilespmem:s23+$0x6470] =	vst v4;
	v4 =	vld [tilespmem:s23+$0x64E0]  }
.LBB2_2:
0x28: {  	s25 =	sshra.s32 s24, $0x2;
	p0 =	sne.s32 s24, $0x31C00;
	[tilespmem:s23+$0x6480] =	vst v6;
	v1 =	vmul.f32 $8.000000000e+00, v1;
	v6 =	vld [tilespmem:s23+$0x64F0]  }
0x29: {  	v7 =	vld [tilespmem:s25+$0x6400];
	[tilespmem:s23+$0x6490] =	vst v5;
	v0 =	vmul.f32 $8.000000000e+00, v0  }
0x2a: {  	v5 =	vld [tilespmem:s25+$0x6410];
	[tilespmem:s23+$0x64A0] =	vst v1;
	v1 =	vmul.f32 $8.000000000e+00, v2  }
0x2b: {  	v2 =	vld [tilespmem:s25+$0x6420];
	[tilespmem:s23+$0x64B0] =	vst v0;
	v0 =	vmul.f32 $8.000000000e+00, v3  }
0x2c: {  	v3 =	vld [tilespmem:s25+$0x6430];
	[tilespmem:s23+$0x64C0] =	vst v1;
	v1 =	vmul.f32 $8.000000000e+00, v4  }
0x2d: {  	v4 =	vld [tilespmem:s25+$0x6440];
	[tilespmem:s23+$0x64D0] =	vst v0;
	v0 =	vmul.f32 $8.000000000e+00, v6  }
0x2e: {  	v6 =	vmul.f32 $8.000000000e+00, v7;
	v7 =	vld [tilespmem:s25+$0x6450];
	[tilespmem:s23+$0x64E0] =	vst v1  }
0x2f: {  	v1 =	vmul.f32 $8.000000000e+00, v5;
	v5 =	vld [tilespmem:s25+$0x6460];
	[tilespmem:s23+$0x64F0] =	vst v0;
	s23 =	smov.u32 s25  }
0x30: {  	[tilespmem:s23+$0x6400] =	vst v6;
	v0 =	vmul.f32 $8.000000000e+00, v2;
	v2 =	vld [tilespmem:s23+$0x6470]  }
0x31: {  	[tilespmem:s23+$0x6410] =	vst v1;
	v1 =	vmul.f32 $8.000000000e+00, v3;
	v3 =	vld [tilespmem:s23+$0x6480]  }
0x32: {  	[tilespmem:s23+$0x6420] =	vst v0;
	v0 =	vmul.f32 $8.000000000e+00, v4;
	v4 =	vld [tilespmem:s23+$0x6490]  }
.Ltmp0:
0x33: {  	[tilespmem:s23+$0x6430] =	vst v1;
	v6 =	vmul.f32 $8.000000000e+00, v7;
	v1 =	vld [tilespmem:s23+$0x64A0];
	(pc) =	sbr.rel @p0 .LBB2_2-.Ltmp0, $4  }
0x34: {  	[tilespmem:s23+$0x6440] =	vst v0;
	v5 =	vmul.f32 $8.000000000e+00, v5;
	v0 =	vld [tilespmem:s23+$0x64B0]  }
0x35: {  	[tilespmem:s23+$0x6450] =	vst v6;
	v7 =	vmul.f32 $8.000000000e+00, v2;
	v2 =	vld [tilespmem:s23+$0x64C0]  }
0x36: {  	[tilespmem:s23+$0x6460] =	vst v5;
	v6 =	vmul.f32 $8.000000000e+00, v3;
	v3 =	vld [tilespmem:s23+$0x64D0]  }
0x37: {  	s24 =	sadd.s32 $0x400, s24;
	[tilespmem:s23+$0x6470] =	vst v7;
	v5 =	vmul.f32 $8.000000000e+00, v4;
	v4 =	vld [tilespmem:s23+$0x64E0]  }
0x38: {  	[tilespmem:s23+$0x6480] =	vst v6;
	v1 =	vmul.f32 $8.000000000e+00, v1;
	v6 =	vld [tilespmem:s23+$0x64F0]  }
0x39: {  	[tilespmem:s23+$0x6490] =	vst v5;
	v0 =	vmul.f32 $8.000000000e+00, v0  }
0x3a: {  	[tilespmem:s23+$0x64A0] =	vst v1;
	v1 =	vmul.f32 $8.000000000e+00, v2  }
0x3b: {  	[tilespmem:s23+$0x64B0] =	vst v0;
	v0 =	vmul.f32 $8.000000000e+00, v3  }
0x3c: {  	[tilespmem:s23+$0x64C0] =	vst v1;
	v1 =	vmul.f32 $8.000000000e+00, v4  }
0x3d: {  	[tilespmem:s23+$0x64D0] =	vst v0;
	v0 =	vmul.f32 $8.000000000e+00, v6  }
0x3e: {  	[tilespmem:s23+$0x64E0] =	vst v1  }
0x3f: {  	s31 =	simm.s32 $0x0;
	[tilespmem:s23+$0x64F0] =	vst v0  }
0x40: {  	[hbm4b:s7+s31] =	stream.linear.scatter [tilespmem:s14], [sflag:$0x3], $0xC800, $0x38;
	[tilespmem:$0x1F400] =	vst v63  }
0x41: {  	_ =	swait.ge [sflag:s17], $0xC800  }
0x42: {  	[sflag:s17] =	ssyncset.done $0x0  }
0x43: {  	[sflag:s17] =	ssyncadd.s32 $0xFFFF3800  }
0x44: {  	[tilespmem:s14], [sflag:$0x1] =	stream.indirect.gather [hbm4b:s4+s13], $0x40, s18, s13, $0xb8;
	[tilespmem:$0x1F400] =	vst v63  }
0x45: {  	_ =	swait.ge [sflag:s19], $0xC800  }
0x46: {  	[sflag:s19] =	ssyncset.done $0x0  }
0x47: {  	s23 =	simm.s32 $0x0;
	[sflag:s19] =	ssyncadd.s32 $0xFFFF3800  }
0x48: {  	v0 =	vld [tilespmem:s23+$0x12C00]  }
0x49: {  	v1 =	vld [tilespmem:s23+$0x12C10]  }
0x4a: {  	v2 =	vld [tilespmem:s23+$0x12C20]  }
0x4b: {  	v3 =	vld [tilespmem:s23+$0x12C30]  }
0x4c: {  	v4 =	vld [tilespmem:s23+$0x12C40]  }
0x4d: {  	v5 =	vld [tilespmem:s23+$0x12C50];
	v0 =	vmul.f32 $8.000000000e+00, v0  }
0x4e: {  	v6 =	vld [tilespmem:s23+$0x12C60];
	v1 =	vmul.f32 $8.000000000e+00, v1  }
0x4f: {  	v7 =	vld [tilespmem:s23+$0x12C70];
	[tilespmem:s23+$0x12C00] =	vst v0;
	v0 =	vmul.f32 $8.000000000e+00, v2  }
0x50: {  	v8 =	vld [tilespmem:s23+$0x12C80];
	[tilespmem:s23+$0x12C10] =	vst v1;
	v1 =	vmul.f32 $8.000000000e+00, v3  }
0x51: {  	v9 =	vld [tilespmem:s23+$0x12C90];
	[tilespmem:s23+$0x12C20] =	vst v0;
	v0 =	vmul.f32 $8.000000000e+00, v4  }
0x52: {  	v2 =	vmul.f32 $8.000000000e+00, v5;
	[tilespmem:s23+$0x12C30] =	vst v1;
	v1 =	vld [tilespmem:s23+$0x12CA0]  }
0x53: {  	v3 =	vmul.f32 $8.000000000e+00, v6;
	[tilespmem:s23+$0x12C40] =	vst v0;
	v0 =	vld [tilespmem:s23+$0x12CB0]  }
0x54: {  	[tilespmem:s23+$0x12C50] =	vst v2;
	v2 =	vld [tilespmem:s23+$0x12CC0];
	v4 =	vmul.f32 $8.000000000e+00, v7  }
0x55: {  	v6 =	vmul.f32 $8.000000000e+00, v8;
	[tilespmem:s23+$0x12C60] =	vst v3;
	v3 =	vld [tilespmem:s23+$0x12CD0]  }
0x56: {  	s24 =	simm.s32 $0x400;
	v5 =	vmul.f32 $8.000000000e+00, v9;
	[tilespmem:s23+$0x12C70] =	vst v4;
	v4 =	vld [tilespmem:s23+$0x12CE0]  }
.LBB2_4:
0x57: {  	s25 =	sshra.s32 s24, $0x2;
	p0 =	sne.s32 s24, $0x31C00;
	[tilespmem:s23+$0x12C80] =	vst v6;
	v1 =	vmul.f32 $8.000000000e+00, v1;
	v6 =	vld [tilespmem:s23+$0x12CF0]  }
0x58: {  	v7 =	vld [tilespmem:s25+$0x12C00];
	[tilespmem:s23+$0x12C90] =	vst v5;
	v0 =	vmul.f32 $8.000000000e+00, v0  }
0x59: {  	v5 =	vld [tilespmem:s25+$0x12C10];
	[tilespmem:s23+$0x12CA0] =	vst v1;
	v1 =	vmul.f32 $8.000000000e+00, v2  }
0x5a: {  	v2 =	vld [tilespmem:s25+$0x12C20];
	[tilespmem:s23+$0x12CB0] =	vst v0;
	v0 =	vmul.f32 $8.000000000e+00, v3  }
0x5b: {  	v3 =	vld [tilespmem:s25+$0x12C30];
	[tilespmem:s23+$0x12CC0] =	vst v1;
	v1 =	vmul.f32 $8.000000000e+00, v4  }
0x5c: {  	v4 =	vld [tilespmem:s25+$0x12C40];
	[tilespmem:s23+$0x12CD0] =	vst v0;
	v0 =	vmul.f32 $8.000000000e+00, v6  }
0x5d: {  	v6 =	vmul.f32 $8.000000000e+00, v7;
	v7 =	vld [tilespmem:s25+$0x12C50];
	[tilespmem:s23+$0x12CE0] =	vst v1  }
0x5e: {  	v1 =	vmul.f32 $8.000000000e+00, v5;
	v5 =	vld [tilespmem:s25+$0x12C60];
	[tilespmem:s23+$0x12CF0] =	vst v0;
	s23 =	smov.u32 s25  }
0x5f: {  	[tilespmem:s23+$0x12C00] =	vst v6;
	v0 =	vmul.f32 $8.000000000e+00, v2;
	v2 =	vld [tilespmem:s23+$0x12C70]  }
0x60: {  	[tilespmem:s23+$0x12C10] =	vst v1;
	v1 =	vmul.f32 $8.000000000e+00, v3;
	v3 =	vld [tilespmem:s23+$0x12C80]  }
0x61: {  	[tilespmem:s23+$0x12C20] =	vst v0;
	v0 =	vmul.f32 $8.000000000e+00, v4;
	v4 =	vld [tilespmem:s23+$0x12C90]  }
.Ltmp1:
0x62: {  	[tilespmem:s23+$0x12C30] =	vst v1;
	v6 =	vmul.f32 $8.000000000e+00, v7;
	v1 =	vld [tilespmem:s23+$0x12CA0];
	(pc) =	sbr.rel @p0 .LBB2_4-.Ltmp1, $4  }
0x63: {  	[tilespmem:s23+$0x12C40] =	vst v0;
	v5 =	vmul.f32 $8.000000000e+00, v5;
	v0 =	vld [tilespmem:s23+$0x12CB0]  }
0x64: {  	[tilespmem:s23+$0x12C50] =	vst v6;
	v7 =	vmul.f32 $8.000000000e+00, v2;
	v2 =	vld [tilespmem:s23+$0x12CC0]  }
0x65: {  	[tilespmem:s23+$0x12C60] =	vst v5;
	v6 =	vmul.f32 $8.000000000e+00, v3;
	v3 =	vld [tilespmem:s23+$0x12CD0]  }
0x66: {  	s24 =	sadd.s32 $0x400, s24;
	[tilespmem:s23+$0x12C70] =	vst v7;
	v5 =	vmul.f32 $8.000000000e+00, v4;
	v4 =	vld [tilespmem:s23+$0x12CE0]  }
0x67: {  	[tilespmem:s23+$0x12C80] =	vst v6;
	v1 =	vmul.f32 $8.000000000e+00, v1;
	v59 =	vld [tilespmem:s23+$0x12CF0]  }
0x68: {  	[tilespmem:s23+$0x12C90] =	vst v5;
	v0 =	vmul.f32 $8.000000000e+00, v0  }
0x69: {  	[tilespmem:s23+$0x12CA0] =	vst v1;
	v60 =	vmul.f32 $8.000000000e+00, v2  }
0x6a: {  	[tilespmem:s23+$0x12CB0] =	vst v0;
	v61 =	vmul.f32 $8.000000000e+00, v3  }
0x6b: {  	[tilespmem:s23+$0x12CC0] =	vst v60;
	v62 =	vmul.f32 $8.000000000e+00, v4  }
0x6c: {  	[tilespmem:s23+$0x12CD0] =	vst v61;
	v63 =	vmul.f32 $8.000000000e+00, v59  }
0x6d: {  	[tilespmem:s23+$0x12CE0] =	vst v62  }
0x6e: {  	[tilespmem:s23+$0x12CF0] =	vst v63;
	s23 =	simm.s32 $0x1  }
0x6f: {  	[hbm4b:s8+s3] =	stream.linear.scatter [tilespmem:s15], [sflag:$0x4], $0xC800, $0x38;
	[tilespmem:$0x1F400] =	vst v63  }
.LBB2_6:
0x70: {  	_ =	swait.ge [sflag:s20], $0xC800;
	s25 =	smul.u32 $0x640, s23  }
0x71: {  	[sflag:s20] =	ssyncset.done $0x0  }
0x72: {  	[sflag:s20] =	ssyncadd.s32 $0xFFFF3800;
	s24 =	sadd.s32 $0x320, s25  }
0x73: {  	[tilespmem:s15], [sflag:$0x2] =	stream.indirect.gather [hbm4b:s4+s13], $0x40, s24, s13, $0xb8;
	[tilespmem:$0x1F400] =	vst v63  }
0x74: {  	_ =	swait.ge [sflag:s16], $0xC800  }
0x75: {  	[sflag:s16] =	ssyncset.done $0x0  }
0x76: {  	s26 =	simm.s32 $0x0;
	[sflag:s16] =	ssyncadd.s32 $0xFFFF3800  }
0x77: {  	v0 =	vld [tilespmem:s26+$0x6400]  }
0x78: {  	v1 =	vld [tilespmem:s26+$0x6410]  }
0x79: {  	v2 =	vld [tilespmem:s26+$0x6420]  }
0x7a: {  	v3 =	vld [tilespmem:s26+$0x6430]  }
0x7b: {  	v4 =	vld [tilespmem:s26+$0x6440]  }
0x7c: {  	v5 =	vld [tilespmem:s26+$0x6450];
	v0 =	vmul.f32 $8.000000000e+00, v0  }
0x7d: {  	v6 =	vld [tilespmem:s26+$0x6460];
	v1 =	vmul.f32 $8.000000000e+00, v1  }
0x7e: {  	v7 =	vld [tilespmem:s26+$0x6470];
	[tilespmem:s26+$0x6400] =	vst v0;
	v0 =	vmul.f32 $8.000000000e+00, v2  }
0x7f: {  	v8 =	vld [tilespmem:s26+$0x6480];
	[tilespmem:s26+$0x6410] =	vst v1;
	v1 =	vmul.f32 $8.000000000e+00, v3  }
0x80: {  	v9 =	vld [tilespmem:s26+$0x6490];
	[tilespmem:s26+$0x6420] =	vst v0;
	v0 =	vmul.f32 $8.000000000e+00, v4  }
0x81: {  	v2 =	vmul.f32 $8.000000000e+00, v5;
	[tilespmem:s26+$0x6430] =	vst v1;
	v1 =	vld [tilespmem:s26+$0x64A0]  }
0x82: {  	v3 =	vmul.f32 $8.000000000e+00, v6;
	[tilespmem:s26+$0x6440] =	vst v0;
	v0 =	vld [tilespmem:s26+$0x64B0]  }
0x83: {  	[tilespmem:s26+$0x6450] =	vst v2;
	v2 =	vld [tilespmem:s26+$0x64C0];
	v4 =	vmul.f32 $8.000000000e+00, v7  }
0x84: {  	v6 =	vmul.f32 $8.000000000e+00, v8;
	[tilespmem:s26+$0x6460] =	vst v3;
	v3 =	vld [tilespmem:s26+$0x64D0]  }
0x85: {  	s28 =	simm.s32 $0x400;
	v5 =	vmul.f32 $8.000000000e+00, v9;
	[tilespmem:s26+$0x6470] =	vst v4;
	v4 =	vld [tilespmem:s26+$0x64E0]  }
.LBB2_7:
0x86: {  	s29 =	sshra.s32 s28, $0x2;
	p0 =	sne.s32 s28, $0x31C00;
	[tilespmem:s26+$0x6480] =	vst v6;
	v1 =	vmul.f32 $8.000000000e+00, v1;
	v6 =	vld [tilespmem:s26+$0x64F0]  }
0x87: {  	v7 =	vld [tilespmem:s29+$0x6400];
	[tilespmem:s26+$0x6490] =	vst v5;
	v0 =	vmul.f32 $8.000000000e+00, v0  }
0x88: {  	v5 =	vld [tilespmem:s29+$0x6410];
	[tilespmem:s26+$0x64A0] =	vst v1;
	v1 =	vmul.f32 $8.000000000e+00, v2  }
0x89: {  	v2 =	vld [tilespmem:s29+$0x6420];
	[tilespmem:s26+$0x64B0] =	vst v0;
	v0 =	vmul.f32 $8.000000000e+00, v3  }
0x8a: {  	v3 =	vld [tilespmem:s29+$0x6430];
	[tilespmem:s26+$0x64C0] =	vst v1;
	v1 =	vmul.f32 $8.000000000e+00, v4  }
0x8b: {  	v4 =	vld [tilespmem:s29+$0x6440];
	[tilespmem:s26+$0x64D0] =	vst v0;
	v0 =	vmul.f32 $8.000000000e+00, v6  }
0x8c: {  	v6 =	vmul.f32 $8.000000000e+00, v7;
	v7 =	vld [tilespmem:s29+$0x6450];
	[tilespmem:s26+$0x64E0] =	vst v1  }
0x8d: {  	v1 =	vmul.f32 $8.000000000e+00, v5;
	v5 =	vld [tilespmem:s29+$0x6460];
	[tilespmem:s26+$0x64F0] =	vst v0;
	s26 =	smov.u32 s29  }
0x8e: {  	[tilespmem:s26+$0x6400] =	vst v6;
	v0 =	vmul.f32 $8.000000000e+00, v2;
	v2 =	vld [tilespmem:s26+$0x6470]  }
0x8f: {  	[tilespmem:s26+$0x6410] =	vst v1;
	v1 =	vmul.f32 $8.000000000e+00, v3;
	v3 =	vld [tilespmem:s26+$0x6480]  }
0x90: {  	[tilespmem:s26+$0x6420] =	vst v0;
	v0 =	vmul.f32 $8.000000000e+00, v4;
	v4 =	vld [tilespmem:s26+$0x6490]  }
.Ltmp2:
0x91: {  	[tilespmem:s26+$0x6430] =	vst v1;
	v6 =	vmul.f32 $8.000000000e+00, v7;
	v1 =	vld [tilespmem:s26+$0x64A0];
	(pc) =	sbr.rel @p0 .LBB2_7-.Ltmp2, $4  }
0x92: {  	[tilespmem:s26+$0x6440] =	vst v0;
	v5 =	vmul.f32 $8.000000000e+00, v5;
	v0 =	vld [tilespmem:s26+$0x64B0]  }
0x93: {  	[tilespmem:s26+$0x6450] =	vst v6;
	v7 =	vmul.f32 $8.000000000e+00, v2;
	v2 =	vld [tilespmem:s26+$0x64C0]  }
0x94: {  	[tilespmem:s26+$0x6460] =	vst v5;
	v6 =	vmul.f32 $8.000000000e+00, v3;
	v3 =	vld [tilespmem:s26+$0x64D0]  }
0x95: {  	s28 =	sadd.s32 $0x400, s28;
	[tilespmem:s26+$0x6470] =	vst v7;
	v5 =	vmul.f32 $8.000000000e+00, v4;
	v4 =	vld [tilespmem:s26+$0x64E0]  }
0x96: {  	[tilespmem:s26+$0x6480] =	vst v6;
	v1 =	vmul.f32 $8.000000000e+00, v1;
	v6 =	vld [tilespmem:s26+$0x64F0]  }
0x97: {  	[tilespmem:s26+$0x6490] =	vst v5;
	v0 =	vmul.f32 $8.000000000e+00, v0  }
0x98: {  	[tilespmem:s26+$0x64A0] =	vst v1;
	v1 =	vmul.f32 $8.000000000e+00, v2  }
0x99: {  	[tilespmem:s26+$0x64B0] =	vst v0;
	v0 =	vmul.f32 $8.000000000e+00, v3  }
0x9a: {  	s25 =	sadd.s32 s5, s25;
	[tilespmem:s26+$0x64C0] =	vst v1;
	v1 =	vmul.f32 $8.000000000e+00, v4  }
0x9b: {  	s25 =	sshll.u32 s25, $0x3;
	[tilespmem:s26+$0x64D0] =	vst v0;
	v0 =	vmul.f32 $8.000000000e+00, v6  }
0x9c: {  	s25 =	sand.u32 $0x1FFFFE00, s25;
	[tilespmem:s26+$0x64E0] =	vst v1  }
0x9d: {  	s30 =	simm.s32 $0x0;
	s31 =	smul.u32 $0x1900, s23;
	s25 =	sadd.s32 s2, s25;
	[tilespmem:s26+$0x64F0] =	vst v0  }
0x9e: {  	[hbm4b:s25+s30] =	stream.linear.scatter [tilespmem:s14], [sflag:$0x3], $0xC800, $0x38;
	[tilespmem:$0x1F400] =	vst v63  }
0x9f: {  	_ =	swait.ge [sflag:s17], $0xC800  }
0xa0: {  	s25 =	sshra.s32 s31, $0x2;
	[sflag:s17] =	ssyncset.done $0x0  }
0xa1: {  	s25 =	sadd.s32 $0x640, s25;
	[sflag:s17] =	ssyncadd.s32 $0xFFFF3800  }
0xa2: {  	[tilespmem:s14], [sflag:$0x1] =	stream.indirect.gather [hbm4b:s4+s13], $0x40, s25, s13, $0xb8;
	[tilespmem:$0x1F400] =	vst v63  }
0xa3: {  	_ =	swait.ge [sflag:s19], $0xC800  }
0xa4: {  	[sflag:s19] =	ssyncset.done $0x0  }
0xa5: {  	s25 =	simm.s32 $0x0;
	[sflag:s19] =	ssyncadd.s32 $0xFFFF3800  }
0xa6: {  	v0 =	vld [tilespmem:s25+$0x12C00]  }
0xa7: {  	v1 =	vld [tilespmem:s25+$0x12C10]  }
0xa8: {  	v2 =	vld [tilespmem:s25+$0x12C20]  }
0xa9: {  	v3 =	vld [tilespmem:s25+$0x12C30]  }
0xaa: {  	v4 =	vld [tilespmem:s25+$0x12C40]  }
0xab: {  	v5 =	vld [tilespmem:s25+$0x12C50];
	v0 =	vmul.f32 $8.000000000e+00, v0  }
0xac: {  	v6 =	vld [tilespmem:s25+$0x12C60];
	v1 =	vmul.f32 $8.000000000e+00, v1  }
0xad: {  	v7 =	vld [tilespmem:s25+$0x12C70];
	[tilespmem:s25+$0x12C00] =	vst v0;
	v0 =	vmul.f32 $8.000000000e+00, v2  }
0xae: {  	v8 =	vld [tilespmem:s25+$0x12C80];
	[tilespmem:s25+$0x12C10] =	vst v1;
	v1 =	vmul.f32 $8.000000000e+00, v3  }
0xaf: {  	v9 =	vld [tilespmem:s25+$0x12C90];
	[tilespmem:s25+$0x12C20] =	vst v0;
	v0 =	vmul.f32 $8.000000000e+00, v4  }
0xb0: {  	v2 =	vmul.f32 $8.000000000e+00, v5;
	[tilespmem:s25+$0x12C30] =	vst v1;
	v1 =	vld [tilespmem:s25+$0x12CA0]  }
0xb1: {  	v3 =	vmul.f32 $8.000000000e+00, v6;
	[tilespmem:s25+$0x12C40] =	vst v0;
	v0 =	vld [tilespmem:s25+$0x12CB0]  }
0xb2: {  	[tilespmem:s25+$0x12C50] =	vst v2;
	v2 =	vld [tilespmem:s25+$0x12CC0];
	v4 =	vmul.f32 $8.000000000e+00, v7  }
0xb3: {  	v6 =	vmul.f32 $8.000000000e+00, v8;
	[tilespmem:s25+$0x12C60] =	vst v3;
	v3 =	vld [tilespmem:s25+$0x12CD0]  }
0xb4: {  	s26 =	simm.s32 $0x400;
	v5 =	vmul.f32 $8.000000000e+00, v9;
	[tilespmem:s25+$0x12C70] =	vst v4;
	v4 =	vld [tilespmem:s25+$0x12CE0]  }
.LBB2_9:
0xb5: {  	s28 =	sshra.s32 s26, $0x2;
	p0 =	sne.s32 s26, $0x31C00;
	[tilespmem:s25+$0x12C80] =	vst v6;
	v1 =	vmul.f32 $8.000000000e+00, v1;
	v6 =	vld [tilespmem:s25+$0x12CF0]  }
0xb6: {  	v7 =	vld [tilespmem:s28+$0x12C00];
	[tilespmem:s25+$0x12C90] =	vst v5;
	v0 =	vmul.f32 $8.000000000e+00, v0  }
0xb7: {  	v5 =	vld [tilespmem:s28+$0x12C10];
	[tilespmem:s25+$0x12CA0] =	vst v1;
	v1 =	vmul.f32 $8.000000000e+00, v2  }
0xb8: {  	v2 =	vld [tilespmem:s28+$0x12C20];
	[tilespmem:s25+$0x12CB0] =	vst v0;
	v0 =	vmul.f32 $8.000000000e+00, v3  }
0xb9: {  	v3 =	vld [tilespmem:s28+$0x12C30];
	[tilespmem:s25+$0x12CC0] =	vst v1;
	v1 =	vmul.f32 $8.000000000e+00, v4  }
0xba: {  	v4 =	vld [tilespmem:s28+$0x12C40];
	[tilespmem:s25+$0x12CD0] =	vst v0;
	v0 =	vmul.f32 $8.000000000e+00, v6  }
0xbb: {  	v6 =	vmul.f32 $8.000000000e+00, v7;
	v7 =	vld [tilespmem:s28+$0x12C50];
	[tilespmem:s25+$0x12CE0] =	vst v1  }
0xbc: {  	v1 =	vmul.f32 $8.000000000e+00, v5;
	v5 =	vld [tilespmem:s28+$0x12C60];
	[tilespmem:s25+$0x12CF0] =	vst v0;
	s25 =	smov.u32 s28  }
0xbd: {  	[tilespmem:s25+$0x12C00] =	vst v6;
	v0 =	vmul.f32 $8.000000000e+00, v2;
	v2 =	vld [tilespmem:s25+$0x12C70]  }
0xbe: {  	[tilespmem:s25+$0x12C10] =	vst v1;
	v1 =	vmul.f32 $8.000000000e+00, v3;
	v3 =	vld [tilespmem:s25+$0x12C80]  }
0xbf: {  	[tilespmem:s25+$0x12C20] =	vst v0;
	v0 =	vmul.f32 $8.000000000e+00, v4;
	v4 =	vld [tilespmem:s25+$0x12C90]  }
.Ltmp3:
0xc0: {  	[tilespmem:s25+$0x12C30] =	vst v1;
	v6 =	vmul.f32 $8.000000000e+00, v7;
	v1 =	vld [tilespmem:s25+$0x12CA0];
	(pc) =	sbr.rel @p0 .LBB2_9-.Ltmp3, $4  }
0xc1: {  	[tilespmem:s25+$0x12C40] =	vst v0;
	v5 =	vmul.f32 $8.000000000e+00, v5;
	v0 =	vld [tilespmem:s25+$0x12CB0]  }
0xc2: {  	[tilespmem:s25+$0x12C50] =	vst v6;
	v7 =	vmul.f32 $8.000000000e+00, v2;
	v2 =	vld [tilespmem:s25+$0x12CC0]  }
0xc3: {  	[tilespmem:s25+$0x12C60] =	vst v5;
	v6 =	vmul.f32 $8.000000000e+00, v3;
	v3 =	vld [tilespmem:s25+$0x12CD0]  }
0xc4: {  	s26 =	sadd.s32 $0x400, s26;
	[tilespmem:s25+$0x12C70] =	vst v7;
	v5 =	vmul.f32 $8.000000000e+00, v4;
	v4 =	vld [tilespmem:s25+$0x12CE0]  }
0xc5: {  	[tilespmem:s25+$0x12C80] =	vst v6;
	v1 =	vmul.f32 $8.000000000e+00, v1;
	v59 =	vld [tilespmem:s25+$0x12CF0]  }
0xc6: {  	[tilespmem:s25+$0x12C90] =	vst v5;
	v0 =	vmul.f32 $8.000000000e+00, v0  }
0xc7: {  	s23 =	sadd.s32 $0x1, s23;
	[tilespmem:s25+$0x12CA0] =	vst v1;
	v60 =	vmul.f32 $8.000000000e+00, v2  }
0xc8: {  	p0 =	sne.s32 s23, $0xF;
	[tilespmem:s25+$0x12CB0] =	vst v0;
	v61 =	vmul.f32 $8.000000000e+00, v3  }
.Ltmp4:
0xc9: {  	s24 =	sadd.s32 s5, s24;
	[tilespmem:s25+$0x12CC0] =	vst v60;
	v62 =	vmul.f32 $8.000000000e+00, v4;
	(pc) =	sbr.rel @p0 .LBB2_6-.Ltmp4, $4  }
0xca: {  	s24 =	sshll.u32 s24, $0x3;
	[tilespmem:s25+$0x12CD0] =	vst v61;
	v63 =	vmul.f32 $8.000000000e+00, v59  }
0xcb: {  	s24 =	sand.u32 $0x1FFFFF00, s24;
	[tilespmem:s25+$0x12CE0] =	vst v62  }
0xcc: {  	s24 =	sadd.s32 s2, s24;
	[tilespmem:s25+$0x12CF0] =	vst v63  }
0xcd: {  	[hbm4b:s24+s3] =	stream.linear.scatter [tilespmem:s15], [sflag:$0x4], $0xC800, $0x38;
	[tilespmem:$0x1F400] =	vst v63  }
0xce: {  	_ =	swait.ge [sflag:s20], $0xC800  }
0xcf: {  	[sflag:s20] =	ssyncset.done $0x0  }
0xd0: {  	[sflag:s20] =	ssyncadd.s32 $0xFFFF3800  }
0xd1: {  	[tilespmem:s15], [sflag:$0x2] =	stream.indirect.gather [hbm4b:s4+s13], $0x40, s21, s13, $0xb8;
	[tilespmem:$0x1F400] =	vst v63  }
0xd2: {  	_ =	swait.ge [sflag:s16], $0xC800  }
0xd3: {  	[sflag:s16] =	ssyncset.done $0x0  }
0xd4: {  	s23 =	simm.s32 $0x0;
	[sflag:s16] =	ssyncadd.s32 $0xFFFF3800  }
0xd5: {  	v0 =	vld [tilespmem:s23+$0x6400]  }
0xd6: {  	v1 =	vld [tilespmem:s23+$0x6410]  }
0xd7: {  	v2 =	vld [tilespmem:s23+$0x6420]  }
0xd8: {  	v3 =	vld [tilespmem:s23+$0x6430]  }
0xd9: {  	v4 =	vld [tilespmem:s23+$0x6440]  }
0xda: {  	v5 =	vld [tilespmem:s23+$0x6450];
	v0 =	vmul.f32 $8.000000000e+00, v0  }
0xdb: {  	v6 =	vld [tilespmem:s23+$0x6460];
	v1 =	vmul.f32 $8.000000000e+00, v1  }
0xdc: {  	v7 =	vld [tilespmem:s23+$0x6470];
	[tilespmem:s23+$0x6400] =	vst v0;
	v0 =	vmul.f32 $8.000000000e+00, v2  }
0xdd: {  	v8 =	vld [tilespmem:s23+$0x6480];
	[tilespmem:s23+$0x6410] =	vst v1;
	v1 =	vmul.f32 $8.000000000e+00, v3  }
0xde: {  	v9 =	vld [tilespmem:s23+$0x6490];
	[tilespmem:s23+$0x6420] =	vst v0;
	v0 =	vmul.f32 $8.000000000e+00, v4  }
0xdf: {  	v2 =	vmul.f32 $8.000000000e+00, v5;
	[tilespmem:s23+$0x6430] =	vst v1;
	v1 =	vld [tilespmem:s23+$0x64A0]  }
0xe0: {  	v3 =	vmul.f32 $8.000000000e+00, v6;
	[tilespmem:s23+$0x6440] =	vst v0;
	v0 =	vld [tilespmem:s23+$0x64B0]  }
0xe1: {  	[tilespmem:s23+$0x6450] =	vst v2;
	v2 =	vld [tilespmem:s23+$0x64C0];
	v4 =	vmul.f32 $8.000000000e+00, v7  }
0xe2: {  	v6 =	vmul.f32 $8.000000000e+00, v8;
	[tilespmem:s23+$0x6460] =	vst v3;
	v3 =	vld [tilespmem:s23+$0x64D0]  }
0xe3: {  	s24 =	simm.s32 $0x400;
	v5 =	vmul.f32 $8.000000000e+00, v9;
	[tilespmem:s23+$0x6470] =	vst v4;
	v4 =	vld [tilespmem:s23+$0x64E0]  }
.LBB2_12:
0xe4: {  	s25 =	sshra.s32 s24, $0x2;
	p0 =	sne.s32 s24, $0x31C00;
	[tilespmem:s23+$0x6480] =	vst v6;
	v1 =	vmul.f32 $8.000000000e+00, v1;
	v6 =	vld [tilespmem:s23+$0x64F0]  }
0xe5: {  	v7 =	vld [tilespmem:s25+$0x6400];
	[tilespmem:s23+$0x6490] =	vst v5;
	v0 =	vmul.f32 $8.000000000e+00, v0  }
0xe6: {  	v5 =	vld [tilespmem:s25+$0x6410];
	[tilespmem:s23+$0x64A0] =	vst v1;
	v1 =	vmul.f32 $8.000000000e+00, v2  }
0xe7: {  	v2 =	vld [tilespmem:s25+$0x6420];
	[tilespmem:s23+$0x64B0] =	vst v0;
	v0 =	vmul.f32 $8.000000000e+00, v3  }
0xe8: {  	v3 =	vld [tilespmem:s25+$0x6430];
	[tilespmem:s23+$0x64C0] =	vst v1;
	v1 =	vmul.f32 $8.000000000e+00, v4  }
0xe9: {  	v4 =	vld [tilespmem:s25+$0x6440];
	[tilespmem:s23+$0x64D0] =	vst v0;
	v0 =	vmul.f32 $8.000000000e+00, v6  }
0xea: {  	v6 =	vmul.f32 $8.000000000e+00, v7;
	v7 =	vld [tilespmem:s25+$0x6450];
	[tilespmem:s23+$0x64E0] =	vst v1  }
0xeb: {  	v1 =	vmul.f32 $8.000000000e+00, v5;
	v5 =	vld [tilespmem:s25+$0x6460];
	[tilespmem:s23+$0x64F0] =	vst v0;
	s23 =	smov.u32 s25  }
0xec: {  	[tilespmem:s23+$0x6400] =	vst v6;
	v0 =	vmul.f32 $8.000000000e+00, v2;
	v2 =	vld [tilespmem:s23+$0x6470]  }
0xed: {  	[tilespmem:s23+$0x6410] =	vst v1;
	v1 =	vmul.f32 $8.000000000e+00, v3;
	v3 =	vld [tilespmem:s23+$0x6480]  }
0xee: {  	[tilespmem:s23+$0x6420] =	vst v0;
	v0 =	vmul.f32 $8.000000000e+00, v4;
	v4 =	vld [tilespmem:s23+$0x6490]  }
.Ltmp5:
0xef: {  	[tilespmem:s23+$0x6430] =	vst v1;
	v6 =	vmul.f32 $8.000000000e+00, v7;
	v1 =	vld [tilespmem:s23+$0x64A0];
	(pc) =	sbr.rel @p0 .LBB2_12-.Ltmp5, $4  }
0xf0: {  	[tilespmem:s23+$0x6440] =	vst v0;
	v5 =	vmul.f32 $8.000000000e+00, v5;
	v0 =	vld [tilespmem:s23+$0x64B0]  }
0xf1: {  	[tilespmem:s23+$0x6450] =	vst v6;
	v7 =	vmul.f32 $8.000000000e+00, v2;
	v2 =	vld [tilespmem:s23+$0x64C0]  }
0xf2: {  	[tilespmem:s23+$0x6460] =	vst v5;
	v6 =	vmul.f32 $8.000000000e+00, v3;
	v3 =	vld [tilespmem:s23+$0x64D0]  }
0xf3: {  	s24 =	sadd.s32 $0x400, s24;
	[tilespmem:s23+$0x6470] =	vst v7;
	v5 =	vmul.f32 $8.000000000e+00, v4;
	v4 =	vld [tilespmem:s23+$0x64E0]  }
0xf4: {  	[tilespmem:s23+$0x6480] =	vst v6;
	v1 =	vmul.f32 $8.000000000e+00, v1;
	v6 =	vld [tilespmem:s23+$0x64F0]  }
0xf5: {  	[tilespmem:s23+$0x6490] =	vst v5;
	v0 =	vmul.f32 $8.000000000e+00, v0  }
0xf6: {  	[tilespmem:s23+$0x64A0] =	vst v1;
	v1 =	vmul.f32 $8.000000000e+00, v2  }
0xf7: {  	[tilespmem:s23+$0x64B0] =	vst v0;
	v0 =	vmul.f32 $8.000000000e+00, v3  }
0xf8: {  	[tilespmem:s23+$0x64C0] =	vst v1;
	v1 =	vmul.f32 $8.000000000e+00, v4  }
0xf9: {  	[tilespmem:s23+$0x64D0] =	vst v0;
	v0 =	vmul.f32 $8.000000000e+00, v6  }
0xfa: {  	[tilespmem:s23+$0x64E0] =	vst v1  }
0xfb: {  	s31 =	simm.s32 $0x0;
	[tilespmem:s23+$0x64F0] =	vst v0  }
0xfc: {  	[hbm4b:s9+s31] =	stream.linear.scatter [tilespmem:s14], [sflag:$0x3], $0xC800, $0x38;
	[tilespmem:$0x1F400] =	vst v63  }
0xfd: {  	_ =	swait.ge [sflag:s19], $0xC800  }
0xfe: {  	[sflag:s19] =	ssyncset.done $0x0  }
0xff: {  	s23 =	simm.s32 $0x0;
	[sflag:s19] =	ssyncadd.s32 $0xFFFF3800  }
0x100: {  	v0 =	vld [tilespmem:s23+$0x12C00]  }
0x101: {  	v1 =	vld [tilespmem:s23+$0x12C10]  }
0x102: {  	v2 =	vld [tilespmem:s23+$0x12C20]  }
0x103: {  	v3 =	vld [tilespmem:s23+$0x12C30]  }
0x104: {  	v4 =	vld [tilespmem:s23+$0x12C40]  }
0x105: {  	v5 =	vld [tilespmem:s23+$0x12C50];
	v0 =	vmul.f32 $8.000000000e+00, v0  }
0x106: {  	v6 =	vld [tilespmem:s23+$0x12C60];
	v1 =	vmul.f32 $8.000000000e+00, v1  }
0x107: {  	v7 =	vld [tilespmem:s23+$0x12C70];
	[tilespmem:s23+$0x12C00] =	vst v0;
	v0 =	vmul.f32 $8.000000000e+00, v2  }
0x108: {  	v8 =	vld [tilespmem:s23+$0x12C80];
	[tilespmem:s23+$0x12C10] =	vst v1;
	v1 =	vmul.f32 $8.000000000e+00, v3  }
0x109: {  	v9 =	vld [tilespmem:s23+$0x12C90];
	[tilespmem:s23+$0x12C20] =	vst v0;
	v0 =	vmul.f32 $8.000000000e+00, v4  }
0x10a: {  	v2 =	vmul.f32 $8.000000000e+00, v5;
	[tilespmem:s23+$0x12C30] =	vst v1;
	v1 =	vld [tilespmem:s23+$0x12CA0]  }
0x10b: {  	v3 =	vmul.f32 $8.000000000e+00, v6;
	[tilespmem:s23+$0x12C40] =	vst v0;
	v0 =	vld [tilespmem:s23+$0x12CB0]  }
0x10c: {  	[tilespmem:s23+$0x12C50] =	vst v2;
	v2 =	vld [tilespmem:s23+$0x12CC0];
	v4 =	vmul.f32 $8.000000000e+00, v7  }
0x10d: {  	v6 =	vmul.f32 $8.000000000e+00, v8;
	[tilespmem:s23+$0x12C60] =	vst v3;
	v3 =	vld [tilespmem:s23+$0x12CD0]  }
0x10e: {  	s24 =	simm.s32 $0x400;
	v5 =	vmul.f32 $8.000000000e+00, v9;
	[tilespmem:s23+$0x12C70] =	vst v4;
	v4 =	vld [tilespmem:s23+$0x12CE0]  }
.LBB2_14:
0x10f: {  	s25 =	sshra.s32 s24, $0x2;
	p0 =	sne.s32 s24, $0x31C00;
	[tilespmem:s23+$0x12C80] =	vst v6;
	v1 =	vmul.f32 $8.000000000e+00, v1;
	v6 =	vld [tilespmem:s23+$0x12CF0]  }
0x110: {  	v7 =	vld [tilespmem:s25+$0x12C00];
	[tilespmem:s23+$0x12C90] =	vst v5;
	v0 =	vmul.f32 $8.000000000e+00, v0  }
0x111: {  	v5 =	vld [tilespmem:s25+$0x12C10];
	[tilespmem:s23+$0x12CA0] =	vst v1;
	v1 =	vmul.f32 $8.000000000e+00, v2  }
0x112: {  	v2 =	vld [tilespmem:s25+$0x12C20];
	[tilespmem:s23+$0x12CB0] =	vst v0;
	v0 =	vmul.f32 $8.000000000e+00, v3  }
0x113: {  	v3 =	vld [tilespmem:s25+$0x12C30];
	[tilespmem:s23+$0x12CC0] =	vst v1;
	v1 =	vmul.f32 $8.000000000e+00, v4  }
0x114: {  	v4 =	vld [tilespmem:s25+$0x12C40];
	[tilespmem:s23+$0x12CD0] =	vst v0;
	v0 =	vmul.f32 $8.000000000e+00, v6  }
0x115: {  	v6 =	vmul.f32 $8.000000000e+00, v7;
	v7 =	vld [tilespmem:s25+$0x12C50];
	[tilespmem:s23+$0x12CE0] =	vst v1  }
0x116: {  	v1 =	vmul.f32 $8.000000000e+00, v5;
	v5 =	vld [tilespmem:s25+$0x12C60];
	[tilespmem:s23+$0x12CF0] =	vst v0;
	s23 =	smov.u32 s25  }
0x117: {  	[tilespmem:s23+$0x12C00] =	vst v6;
	v0 =	vmul.f32 $8.000000000e+00, v2;
	v2 =	vld [tilespmem:s23+$0x12C70]  }
0x118: {  	[tilespmem:s23+$0x12C10] =	vst v1;
	v1 =	vmul.f32 $8.000000000e+00, v3;
	v3 =	vld [tilespmem:s23+$0x12C80]  }
0x119: {  	[tilespmem:s23+$0x12C20] =	vst v0;
	v0 =	vmul.f32 $8.000000000e+00, v4;
	v4 =	vld [tilespmem:s23+$0x12C90]  }
.Ltmp6:
0x11a: {  	[tilespmem:s23+$0x12C30] =	vst v1;
	v6 =	vmul.f32 $8.000000000e+00, v7;
	v1 =	vld [tilespmem:s23+$0x12CA0];
	(pc) =	sbr.rel @p0 .LBB2_14-.Ltmp6, $4  }
0x11b: {  	[tilespmem:s23+$0x12C40] =	vst v0;
	v5 =	vmul.f32 $8.000000000e+00, v5;
	v0 =	vld [tilespmem:s23+$0x12CB0]  }
0x11c: {  	[tilespmem:s23+$0x12C50] =	vst v6;
	v7 =	vmul.f32 $8.000000000e+00, v2;
	v2 =	vld [tilespmem:s23+$0x12CC0]  }
0x11d: {  	[tilespmem:s23+$0x12C60] =	vst v5;
	v6 =	vmul.f32 $8.000000000e+00, v3;
	v3 =	vld [tilespmem:s23+$0x12CD0]  }
0x11e: {  	s24 =	sadd.s32 $0x400, s24;
	[tilespmem:s23+$0x12C70] =	vst v7;
	v5 =	vmul.f32 $8.000000000e+00, v4;
	v4 =	vld [tilespmem:s23+$0x12CE0]  }
0x11f: {  	[tilespmem:s23+$0x12C80] =	vst v6;
	v1 =	vmul.f32 $8.000000000e+00, v1;
	v59 =	vld [tilespmem:s23+$0x12CF0]  }
0x120: {  	[tilespmem:s23+$0x12C90] =	vst v5;
	v0 =	vmul.f32 $8.000000000e+00, v0  }
0x121: {  	[tilespmem:s23+$0x12CA0] =	vst v1;
	v60 =	vmul.f32 $8.000000000e+00, v2  }
0x122: {  	[tilespmem:s23+$0x12CB0] =	vst v0;
	v61 =	vmul.f32 $8.000000000e+00, v3  }
0x123: {  	[tilespmem:s23+$0x12CC0] =	vst v60;
	v62 =	vmul.f32 $8.000000000e+00, v4  }
0x124: {  	[tilespmem:s23+$0x12CD0] =	vst v61;
	v63 =	vmul.f32 $8.000000000e+00, v59  }
0x125: {  	[tilespmem:s23+$0x12CE0] =	vst v62  }
0x126: {  	s22 =	sadd.s32 $0x1, s22;
	[tilespmem:s23+$0x12CF0] =	vst v63  }
0x127: {  	[hbm4b:s10+s3] =	stream.linear.scatter [tilespmem:s15], [sflag:$0x4], $0xC800, $0x38;
	[tilespmem:$0x1F400] =	vst v63  }
0x128: {  	p0 =	sne.s32 s22, s11;
	_ =	swait.ge [sflag:s17], $0xC800  }
.Ltmp7:
0x129: {  	[sflag:s17] =	ssyncset.done $0x0;
	(pc) =	sbr.rel @p0 .LBB2_1-.Ltmp7, $4  }
0x12a: {  	[sflag:s17] =	ssyncadd.s32 $0xFFFF3800  }
0x12b: {  	_ =	swait.ge [sflag:s20], $0xC800  }
0x12c: {  	[sflag:s20] =	ssyncset.done $0x0  }
0x12d: {  	[sflag:s20] =	ssyncadd.s32 $0xFFFF3800  }
0x12e: {  	_ =	sfence.sel $0x180000  }
0x12f: {  	[bflag:$0x0] =	sbarrier.arrive $0xFFFF  }
0x130: {  	p0 =	sne.s32 s0, $0x0;
	_ =	strace $0x90000047  }
0x131: {  	s0 =	sadd.s32 @!p0 $0x100000, s1;
	[bflag:$0x2] =	sbarrier.arrive $0xFFFF  }
0x132: {  	[sflag:s0] =	ssyncadd.tile.s32 @!p0 $0x1;
	_ =	shalt  }
.Lfunc_end2:
_tile_overlayer_lowered:
.L_overlay_start_2:
0x133: {  	(tag) =	ssettag $0x2  }
0x134: {  	s0 =	rddreg [dreg:$0x0];
	s2 =	stileid.u32  }
0x135: {  	s1 =	rddreg [dreg:$0x1];
	p0 =	sne.s32 s2, $0x0  }
0x136: {  	s3 =	rddreg [dreg:$0x2];
	[bflag:$0x3] =	sbarrier.arrive $0xFFFF;
	s2 =	simm.s32 @!p0 $0x1C05  }
0x137: {  	[timem:s3], [sflag:s2] =	dma.local @!p0 [hbm:s0], s1  }
0x138: {  	s0 =	simm.s32 @!p0 $0x5  }
0x139: {  	_ =	swait.ge @!p0 [sflag:s0], s1  }
0x13a: {  	s1 =	ssub.s32 @!p0 $0x0, s1;
	[sflag:s0] =	ssyncset.done @!p0 $0x0  }
0x13b: {  	[sflag:s0] =	ssyncadd.s32 @!p0 s1  }
0x13c: {  	[bflag:$0x3] =	sbarrier.arrive $0xFFFF  }
0x13d: {  	_ =	shalt  }

// kernel: sparse-core-data-format-call.cloned.1.call-start
scs
called_computation_lowered:
.L_overlay_start_0:
0x0: {  	s2 =	sld [smem:$0x3FD9]  }
0x1: {  	s3 =	sld [smem:$0x3FFE];
	_ =	sdelay $0x1  }
0x2: {  	s1 =	srdreg.scid  }
0x3: {  	s0 =	sand.u32 $0x1, s1  }
0x4: {  	s18 =	sshll.u32 s0, $0xA;
	s2 =	sadd.s32 s3, s2  }
0x5: {  	s2 =	sadd.s32 s2, s18  }
0x6: {  	[smem:$0x3FC6] =	sst s2  }
0x7: {  	_ = 	snop  }
0x8: {  	s2 =	sld [smem:$0x3FD0];
	(tm) =	ssettm $0x1  }
0x9: {  	s19 =	sld [smem:$0x3FFB];
	_ =	sdelay $0x3  }
0xa: {  	_ =	strace s19  }
0xb: {  	s3 =	sld [smem:$0x3FFC];
	_ =	sdelay $0x3  }
0xc: {  	_ =	strace s3  }
0xd: {  	s3 =	sld [smem:$0x3FFD];
	_ =	sdelay $0x3  }
0xe: {  	_ =	strace s3  }
0xf: {  	_ =	strace $0x8FFFFFFF  }
0x10: {  	s20 =	sld [smem:$0x3FDB];
	_ =	sdelay $0x1  }
0x11: {  	s4 =	simm.s32 $_scs_section_size  }
0x12: {  	s5 =	simm.s32 $_size__tile_overlayer_lowered;
	s6 =	simm.s32 $_tile_overlayer_lowered  }
0x13: {  	s23 =	simm.s32 $0x1BFF;
	s22 =	sshll.u32 s6, $0x1;
	s3 =	sadd.s32 s4, s20  }
0x14: {  	s7 =	simm.s32 $0x0;
	s21 =	sshll.u32 s5, $0x1;
	s5 =	sadd.s32 s22, s3  }
0x15: {  	[timem:s7], [sflag:s23] =	dma.local [hbm:s5], s21  }
0x16: {  	_ =	swait.ge [sflag:s23], s21  }
0x17: {  	s4 =	ssub.s32 $0x0, s21;
	[sflag:s23] =	ssyncset.done $0x0  }
0x18: {  	[sflag:s23] =	ssyncadd.s32 s4;
	_ =	sdelay $0x1  }
0x19: {  	s24 =	simm.s32 $0x1B8B  }
0x1a: {  	_ =	swait.ge [sflag:s24], $0x1  }
0x1b: {  	[sflag:s24] =	ssyncset.done $0x0  }
0x1c: {  	s26 =	simm.s32 $0x1B8E;
	s25 =	sld [smem:$0x3FFE];
	[sflag:s24] =	ssyncadd.s32 $0xFFFFFFFF  }
0x1d: {  	s27 =	simm.s32 $execute0_lowered;
	[smem:$0x3FD2] =	sst s26  }
0x1e: {  	s5 =	sshll.u32 s27, $0x1;
	_ =	strace $0x80000049;
	[dreg:$0x1] =	wrdreg $0xFFFFFFFF  }
0x1f: {  	s28 =	simm.s32 $_size_execute0_lowered;
	s3 =	sadd.s32 s3, s5;
	[dreg:$0x0] =	wrdreg $0x0  }
0x20: {  	s5 =	sshll.u32 s28, $0x1;
	[dreg:$0x2] =	wrdreg s3  }
0x21: {  	[dreg:$0x3] =	wrdreg s5  }
0x22: {  	[dreg:$0x4] =	wrdreg $0xC0  }
0x23: {  	_ =	task [dreg:s7], $0x5FFFF  }
0x24: {  	[dreg:$0x1] =	wrdreg $0xFFFFFFFF  }
0x25: {  	[dreg:$0x0] =	wrdreg $0x60  }
0x26: {  	[dreg:$0x2] =	wrdreg s25  }
0x27: {  	[dreg:$0x3] =	wrdreg s2  }
0x28: {  	[dreg:$0x4] =	wrdreg $0x9  }
0x29: {  	_ =	task.clear_ibuf [dreg:s7], $0x5FFFF;
	_ =	strace $0x90000049  }
0x2a: {  	s29 =	simm.s32 $0x9;
	_ =	strace $0x8000004B  }
0x2b: {  	_ =	swait.ge [sflag:s29], $0x1  }
0x2c: {  	[sflag:s29] =	ssyncadd.s32 $0xFFFFFFFF  }
0x2d: {  	_ =	strace $0x9000004B  }
0x2e: {  	_ =	sfence  }
0x2f: {  	s30 =	sld [smem:$0x0];
	_ =	sdelay $0x2  }
0x30: {  	s31 =	sshll.u32 s1, $0xD;
	s1 =	sshrl.u32 s1, $0x2  }
0x31: {  	s3 =	sand.u32 $0x4000, s31;
	s1 =	sadd.s32 s1, s30  }
0x32: {  	s0 =	sor.u32 s3, s0;
	s1 =	sshll.u32 s1, $0x11  }
0x33: {  	s0 =	sor.u32 s1, s0  }
0x34: {  	s0 =	sadd.s32 $0x8F2B, s0  }
0x35: {  	[sflag:s0] =	ssyncadd.remote.s32 $0x1  }
0x36: {  	_ =	sfence.sel $0xFFFF  }
0x37: {  	[dreg:$0x0] =	wrdreg $0xFFFFFFFF;
	(pc) =	sbr.abs _section_cstart, $3  }
0x38: {  	[dreg:$0x1] =	wrdreg $0xFFFFFFFF  }
0x39: {  	_ =	task.clear_ibuf [dreg:s7], $0x2FFFF;
	_ =	strace $0x9FFFFFFF  }
0x3a: {  	(tm) =	ssettm $0x7FFFFFFF  }
0x3b: {  	_ =	shalt  }
tec
execute0_lowered:
.L_overlay_start_1:
0x0: {  	(tag) =	ssettag $0x1  }
0x1: {  	s0 =	srdreg.scid  }
0x2: {  	s1 =	sshll.u32 s0, $0x4  }
0x3: {  	s0 =	stileid.u32;
	s1 =	sand.u32 $0x10, s1  }
0x4: {  	s1 =	sor.u32 s0, s1  }
0x5: {  	s6 =	rddreg [dreg:$0x0];
	s4 =	simm.s32 $0x1;
	s2 =	sshll.u32 s1, $0x7  }
0x6: {  	s7 =	simm.s32 $0x2;
	s12 =	simm.s32 $0x0;
	s1 =	ssub.s32 $0x1000, s2  }
0x7: {  	s8 =	simm.s32 $0x8000;
	s13 =	simm.s32 $0x0;
	s3 =	sand.u32 $0xF80, s1  }
0x8: {  	s9 =	simm.s32 $0x0;
	s5 =	sshrl.u32 s1, $0xC;
	p0 =	sne.s32 s3, $0x0  }
.Ltmp0:
0x9: {  	s1 =	rddreg [dreg:$0x2];
	s4 =	simm.s32 @!p0 $0x0;
	(pc) =	sbr.rel .LBB1_1-.Ltmp0, $4  }
0xa: {  	s11 =	simm.s32 $0x0;
	s3 =	rddreg [dreg:$0x1];
	s5 =	sadd.s32 s4, s5  }
0xb: {  	_ =	strace $0x8000004A;
	s4 =	simm.s32 $0x1;
	s5 =	smul.u32 $0xC8, s5  }
0xc: {  	s6 =	sadd.s32 $0xA00, s6;
	s10 =	smov.u32 s2;
	[sflag:s4] =	ssyncpa.u1 $0x0  }
0xd: {  	p0 =	por $0x0, $0x0;
	[sflag:s7] =	ssyncpa.u1 $0x0;
	s7 =	sor.u32 $0x1, s5  }
.LBB1_4:
0xe: {  	s16 =	sshll.u32 s13, $0x3;
	s17 =	sand.u32 $0x78, s13  }
0xf: {  	s30 =	sand.u32 $0x7E00, s13;
	s12 =	sshll.u32 s12, $0xF;
	s16 =	sand.u32 $0xC00, s16  }
0x10: {  	[tilespmem:s15+$0x810 ss:$0x81] =	vst.msk $0xffff, v2;
	s31 =	sand.u32 $0x7, s13;
	s16 =	sor.u32 s17, s16;
	s17 =	sadd.s32 s3, s30  }
0x11: {  	[tilespmem:s15+$0x1020 ss:$0x81] =	vst.msk $0xffff, v0;
	s13 =	sshll.u32 s31, $0x12;
	s12 =	sadd.s32 s12, s17;
	s16 =	sshrl.u32 s16, $0x3  }
0x12: {  	[tilespmem:s15+$0x0 ss:$0x81] =	vst.msk $0xffff, v1;
	s13 =	sor.u32 $0x400, s13;
	s12 =	sadd.s32 s16, s12  }
0x13: {  	[hbm4b:s12+s13] =	stream.strided.scatter [tilespmem:s14], [sflag:$0x2], $0x2000, s8, s13, $0x20;
	[tilespmem:$0x8080] =	vst v63  }
.LBB1_5:
0x14: {  	s14 =	sadd.s32 $0x1, s9  }
0x15: {  	s12 =	sadd.s32 $0x1000, s10;
	s16 =	smov.u32 s10;
	p2 =	sgt.s32 s14, $0xC7  }
0x16: {  	s16 =	smov.u32 @p2 s12  }
0x17: {  	s14 =	simm.s32 @p2 $0x0;
	p2 =	sgt.s32 s16, $0xFFF  }
0x18: {  	s16 =	smov.u32 @p2 s2;
	p2 =	sne.s32 s11, s7  }
.Ltmp1:
0x19: {  	p1 =	slt.u32 s11, $0x2;
	(pc) =	sbr.rel @!p2 .LBB1_6-.Ltmp1, $4  }
0x1a: {  	s15 =	simm.s32 @!p1 $0x2  }
0x1b: {  	s13 =	smov.u32 s10;
	p0 =	por !p0, !p0;
	_ =	swait.ge @!p1 [sflag:s15], $0x2000  }
0x1c: {  	s12 =	smov.u32 s9;
	[sflag:s15] =	ssyncset.done @!p1 $0x0;
	s9 =	smov.u32 s14  }
0x1d: {  	s11 =	sadd.s32 $0x1, s11;
	[sflag:s15] =	ssyncadd.s32 @!p1 $0xFFFFE000;
	s10 =	smov.u32 s16  }
.LBB1_1:
0x1e: {  	p1 =	sge.u32 s11, s5  }
0x1f: {  	s14 =	sand.u32 @!p1 $0x1FFFFFF, s9  }
0x20: {  	s15 =	smulhi.u32 @!p1 $0x147AE15, s14;
	_ =	sdelay $0x1  }
0x21: {  	s15 =	smul.u32 @!p1 $0xC8, s15  }
0x22: {  	s16 =	sxor.u32 @!p1 $0xFFFFFFFF, s11;
	s17 =	smul.u32 @!p1 $0xC80, s10  }
0x23: {  	s31 =	sadd.s32 $0xFFFFFFFF, s11;
	s16 =	sshll.u32 @!p1 s16, $0xD;
	s14 =	ssub.s32 @!p1 s14, s15  }
0x24: {  	s15 =	sand.u32 @!p1 $0x2000, s16;
	s16 =	sadd.s32 @!p1 s6, s17;
	s14 =	sshll.u32 @!p1 s14, $0x4  }
0x25: {  	s17 =	simm.s32 @!p1 $0x6400;
	s14 =	sadd.s32 @!p1 s14, s16;
	s16 =	simm.s32 @!p1 $0x40  }
0x26: {  	[tilespmem:s15], [sflag:$0x1] =	stream.strided.gather @!p1 [hbm4b:s14+s16], $0x2000, s17, s16, $0x38;
	[tilespmem:$0x8080] =	vst v63  }
0x27: {  	p1 =	sge.u32 s31, s5  }
.Ltmp2:
0x28: {  	_ = 	snop;
	(pc) =	sbr.rel @p1 .LBB1_5-.Ltmp2, $1  }
0x29: {  	_ =	sdelay $0x3  }
0x2a: {  	s14 =	simm.s32 $0x1  }
0x2b: {  	_ =	swait.ge [sflag:s4], $0x2000;
	s14 =	simm.s32 @!p0 $0x0  }
0x2c: {  	[sflag:s4] =	ssyncset.done $0x0;
	s15 =	sshll.u32 s14, $0xD  }
0x2d: {  	[sflag:s4] =	ssyncadd.s32 $0xFFFFE000;
	s18 =	sor.u32 $0x20, s15  }
0x2e: {  	s14 =	smul.u32 $0x8100, s14;
	v3 =	vld [tilespmem:s18+$0x10]  }
0x2f: {  	s30 =	sand.u32 $0x1, s11;
	v2 =	vld [tilespmem:s18+$0xFFFFFFF0]  }
0x30: {  	s15 =	smul.u32 $0x8100, s30;
	s14 =	sshrl.u32 s14, $0x2;
	v0 =	vld [tilespmem:s18+$0x0]  }
0x31: {  	v1 =	vld [tilespmem:s18+$0xFFFFFFE0];
	s16 =	sor.u32 $0x4000, s14  }
0x32: {  	s31 =	sshrl.u32 s15, $0x2;
	s15 =	sadd.s32 $0x0, s16  }
0x33: {  	s17 =	simm.s32 $0x4;
	s18 =	sadd.s32 $0x40, s18;
	s14 =	sor.u32 $0x4000, s31;
	[tilespmem:s15+$0x1830 ss:$0x81] =	vst.msk $0xffff, v3  }
.LBB1_3:
0x34: {  	v3 =	vld [tilespmem:s18+$0x10];
	p1 =	sne.s32 s17, $0x1FC;
	[tilespmem:s15+$0x810 ss:$0x81] =	vst.msk $0xffff, v2;
	s19 =	smov.u32 s17;
	s17 =	sadd.s32 $0x4, s17  }
.Ltmp3:
0x35: {  	v2 =	vld [tilespmem:s18+$0xFFFFFFF0];
	[tilespmem:s15+$0x1020 ss:$0x81] =	vst.msk $0xffff, v0;
	(pc) =	sbr.rel @p1 .LBB1_3-.Ltmp3, $4  }
0x36: {  	v0 =	vld [tilespmem:s18+$0x0];
	[tilespmem:s15+$0x0 ss:$0x81] =	vst.msk $0xffff, v1  }
0x37: {  	s15 =	sshra.s32 s19, $0x2;
	v1 =	vld [tilespmem:s18+$0xFFFFFFE0]  }
0x38: {  	s15 =	sadd.s32 s15, s16  }
0x39: {  	s18 =	sadd.s32 $0x40, s18;
	[tilespmem:s15+$0x1830 ss:$0x81] =	vst.msk $0xffff, v3  }
.Ltmp4:
0x3a: {  	_ = 	snop;
	(pc) =	sbr.rel .LBB1_4-.Ltmp4, $1  }
0x3b: {  	_ =	sdelay $0x3  }
.LBB1_6:
0x3c: {  	_ =	sfence.sel $0x180000  }
0x3d: {  	s2 =	simm.s32 $0x1;
	[bflag:$0x0] =	sbarrier.arrive $0xFFFF  }
0x3e: {  	s31 =	simm.s32 $0x2;
	[sflag:s2] =	ssyncpa.u1 $0x1  }
0x3f: {  	[sflag:s31] =	ssyncpa.u1 $0x1  }
0x40: {  	p0 =	sne.s32 s0, $0x0;
	_ =	strace $0x9000004A  }
0x41: {  	s0 =	sadd.s32 @!p0 $0x100000, s1;
	[bflag:$0x2] =	sbarrier.arrive $0xFFFF  }
0x42: {  	[sflag:s0] =	ssyncadd.tile.s32 @!p0 $0x1;
	_ =	shalt  }
.Lfunc_end1:
_tile_overlayer_lowered:
.L_overlay_start_2:
0x43: {  	(tag) =	ssettag $0x2  }
0x44: {  	s0 =	rddreg [dreg:$0x0];
	s2 =	stileid.u32  }
0x45: {  	s1 =	rddreg [dreg:$0x1];
	p0 =	sne.s32 s2, $0x0  }
0x46: {  	s3 =	rddreg [dreg:$0x2];
	[bflag:$0x3] =	sbarrier.arrive $0xFFFF;
	s2 =	simm.s32 @!p0 $0x1C01  }
0x47: {  	[timem:s3], [sflag:s2] =	dma.local @!p0 [hbm:s0], s1  }
0x48: {  	s0 =	simm.s32 @!p0 $0x1  }
0x49: {  	_ =	swait.ge @!p0 [sflag:s0], s1  }
0x4a: {  	s1 =	ssub.s32 @!p0 $0x0, s1;
	[sflag:s0] =	ssyncset.done @!p0 $0x0  }
0x4b: {  	[sflag:s0] =	ssyncadd.s32 @!p0 s1  }
0x4c: {  	[bflag:$0x3] =	sbarrier.arrive $0xFFFF  }
0x4d: {  	_ =	shalt  }

</sc_bundles>
